<compile_context>
chip_gen: v7x
topology: tpu7x:2x2x1
jax: 0.10.2.dev20260603
libtpu: 0.0.44.dev20260713+nightly
codegen_flags: <defaults>
</compile_context>

<pallas_src>
import functools

import numpy as _np

import jax
import jax.numpy as jnp
from jax import lax
from jax.experimental import pallas as pl
from jax.experimental.pallas import tpu as pltpu
import jax.experimental.pallas.tpu_sc as plsc

N = 10000
DIN = 128
HID = 16
HEADS = 8
HC = HID * HEADS
NPAD = 10240
NC = 2
NS = 16
NW = NC * NS
K = 48
BLK = 1024
GRID = NPAD // BLK

_f32 = jnp.float32



def _bsplit(a):
    u = jax.lax.bitcast_convert_type(a, jnp.uint32)
    hi = jax.lax.bitcast_convert_type(u & jnp.uint32(0xFFFF0000), _f32)
    lo = a - hi
    return hi.astype(jnp.bfloat16), lo.astype(jnp.bfloat16)


def _dot2e(a, b):
    ah, al = _bsplit(a)
    bb = b.astype(jnp.bfloat16)
    return (jnp.dot(ah, bb, preferred_element_type=_f32)
            + jnp.dot(al, bb, preferred_element_type=_f32))


def _prep0_body(x_ref, wl_ref, wr_ref, sa_ref, xl_ref, xr_ref, pb_ref, qb_ref):
    h = x_ref[...]
    xl = jnp.dot(h, wl_ref[...], preferred_element_type=_f32)
    xl_ref[...] = xl
    pb_ref[...] = jnp.dot(jnp.abs(xl), sa_ref[...], preferred_element_type=_f32)
    xr = jnp.dot(h, wr_ref[...], preferred_element_type=_f32)
    xr_ref[...] = xr
    qb_ref[...] = jnp.dot(jnp.abs(xr), sa_ref[...], preferred_element_type=_f32)


def _prep_body(acc_ref, den_ref, b_ref, wl_ref, wr_ref, sa_ref, s8_ref,
               xl_ref, xr_ref, pb_ref, qb_ref):
    feat = acc_ref[0] + acc_ref[1]
    den = jnp.sum(den_ref[...], axis=0)
    denb = _dot2e(den, s8_ref[...])
    h = feat / jnp.maximum(denb, 1e-30) + b_ref[...]
    h = jnp.where(h > 0, h, jnp.exp(h) - 1.0)
    xl = jnp.dot(h, wl_ref[...], preferred_element_type=_f32)
    xl_ref[...] = xl
    pb_ref[...] = jnp.dot(jnp.abs(xl), sa_ref[...], preferred_element_type=_f32)
    xr = jnp.dot(h, wr_ref[...], preferred_element_type=_f32)
    xr_ref[...] = xr
    qb_ref[...] = jnp.dot(jnp.abs(xr), sa_ref[...], preferred_element_type=_f32)


def _final_body(acc_ref, den_ref, s8_ref, m_ref, b2_ref, wp1_ref, bp1_ref,
                wp2_ref, bp2_ref, ws1_ref, bs1_ref, ws2_ref, bs2_ref,
                pam_ref, sur_ref):
    feat = acc_ref[0] + acc_ref[1]
    den = jnp.sum(den_ref[...], axis=0)
    denb = _dot2e(den, s8_ref[...])
    hn = feat / jnp.maximum(denb, 1e-30)
    h3 = _dot2e(hn, m_ref[...]) + b2_ref[...]
    r1 = jnp.maximum(jnp.dot(h3, wp1_ref[...], preferred_element_type=_f32) + bp1_ref[...], 0.0)
    pam_ref[...] = jnp.dot(r1, wp2_ref[...], preferred_element_type=_f32) + bp2_ref[...]
    r2 = jnp.maximum(jnp.dot(h3, ws1_ref[...], preferred_element_type=_f32) + bs1_ref[...], 0.0)
    sur_ref[...] = jnp.dot(r2, ws2_ref[...], preferred_element_type=_f32) + bs2_ref[...]


def _row_spec(cols):
    return pl.BlockSpec((BLK, cols), lambda i: (i, 0))


def _full_spec(shape):
    return pl.BlockSpec(shape, lambda i: tuple(0 for _ in shape))


_ACC_SPEC = pl.BlockSpec((NC, BLK, HC), lambda i: (0, i, 0))
_DEN_SPEC = pl.BlockSpec((NC, BLK, HEADS), lambda i: (0, i, 0))
_PREP_OUT_SPECS = [_row_spec(HC), _row_spec(HC), _row_spec(HEADS), _row_spec(HEADS)]
_PREP_OUT_SHAPE = [jax.ShapeDtypeStruct((NPAD, HC), _f32),
                   jax.ShapeDtypeStruct((NPAD, HC), _f32),
                   jax.ShapeDtypeStruct((NPAD, HEADS), _f32),
                   jax.ShapeDtypeStruct((NPAD, HEADS), _f32)]


def _tc_prep0(xp, wl, wr, sa):
    return pl.pallas_call(
        _prep0_body,
        grid=(GRID,),
        in_specs=[_row_spec(DIN), _full_spec((DIN, HC)), _full_spec((DIN, HC)),
                  _full_spec((HC, HEADS))],
        out_specs=_PREP_OUT_SPECS,
        out_shape=_PREP_OUT_SHAPE,
    )(xp, wl, wr, sa)


def _tc_prep(acc, den, b2d, wl, wr, sa, s8):
    return pl.pallas_call(
        _prep_body,
        grid=(GRID,),
        in_specs=[_ACC_SPEC, _DEN_SPEC,
                  _full_spec((1, HC)), _full_spec((HC, HC)), _full_spec((HC, HC)),
                  _full_spec((HC, HEADS)), _full_spec((HEADS, HC))],
        out_specs=_PREP_OUT_SPECS,
        out_shape=_PREP_OUT_SHAPE,
    )(acc, den, b2d, wl, wr, sa, s8)


def _tc_final(acc, den, s8, m, b2, wp1, bp1, wp2, bp2, ws1, bs1, ws2, bs2):
    return pl.pallas_call(
        _final_body,
        grid=(GRID,),
        in_specs=[_ACC_SPEC, _DEN_SPEC,
                  _full_spec((HEADS, HC)), _full_spec((HC, HID)), _full_spec((1, HID)),
                  _full_spec((HID, HID // 2)), _full_spec((1, HID // 2)),
                  _full_spec((HID // 2, 4)), _full_spec((1, 4)),
                  _full_spec((HID, HID // 2)), _full_spec((1, HID // 2)),
                  _full_spec((HID // 2, 1)), _full_spec((1, 1))],
        out_specs=[_row_spec(4), _row_spec(1)],
        out_shape=[jax.ShapeDtypeStruct((NPAD, 4), _f32),
                   jax.ShapeDtypeStruct((NPAD, 1), _f32)],
    )(acc, den, s8, m, b2, wp1, bp1, wp2, bp2, ws1, bs1, ws2, bs2)



NG = NPAD // 16


def _sc_edge_body(nblk, ea, xl_hbm, xr_hbm, a_hbm, cg_hbm, src_hbm, dst_hbm, z_hbm,
                  accf_hbm, den_hbm,
                  sidx0, didx0, xlg0, xrg0,
                  sidx1, didx1, xlg1, xrg1,
                  orows, od, d16, av, cgv, semA, semB, acc, accd):
    c = lax.axis_index("c")
    s = lax.axis_index("s")
    wid = s * NC + c
    rows_per_sub = NPAD // NS
    grows_per_sub = NG // NS

    pltpu.sync_copy(z_hbm, acc.at[pl.ds(s * rows_per_sub, rows_per_sub)])
    pltpu.sync_copy(z_hbm.at[pl.ds(0, grows_per_sub)],
                    accd.at[pl.ds(s * grows_per_sub, grows_per_sub)])
    pltpu.sync_copy(a_hbm, av)
    pltpu.sync_copy(cg_hbm, cgv)
    plsc.subcore_barrier()

    lanes = lax.iota(jnp.int32, 16)
    lanes_f = lanes.astype(_f32)
    onehots = []
    for h in range(HEADS):
        dh = lanes_f - float(h)
        onehots.append(jnp.maximum(1.0 - dh * dh, 0.0))

    sets = [(sidx0, didx0, xlg0, xrg0, semA),
            (sidx1, didx1, xlg1, xrg1, semB)]

    def fetch(b, st):
        sidx, didx, xlg, xrg, sem = st
        base = wid * ea + b * K
        pltpu.sync_copy(src_hbm.at[pl.ds(base, K)], sidx)
        pltpu.sync_copy(dst_hbm.at[pl.ds(base, K)], didx)
        pltpu.async_copy(xl_hbm.at[sidx], xlg, sem)
        pltpu.async_copy(xr_hbm.at[didx], xrg, sem)

    def drain(st):
        _, _, xlg, xrg, sem = st
        pltpu.make_async_copy(xl_hbm.at[pl.ds(0, K)], xlg, sem).wait()
        pltpu.make_async_copy(xr_hbm.at[pl.ds(0, K)], xrg, sem).wait()

    def compute(st):
        _, didx, xlg, xrg, _ = st
        for j in range(K // 16):
            d16[pl.ds(j * 16, 16)] = jnp.right_shift(didx[pl.ds(j * 16, 16)], 4)

        def edge_body(e, carry2):
            pacc = jnp.zeros((16,), _f32)
            for h in range(HEADS):
                xlv = xlg[e, pl.ds(h * HID, HID)]
                xrv = xrg[e, pl.ds(h * HID, HID)]
                v = xlv + xrv
                v = jnp.maximum(v, 0.2 * v)
                t = v * av[h]
                for k in (1, 2, 4, 8):
                    t = t + t.at[lanes ^ k].get(mode="promise_in_bounds")
                pv = jnp.exp(t - cgv[h])
                orows[e, pl.ds(h * HID, HID)] = pv * xlv
                pacc = pacc + pv * onehots[h]
            eb = (e // 16) * 16
            dchunk = didx[pl.ds(eb, 16)]
            dsplat = dchunk.at[jnp.full((16,), e - eb, jnp.int32)].get(
                mode="promise_in_bounds")
            s16 = dsplat & 15
            m = (s16 & 1).astype(_f32)
            rot8 = pacc.at[lanes ^ 8].get(mode="promise_in_bounds")
            rot = pacc + m * (rot8 - pacc)
            qf = (s16 >> 1).astype(_f32)
            for j in range(8):
                dj = qf - float(j)
                mj = jnp.maximum(1.0 - dj * dj, 0.0)
                od[e, pl.ds(j * 16, 16)] = rot * mj
            return carry2


    fetch(0, sets[0])

    def pair_body(i, carry):
        for j in (0, 1):
            b = 2 * i + j
            fetch(b + 1, sets[1 - j])
            drain(sets[j])
            compute(sets[j])
        return carry

    lax.fori_loop(0, nblk // 2, pair_body, 0)
    drain(sets[0])
    plsc.subcore_barrier()
    pltpu.sync_copy(acc.at[pl.ds(s * rows_per_sub, rows_per_sub)],
                    accf_hbm.at[c, pl.ds(s * rows_per_sub, rows_per_sub)])
    pltpu.sync_copy(accd.at[pl.ds(s * grows_per_sub, grows_per_sub)],
                    den_hbm.at[c, pl.ds(s * grows_per_sub, grows_per_sub)])


def _sc_edge(xl, xr, a, cgb, srcm, dstm, zrows, nblk):
    ea = srcm.shape[0] // NW
    srcm = srcm
    mesh = plsc.VectorSubcoreMesh(core_axis_name="c", subcore_axis_name="s")
    f = pl.kernel(
        functools.partial(_sc_edge_body, nblk, ea),
        out_type=(jax.ShapeDtypeStruct((NC, NPAD, HC), _f32),
                  jax.ShapeDtypeStruct((NC, NG, HC), _f32)),
        mesh=mesh,
        scratch_types=(
            [pltpu.VMEM((K,), jnp.int32)] * 2
            + [pltpu.VMEM((K, HC), _f32)] * 2
            + [pltpu.VMEM((K,), jnp.int32)] * 2
            + [pltpu.VMEM((K, HC), _f32)] * 2
            + [pltpu.VMEM((K, HC), _f32)] * 2
            + [pltpu.VMEM((K,), jnp.int32)]
            + [pltpu.VMEM((HEADS, HID), _f32)] * 2
            + [pltpu.SemaphoreType.DMA, pltpu.SemaphoreType.DMA]
            + [pltpu.VMEM_SHARED((NPAD, HC), _f32),
               pltpu.VMEM_SHARED((NG, HC), _f32)]
        ),
    )
    return f(xl, xr, a, cgb, srcm, dstm, zrows)



def _blockdiag_absa(a):
    return (jnp.abs(a)[:, :, None] * jnp.eye(HEADS, dtype=_f32)[:, None, :]).reshape(HC, HEADS)


def kernel(x, edge_index, Wl0, Wr0, a0, b0, Wl1, Wr1, a1, b1, Wl2, Wr2, a2, b2,
           Wp1, bp1, Wp2, bp2, Ws1, bs1, Ws2, bs2):
    n = x.shape[0]
    e = edge_index.shape[1]
    etot = e + n
    ept = ((etot + NW * 2 * K - 1) // (NW * 2 * K)) * 2 * K
    epad = ept * NW
    nblk = ept // K

    loop = jnp.arange(n, dtype=edge_index.dtype)
    fill_src = jnp.zeros((epad - etot,), edge_index.dtype)
    fill_dst = jnp.full((epad - etot,), NPAD - 2, edge_index.dtype)
    xtr = ((ept + K + 127) // 128) * 128 - ept
    xtr_src = jnp.zeros((NW, xtr), edge_index.dtype)
    xtr_dst = jnp.full((NW, xtr), NPAD - 2, edge_index.dtype)
    src = jnp.concatenate(
        [jnp.concatenate([edge_index[0], loop, fill_src]).reshape(NW, ept), xtr_src],
        axis=1).reshape(-1)
    dst = jnp.concatenate(
        [jnp.concatenate([edge_index[1], loop, fill_dst]).reshape(NW, ept), xtr_dst],
        axis=1).reshape(-1)

    xp = jnp.pad(x, ((0, NPAD - n), (0, 0)))
    zrows = jnp.zeros((NPAD // NS, HC), _f32)
    s8 = jnp.kron(jnp.eye(HEADS, dtype=_f32), jnp.ones((1, HID), _f32))
    m = jnp.kron(jnp.ones((HEADS, 1), _f32), jnp.eye(HID, dtype=_f32)) / HEADS

    def cg_of(pb, qb):
        c = jnp.max(pb, axis=0) + jnp.max(qb, axis=0)
        return jnp.broadcast_to(c[:, None], (HEADS, HID)).astype(_f32)

    xl, xr, pb, qb = _tc_prep0(xp, Wl0, Wr0, _blockdiag_absa(a0))
    acc, den = _sc_edge(xl, xr, a0, cg_of(pb, qb), src, dst, zrows, nblk)
    den = den.reshape(NC, NPAD, HEADS)
    xl, xr, pb, qb = _tc_prep(acc, den, b0.reshape(1, HC), Wl1, Wr1,
                              _blockdiag_absa(a1), s8)
    acc, den = _sc_edge(xl, xr, a1, cg_of(pb, qb), src, dst, zrows, nblk)
    den = den.reshape(NC, NPAD, HEADS)
    xl, xr, pb, qb = _tc_prep(acc, den, b1.reshape(1, HC), Wl2, Wr2,
                              _blockdiag_absa(a2), s8)
    acc, den = _sc_edge(xl, xr, a2, cg_of(pb, qb), src, dst, zrows, nblk)
    den = den.reshape(NC, NPAD, HEADS)
    pam, sur = _tc_final(acc, den, s8, m, b2.reshape(1, HID),
                         Wp1, bp1.reshape(1, HID // 2), Wp2, bp2.reshape(1, 4),
                         Ws1, bs1.reshape(1, HID // 2), Ws2, bs2.reshape(1, 1))
    return (pam[:n], sur[:n])

# --- scband reference (transcript-rebuilt; emitter-appended) ---
"""Pipeline reference for scband-multi-modal-gat-69784628625410 (READ-ONLY COPY).

The authoritative reference and input builder live on the scoring server;
editing this copy changes nothing except your own understanding.
"""

import jax, jax.numpy as jnp
import numpy as np

N = 10000
E = 320000
D_IN = 128
HID = 16
HEADS = 8
OUT = 4
HC = HID * HEADS


def _glorot(key, shape):
    fan_in = shape[0]
    return jax.random.normal(key, shape, dtype=jnp.float32) * (1.0 / np.sqrt(fan_in))


def setup_inputs(seed: int = 0) -> dict:
    key = jax.random.key(seed)
    ks = jax.random.split(key, 32)
    inp = {}
    inp["x"] = jax.random.normal(ks[0], (N, D_IN), dtype=jnp.float32)
    inp["edge_index"] = jax.random.randint(ks[1], (2, E), 0, N, dtype=jnp.int32)
    # GATv2 layer 0: D_IN -> HID per head, 8 heads, concat
    inp["Wl0"] = _glorot(ks[2], (D_IN, HC)); inp["Wr0"] = _glorot(ks[3], (D_IN, HC))
    inp["a0"] = _glorot(ks[4], (HEADS, HID)); inp["b0"] = jnp.zeros((HC,), jnp.float32)
    # GATv2 layer 1: HC -> HID per head, concat
    inp["Wl1"] = _glorot(ks[5], (HC, HC)); inp["Wr1"] = _glorot(ks[6], (HC, HC))
    inp["a1"] = _glorot(ks[7], (HEADS, HID)); inp["b1"] = jnp.zeros((HC,), jnp.float32)
    # GATv2 layer 2: HC -> HID per head, mean over heads (concat=False)
    inp["Wl2"] = _glorot(ks[8], (HC, HC)); inp["Wr2"] = _glorot(ks[9], (HC, HC))
    inp["a2"] = _glorot(ks[10], (HEADS, HID)); inp["b2"] = jnp.zeros((HID,), jnp.float32)
    # pam50 classifier MLP
    inp["Wp1"] = _glorot(ks[11], (HID, HID // 2)); inp["bp1"] = jnp.zeros((HID // 2,), jnp.float32)
    inp["Wp2"] = _glorot(ks[12], (HID // 2, OUT)); inp["bp2"] = jnp.zeros((OUT,), jnp.float32)
    # survival predictor MLP
    inp["Ws1"] = _glorot(ks[13], (HID, HID // 2)); inp["bs1"] = jnp.zeros((HID // 2,), jnp.float32)
    inp["Ws2"] = _glorot(ks[14], (HID // 2, 1)); inp["bs2"] = jnp.zeros((1,), jnp.float32)
    return inp


def _gatv2(x, src, dst, Wl, Wr, a, b, concat):
    n = x.shape[0]
    H, C = a.shape
    xl = (x @ Wl).reshape(n, H, C)
    xr = (x @ Wr).reshape(n, H, C)
    e = jax.nn.leaky_relu(xl[src] + xr[dst], negative_slope=0.2)
    logits = jnp.sum(e * a[None, :, :], axis=-1)  # [E, H]
    m = jax.ops.segment_max(logits, dst, num_segments=n)
    p = jnp.exp(logits - m[dst])
    denom = jax.ops.segment_sum(p, dst, num_segments=n)
    alpha = p / (denom[dst] + 1e-16)
    out = jax.ops.segment_sum(alpha[:, :, None] * xl[src], dst, num_segments=n)
    if concat:
        out = out.reshape(n, H * C)
    else:
        out = out.mean(axis=1)
    return out + b


def reference(x, edge_index, Wl0, Wr0, a0, b0, Wl1, Wr1, a1, b1, Wl2, Wr2, a2, b2, Wp1, bp1, Wp2, bp2, Ws1, bs1, Ws2, bs2):
    n = x.shape[0]
    loop = jnp.arange(n, dtype=edge_index.dtype)
    ei = jnp.concatenate([edge_index, jnp.stack([loop, loop])], axis=1)  # add self-loops (PyG default)
    src, dst = ei[0], ei[1]
    h = _gatv2(x, src, dst, Wl0, Wr0, a0, b0, True)
    h = jax.nn.elu(h)  # dropout skipped (eval mode)
    h = _gatv2(h, src, dst, Wl1, Wr1, a1, b1, True)
    h = jax.nn.elu(h)
    h = _gatv2(h, src, dst, Wl2, Wr2, a2, b2, False)
    pam50_logits = jax.nn.relu(h @ Wp1 + bp1) @ Wp2 + bp2
    survival_pred = jax.nn.relu(h @ Ws1 + bs1) @ Ws2 + bs2
    return (pam50_logits, survival_pred)

if __name__ == "__main__":
    import jax
    _d = setup_inputs()
    print(jax.jit(kernel)(*tuple(_d.values())))

</pallas_src>

<mosaic_0001>
#map = affine_map<(d0, d1) -> (0, 0)>
#map1 = affine_map<(d0, d1) -> (0)>
#map2 = affine_map<(d0, d1) -> (0, 0, 0)>
module attributes {stable_mosaic.version = 14 : i64} {
  func.func @_sc_edge_body(%arg0: i32, %arg1: i32, %arg2: memref<10240x128xf32, #tpu.memory_space<hbm>>, %arg3: memref<10240x128xf32, #tpu.memory_space<hbm>>, %arg4: memref<8x16xf32, #tpu.memory_space<hbm>>, %arg5: memref<8x16xf32, #tpu.memory_space<hbm>>, %arg6: memref<335872xi32, #tpu.memory_space<hbm>>, %arg7: memref<335872xi32, #tpu.memory_space<hbm>>, %arg8: memref<640x128xf32, #tpu.memory_space<hbm>>, %arg9: memref<2x10240x128xf32, #tpu.memory_space<hbm>>, %arg10: memref<2x640x128xf32, #tpu.memory_space<hbm>>, %arg11: memref<48xi32, #tpu.memory_space<vmem>>, %arg12: memref<48xi32, #tpu.memory_space<vmem>>, %arg13: memref<48x128xf32, #tpu.memory_space<vmem>>, %arg14: memref<48x128xf32, #tpu.memory_space<vmem>>, %arg15: memref<48xi32, #tpu.memory_space<vmem>>, %arg16: memref<48xi32, #tpu.memory_space<vmem>>, %arg17: memref<48x128xf32, #tpu.memory_space<vmem>>, %arg18: memref<48x128xf32, #tpu.memory_space<vmem>>, %arg19: memref<48x128xf32, #tpu.memory_space<vmem>>, %arg20: memref<48x128xf32, #tpu.memory_space<vmem>>, %arg21: memref<48xi32, #tpu.memory_space<vmem>>, %arg22: memref<8x16xf32, #tpu.memory_space<vmem>>, %arg23: memref<8x16xf32, #tpu.memory_space<vmem>>, %arg24: memref<!tpu.dma_semaphore, #tpu.memory_space<semaphore_mem>>, %arg25: memref<!tpu.dma_semaphore, #tpu.memory_space<semaphore_mem>>, %arg26: memref<10240x128xf32, #tpu.memory_space<vmem_shared>>, %arg27: memref<640x128xf32, #tpu.memory_space<vmem_shared>>) attributes {dimension_semantics = [#tpu.dimension_semantics<core_parallel>, #tpu.dimension_semantics<subcore_parallel>], iteration_bounds = array<i64: 2, 16>, scalar_prefetch = 0 : i64, scratch_operands = 17 : i64, tpu.core_type = #tpu.core_type<sc_vector_subcore>, window_params = [{transform_indices = #map}, {transform_indices = #map}, {transform_indices = #map}, {transform_indices = #map}, {transform_indices = #map1}, {transform_indices = #map1}, {transform_indices = #map}, {transform_indices = #map2}, {transform_indices = #map2}]} {
    %mul3A = arith.constant 2 : i32
    %mul3A_0 = arith.muli %arg1, %mul3A : i32
    %add3A = arith.addi %mul3A_0, %arg0 : i32
    %mul3A_1 = arith.constant 640 : i32
    %mul3A_2 = arith.muli %arg1, %mul3A_1 : i32
    "tpu.region"() ({
      %run_scoped3A = tpu.sem_alloc : memref<!tpu.dma_semaphore, #tpu.memory_space<semaphore_mem>>
      %dma_start3A_117 = arith.constant 0 : i32
      %dma_start3A_118 = tpu.memref_slice %arg26[%mul3A_2, %dma_start3A_117] : memref<10240x128xf32, #tpu.memory_space<vmem_shared>> -> memref<640x128xf32, #tpu.memory_space<vmem_shared>>
      tpu.enqueue_dma source(%arg8 : memref<640x128xf32, #tpu.memory_space<hbm>>) target(%dma_start3A_118 : memref<640x128xf32, #tpu.memory_space<vmem_shared>>) target_semaphore(%run_scoped3A : memref<!tpu.dma_semaphore, #tpu.memory_space<semaphore_mem>>)
      %dma_wait3A_119 = arith.constant 0 : i32
      %dma_wait3A_120 = tpu.memref_slice %arg26[%mul3A_2, %dma_wait3A_119] : memref<10240x128xf32, #tpu.memory_space<vmem_shared>> -> memref<640x128xf32, #tpu.memory_space<vmem_shared>>
      tpu.wait_dma2 semaphore(%run_scoped3A : memref<!tpu.dma_semaphore, #tpu.memory_space<semaphore_mem>>) src(%arg8 : memref<640x128xf32, #tpu.memory_space<hbm>>) dst(%dma_wait3A_120 : memref<640x128xf32, #tpu.memory_space<vmem_shared>>)
      tpu.yield
    }) : () -> ()
    %mul3A_3 = arith.constant 40 : i32
    %mul3A_4 = arith.muli %arg1, %mul3A_3 : i32
    "tpu.region"() ({
      %run_scoped3A = tpu.sem_alloc : memref<!tpu.dma_semaphore, #tpu.memory_space<semaphore_mem>>
      %dma_start3A_117 = arith.constant 0 : i32
      %dma_start3A_118 = tpu.memref_slice %arg27[%mul3A_4, %dma_start3A_117] : memref<640x128xf32, #tpu.memory_space<vmem_shared>> -> memref<40x128xf32, #tpu.memory_space<vmem_shared>>
      %dma_start3A_119 = arith.constant 0 : i32
      %dma_start3A_120 = arith.constant 0 : i32
      %dma_start3A_121 = tpu.memref_slice %arg8[%dma_start3A_119, %dma_start3A_120] : memref<640x128xf32, #tpu.memory_space<hbm>> -> memref<40x128xf32, #tpu.memory_space<hbm>>
      tpu.enqueue_dma source(%dma_start3A_121 : memref<40x128xf32, #tpu.memory_space<hbm>>) target(%dma_start3A_118 : memref<40x128xf32, #tpu.memory_space<vmem_shared>>) target_semaphore(%run_scoped3A : memref<!tpu.dma_semaphore, #tpu.memory_space<semaphore_mem>>)
      %dma_wait3A_122 = arith.constant 0 : i32
      %dma_wait3A_123 = tpu.memref_slice %arg27[%mul3A_4, %dma_wait3A_122] : memref<640x128xf32, #tpu.memory_space<vmem_shared>> -> memref<40x128xf32, #tpu.memory_space<vmem_shared>>
      %dma_wait3A_124 = arith.constant 0 : i32
      %dma_wait3A_125 = arith.constant 0 : i32
      %dma_wait3A_126 = tpu.memref_slice %arg8[%dma_wait3A_124, %dma_wait3A_125] : memref<640x128xf32, #tpu.memory_space<hbm>> -> memref<40x128xf32, #tpu.memory_space<hbm>>
      tpu.wait_dma2 semaphore(%run_scoped3A : memref<!tpu.dma_semaphore, #tpu.memory_space<semaphore_mem>>) src(%dma_wait3A_126 : memref<40x128xf32, #tpu.memory_space<hbm>>) dst(%dma_wait3A_123 : memref<40x128xf32, #tpu.memory_space<vmem_shared>>)
      tpu.yield
    }) : () -> ()
    "tpu.region"() ({
      %run_scoped3A = tpu.sem_alloc : memref<!tpu.dma_semaphore, #tpu.memory_space<semaphore_mem>>
      tpu.enqueue_dma source(%arg4 : memref<8x16xf32, #tpu.memory_space<hbm>>) target(%arg22 : memref<8x16xf32, #tpu.memory_space<vmem>>) target_semaphore(%run_scoped3A : memref<!tpu.dma_semaphore, #tpu.memory_space<semaphore_mem>>)
      tpu.wait_dma2 semaphore(%run_scoped3A : memref<!tpu.dma_semaphore, #tpu.memory_space<semaphore_mem>>) src(%arg4 : memref<8x16xf32, #tpu.memory_space<hbm>>) dst(%arg22 : memref<8x16xf32, #tpu.memory_space<vmem>>)
      tpu.yield
    }) : () -> ()
    "tpu.region"() ({
      %run_scoped3A = tpu.sem_alloc : memref<!tpu.dma_semaphore, #tpu.memory_space<semaphore_mem>>
      tpu.enqueue_dma source(%arg5 : memref<8x16xf32, #tpu.memory_space<hbm>>) target(%arg23 : memref<8x16xf32, #tpu.memory_space<vmem>>) target_semaphore(%run_scoped3A : memref<!tpu.dma_semaphore, #tpu.memory_space<semaphore_mem>>)
      tpu.wait_dma2 semaphore(%run_scoped3A : memref<!tpu.dma_semaphore, #tpu.memory_space<semaphore_mem>>) src(%arg5 : memref<8x16xf32, #tpu.memory_space<hbm>>) dst(%arg23 : memref<8x16xf32, #tpu.memory_space<vmem>>)
      tpu.yield
    }) : () -> ()
    %barrier3A = arith.constant 0 : index
    tpu.barrier barrier_id(%barrier3A)
    %iota3A = tpu.iota {dimensions = array<i32: 0>} : vector<16xi32>
    %convert_element_type3A = arith.sitofp %iota3A : vector<16xi32> to vector<16xf32>
    %sub3A = arith.constant 0.000000e+00 : f32
    %sub3A_5 = vector.broadcast %sub3A : f32 to vector<16xf32>
    %sub3A_6 = arith.subf %convert_element_type3A, %sub3A_5 : vector<16xf32>
    %mul3A_7 = arith.mulf %sub3A_6, %sub3A_6 : vector<16xf32>
    %sub3A_8 = arith.constant 1.000000e+00 : f32
    %sub3A_9 = vector.broadcast %sub3A_8 : f32 to vector<16xf32>
    %sub3A_10 = arith.subf %sub3A_9, %mul3A_7 : vector<16xf32>
    %max3A = arith.constant 0.000000e+00 : f32
    %max3A_11 = vector.broadcast %max3A : f32 to vector<16xf32>
    %max3A_12 = arith.maximumf %sub3A_10, %max3A_11 : vector<16xf32>
    %sub3A_13 = arith.constant 1.000000e+00 : f32
    %sub3A_14 = vector.broadcast %sub3A_13 : f32 to vector<16xf32>
    %sub3A_15 = arith.subf %convert_element_type3A, %sub3A_14 : vector<16xf32>
    %mul3A_16 = arith.mulf %sub3A_15, %sub3A_15 : vector<16xf32>
    %sub3A_17 = arith.constant 1.000000e+00 : f32
    %sub3A_18 = vector.broadcast %sub3A_17 : f32 to vector<16xf32>
    %sub3A_19 = arith.subf %sub3A_18, %mul3A_16 : vector<16xf32>
    %max3A_20 = arith.constant 0.000000e+00 : f32
    %max3A_21 = vector.broadcast %max3A_20 : f32 to vector<16xf32>
    %max3A_22 = arith.maximumf %sub3A_19, %max3A_21 : vector<16xf32>
    %sub3A_23 = arith.constant 2.000000e+00 : f32
    %sub3A_24 = vector.broadcast %sub3A_23 : f32 to vector<16xf32>
    %sub3A_25 = arith.subf %convert_element_type3A, %sub3A_24 : vector<16xf32>
    %mul3A_26 = arith.mulf %sub3A_25, %sub3A_25 : vector<16xf32>
    %sub3A_27 = arith.constant 1.000000e+00 : f32
    %sub3A_28 = vector.broadcast %sub3A_27 : f32 to vector<16xf32>
    %sub3A_29 = arith.subf %sub3A_28, %mul3A_26 : vector<16xf32>
    %max3A_30 = arith.constant 0.000000e+00 : f32
    %max3A_31 = vector.broadcast %max3A_30 : f32 to vector<16xf32>
    %max3A_32 = arith.maximumf %sub3A_29, %max3A_31 : vector<16xf32>
    %sub3A_33 = arith.constant 3.000000e+00 : f32
    %sub3A_34 = vector.broadcast %sub3A_33 : f32 to vector<16xf32>
    %sub3A_35 = arith.subf %convert_element_type3A, %sub3A_34 : vector<16xf32>
    %mul3A_36 = arith.mulf %sub3A_35, %sub3A_35 : vector<16xf32>
    %sub3A_37 = arith.constant 1.000000e+00 : f32
    %sub3A_38 = vector.broadcast %sub3A_37 : f32 to vector<16xf32>
    %sub3A_39 = arith.subf %sub3A_38, %mul3A_36 : vector<16xf32>
    %max3A_40 = arith.constant 0.000000e+00 : f32
    %max3A_41 = vector.broadcast %max3A_40 : f32 to vector<16xf32>
    %max3A_42 = arith.maximumf %sub3A_39, %max3A_41 : vector<16xf32>
    %sub3A_43 = arith.constant 4.000000e+00 : f32
    %sub3A_44 = vector.broadcast %sub3A_43 : f32 to vector<16xf32>
    %sub3A_45 = arith.subf %convert_element_type3A, %sub3A_44 : vector<16xf32>
    %mul3A_46 = arith.mulf %sub3A_45, %sub3A_45 : vector<16xf32>
    %sub3A_47 = arith.constant 1.000000e+00 : f32
    %sub3A_48 = vector.broadcast %sub3A_47 : f32 to vector<16xf32>
    %sub3A_49 = arith.subf %sub3A_48, %mul3A_46 : vector<16xf32>
    %max3A_50 = arith.constant 0.000000e+00 : f32
    %max3A_51 = vector.broadcast %max3A_50 : f32 to vector<16xf32>
    %max3A_52 = arith.maximumf %sub3A_49, %max3A_51 : vector<16xf32>
    %sub3A_53 = arith.constant 5.000000e+00 : f32
    %sub3A_54 = vector.broadcast %sub3A_53 : f32 to vector<16xf32>
    %sub3A_55 = arith.subf %convert_element_type3A, %sub3A_54 : vector<16xf32>
    %mul3A_56 = arith.mulf %sub3A_55, %sub3A_55 : vector<16xf32>
    %sub3A_57 = arith.constant 1.000000e+00 : f32
    %sub3A_58 = vector.broadcast %sub3A_57 : f32 to vector<16xf32>
    %sub3A_59 = arith.subf %sub3A_58, %mul3A_56 : vector<16xf32>
    %max3A_60 = arith.constant 0.000000e+00 : f32
    %max3A_61 = vector.broadcast %max3A_60 : f32 to vector<16xf32>
    %max3A_62 = arith.maximumf %sub3A_59, %max3A_61 : vector<16xf32>
    %sub3A_63 = arith.constant 6.000000e+00 : f32
    %sub3A_64 = vector.broadcast %sub3A_63 : f32 to vector<16xf32>
    %sub3A_65 = arith.subf %convert_element_type3A, %sub3A_64 : vector<16xf32>
    %mul3A_66 = arith.mulf %sub3A_65, %sub3A_65 : vector<16xf32>
    %sub3A_67 = arith.constant 1.000000e+00 : f32
    %sub3A_68 = vector.broadcast %sub3A_67 : f32 to vector<16xf32>
    %sub3A_69 = arith.subf %sub3A_68, %mul3A_66 : vector<16xf32>
    %max3A_70 = arith.constant 0.000000e+00 : f32
    %max3A_71 = vector.broadcast %max3A_70 : f32 to vector<16xf32>
    %max3A_72 = arith.maximumf %sub3A_69, %max3A_71 : vector<16xf32>
    %sub3A_73 = arith.constant 7.000000e+00 : f32
    %sub3A_74 = vector.broadcast %sub3A_73 : f32 to vector<16xf32>
    %sub3A_75 = arith.subf %convert_element_type3A, %sub3A_74 : vector<16xf32>
    %mul3A_76 = arith.mulf %sub3A_75, %sub3A_75 : vector<16xf32>
    %sub3A_77 = arith.constant 1.000000e+00 : f32
    %sub3A_78 = vector.broadcast %sub3A_77 : f32 to vector<16xf32>
    %sub3A_79 = arith.subf %sub3A_78, %mul3A_76 : vector<16xf32>
    %max3A_80 = arith.constant 0.000000e+00 : f32
    %max3A_81 = vector.broadcast %max3A_80 : f32 to vector<16xf32>
    %max3A_82 = arith.maximumf %sub3A_79, %max3A_81 : vector<16xf32>
    %mul3A_83 = arith.constant 10496 : i32
    %mul3A_84 = arith.muli %add3A, %mul3A_83 : i32
    %add3A_85 = arith.constant 0 : i32
    %add3A_86 = arith.addi %mul3A_84, %add3A_85 : i32
    "tpu.region"() ({
      %run_scoped3A = tpu.sem_alloc : memref<!tpu.dma_semaphore, #tpu.memory_space<semaphore_mem>>
      %dma_start3A_117 = tpu.memref_slice %arg6[%add3A_86] : memref<335872xi32, #tpu.memory_space<hbm>> -> memref<48xi32, #tpu.memory_space<hbm>>
      %dma_start3A_118 = tpu.memref_slice %arg6[%add3A_86] : memref<335872xi32, #tpu.memory_space<hbm>> -> memref<48xi32, #tpu.memory_space<hbm>>
      tpu.enqueue_dma source(%dma_start3A_118 : memref<48xi32, #tpu.memory_space<hbm>>) target(%arg11 : memref<48xi32, #tpu.memory_space<vmem>>) target_semaphore(%run_scoped3A : memref<!tpu.dma_semaphore, #tpu.memory_space<semaphore_mem>>)
      %dma_wait3A_119 = tpu.memref_slice %arg6[%add3A_86] : memref<335872xi32, #tpu.memory_space<hbm>> -> memref<48xi32, #tpu.memory_space<hbm>>
      %dma_wait3A_120 = tpu.memref_slice %arg6[%add3A_86] : memref<335872xi32, #tpu.memory_space<hbm>> -> memref<48xi32, #tpu.memory_space<hbm>>
      tpu.wait_dma2 semaphore(%run_scoped3A : memref<!tpu.dma_semaphore, #tpu.memory_space<semaphore_mem>>) src(%dma_wait3A_120 : memref<48xi32, #tpu.memory_space<hbm>>) dst(%arg11 : memref<48xi32, #tpu.memory_space<vmem>>)
      tpu.yield
    }) : () -> ()
    "tpu.region"() ({
      %run_scoped3A = tpu.sem_alloc : memref<!tpu.dma_semaphore, #tpu.memory_space<semaphore_mem>>
      %dma_start3A_117 = tpu.memref_slice %arg7[%add3A_86] : memref<335872xi32, #tpu.memory_space<hbm>> -> memref<48xi32, #tpu.memory_space<hbm>>
      %dma_start3A_118 = tpu.memref_slice %arg7[%add3A_86] : memref<335872xi32, #tpu.memory_space<hbm>> -> memref<48xi32, #tpu.memory_space<hbm>>
      tpu.enqueue_dma source(%dma_start3A_118 : memref<48xi32, #tpu.memory_space<hbm>>) target(%arg12 : memref<48xi32, #tpu.memory_space<vmem>>) target_semaphore(%run_scoped3A : memref<!tpu.dma_semaphore, #tpu.memory_space<semaphore_mem>>)
      %dma_wait3A_119 = tpu.memref_slice %arg7[%add3A_86] : memref<335872xi32, #tpu.memory_space<hbm>> -> memref<48xi32, #tpu.memory_space<hbm>>
      %dma_wait3A_120 = tpu.memref_slice %arg7[%add3A_86] : memref<335872xi32, #tpu.memory_space<hbm>> -> memref<48xi32, #tpu.memory_space<hbm>>
      tpu.wait_dma2 semaphore(%run_scoped3A : memref<!tpu.dma_semaphore, #tpu.memory_space<semaphore_mem>>) src(%dma_wait3A_120 : memref<48xi32, #tpu.memory_space<hbm>>) dst(%arg12 : memref<48xi32, #tpu.memory_space<vmem>>)
      tpu.yield
    }) : () -> ()
    %dma_start3A = arith.constant 0 : i32
    %dma_start3A_87 = arith.constant 0 : i32
    %dma_start3A_88 = tpu.memref_slice %arg2[%dma_start3A, %dma_start3A_87] : memref<10240x128xf32, #tpu.memory_space<hbm>> -> memref<10240x128xf32, #tpu.memory_space<hbm>>
    tpu.enqueue_indirect_dma source(%dma_start3A_88 : memref<10240x128xf32, #tpu.memory_space<hbm>>) target(%arg13 : memref<48x128xf32, #tpu.memory_space<vmem>>) offsets(%arg11 : memref<48xi32, #tpu.memory_space<vmem>>) semaphore(%arg24 : memref<!tpu.dma_semaphore, #tpu.memory_space<semaphore_mem>>)
    %dma_start3A_89 = arith.constant 0 : i32
    %dma_start3A_90 = arith.constant 0 : i32
    %dma_start3A_91 = tpu.memref_slice %arg3[%dma_start3A_89, %dma_start3A_90] : memref<10240x128xf32, #tpu.memory_space<hbm>> -> memref<10240x128xf32, #tpu.memory_space<hbm>>
    tpu.enqueue_indirect_dma source(%dma_start3A_91 : memref<10240x128xf32, #tpu.memory_space<hbm>>) target(%arg14 : memref<48x128xf32, #tpu.memory_space<vmem>>) offsets(%arg12 : memref<48xi32, #tpu.memory_space<vmem>>) semaphore(%arg24 : memref<!tpu.dma_semaphore, #tpu.memory_space<semaphore_mem>>)
    %scan3A = arith.constant 0 : i32
    %scan3A_92 = arith.constant 0 : i32
    %scan3A_93 = arith.constant 108 : i32
    %scan3A_94 = arith.addi %scan3A_92, %scan3A_93 : i32
    %scan3A_95 = arith.constant 1 : i32
    scf.for %scan3A_117 = %scan3A_92 to %scan3A_94 step %scan3A_95  : i32 {
      %mul3A_118 = arith.constant 2 : i32
      %mul3A_119 = arith.muli %mul3A_118, %scan3A_117 : i32
      %add3A_120 = arith.constant 0 : i32
      %add3A_121 = arith.addi %mul3A_119, %add3A_120 : i32
      %add3A_122 = arith.constant 1 : i32
      %add3A_123 = arith.addi %add3A_121, %add3A_122 : i32
      %mul3A_124 = arith.constant 10496 : i32
      %mul3A_125 = arith.muli %add3A, %mul3A_124 : i32
      %mul3A_126 = arith.constant 48 : i32
      %mul3A_127 = arith.muli %add3A_123, %mul3A_126 : i32
      %add3A_128 = arith.addi %mul3A_125, %mul3A_127 : i32
      "tpu.region"() ({
        %run_scoped3A = tpu.sem_alloc : memref<!tpu.dma_semaphore, #tpu.memory_space<semaphore_mem>>
        %dma_start3A_233 = tpu.memref_slice %arg6[%add3A_128] : memref<335872xi32, #tpu.memory_space<hbm>> -> memref<48xi32, #tpu.memory_space<hbm>>
        %dma_start3A_234 = tpu.memref_slice %arg6[%add3A_128] : memref<335872xi32, #tpu.memory_space<hbm>> -> memref<48xi32, #tpu.memory_space<hbm>>
        tpu.enqueue_dma source(%dma_start3A_234 : memref<48xi32, #tpu.memory_space<hbm>>) target(%arg15 : memref<48xi32, #tpu.memory_space<vmem>>) target_semaphore(%run_scoped3A : memref<!tpu.dma_semaphore, #tpu.memory_space<semaphore_mem>>)
        %dma_wait3A_235 = tpu.memref_slice %arg6[%add3A_128] : memref<335872xi32, #tpu.memory_space<hbm>> -> memref<48xi32, #tpu.memory_space<hbm>>
        %dma_wait3A_236 = tpu.memref_slice %arg6[%add3A_128] : memref<335872xi32, #tpu.memory_space<hbm>> -> memref<48xi32, #tpu.memory_space<hbm>>
        tpu.wait_dma2 semaphore(%run_scoped3A : memref<!tpu.dma_semaphore, #tpu.memory_space<semaphore_mem>>) src(%dma_wait3A_236 : memref<48xi32, #tpu.memory_space<hbm>>) dst(%arg15 : memref<48xi32, #tpu.memory_space<vmem>>)
        tpu.yield
      }) : () -> ()
      "tpu.region"() ({
        %run_scoped3A = tpu.sem_alloc : memref<!tpu.dma_semaphore, #tpu.memory_space<semaphore_mem>>
        %dma_start3A_233 = tpu.memref_slice %arg7[%add3A_128] : memref<335872xi32, #tpu.memory_space<hbm>> -> memref<48xi32, #tpu.memory_space<hbm>>
        %dma_start3A_234 = tpu.memref_slice %arg7[%add3A_128] : memref<335872xi32, #tpu.memory_space<hbm>> -> memref<48xi32, #tpu.memory_space<hbm>>
        tpu.enqueue_dma source(%dma_start3A_234 : memref<48xi32, #tpu.memory_space<hbm>>) target(%arg16 : memref<48xi32, #tpu.memory_space<vmem>>) target_semaphore(%run_scoped3A : memref<!tpu.dma_semaphore, #tpu.memory_space<semaphore_mem>>)
        %dma_wait3A_235 = tpu.memref_slice %arg7[%add3A_128] : memref<335872xi32, #tpu.memory_space<hbm>> -> memref<48xi32, #tpu.memory_space<hbm>>
        %dma_wait3A_236 = tpu.memref_slice %arg7[%add3A_128] : memref<335872xi32, #tpu.memory_space<hbm>> -> memref<48xi32, #tpu.memory_space<hbm>>
        tpu.wait_dma2 semaphore(%run_scoped3A : memref<!tpu.dma_semaphore, #tpu.memory_space<semaphore_mem>>) src(%dma_wait3A_236 : memref<48xi32, #tpu.memory_space<hbm>>) dst(%arg16 : memref<48xi32, #tpu.memory_space<vmem>>)
        tpu.yield
      }) : () -> ()
      %dma_start3A_129 = arith.constant 0 : i32
      %dma_start3A_130 = arith.constant 0 : i32
      %dma_start3A_131 = tpu.memref_slice %arg2[%dma_start3A_129, %dma_start3A_130] : memref<10240x128xf32, #tpu.memory_space<hbm>> -> memref<10240x128xf32, #tpu.memory_space<hbm>>
      tpu.enqueue_indirect_dma source(%dma_start3A_131 : memref<10240x128xf32, #tpu.memory_space<hbm>>) target(%arg17 : memref<48x128xf32, #tpu.memory_space<vmem>>) offsets(%arg15 : memref<48xi32, #tpu.memory_space<vmem>>) semaphore(%arg25 : memref<!tpu.dma_semaphore, #tpu.memory_space<semaphore_mem>>)
      %dma_start3A_132 = arith.constant 0 : i32
      %dma_start3A_133 = arith.constant 0 : i32
      %dma_start3A_134 = tpu.memref_slice %arg3[%dma_start3A_132, %dma_start3A_133] : memref<10240x128xf32, #tpu.memory_space<hbm>> -> memref<10240x128xf32, #tpu.memory_space<hbm>>
      tpu.enqueue_indirect_dma source(%dma_start3A_134 : memref<10240x128xf32, #tpu.memory_space<hbm>>) target(%arg18 : memref<48x128xf32, #tpu.memory_space<vmem>>) offsets(%arg16 : memref<48xi32, #tpu.memory_space<vmem>>) semaphore(%arg25 : memref<!tpu.dma_semaphore, #tpu.memory_space<semaphore_mem>>)
      %dma_wait3A_135 = arith.constant 0 : i32
      %dma_wait3A_136 = arith.constant 0 : i32
      %dma_wait3A_137 = tpu.memref_slice %arg2[%dma_wait3A_135, %dma_wait3A_136] : memref<10240x128xf32, #tpu.memory_space<hbm>> -> memref<48x128xf32, #tpu.memory_space<hbm>>
      %dma_wait3A_138 = arith.constant 0 : i32
      %dma_wait3A_139 = arith.constant 0 : i32
      %dma_wait3A_140 = tpu.memref_slice %arg2[%dma_wait3A_138, %dma_wait3A_139] : memref<10240x128xf32, #tpu.memory_space<hbm>> -> memref<48x128xf32, #tpu.memory_space<hbm>>
      tpu.wait_dma2 semaphore(%arg24 : memref<!tpu.dma_semaphore, #tpu.memory_space<semaphore_mem>>) src(%dma_wait3A_140 : memref<48x128xf32, #tpu.memory_space<hbm>>) dst(%arg13 : memref<48x128xf32, #tpu.memory_space<vmem>>)
      %dma_wait3A_141 = arith.constant 0 : i32
      %dma_wait3A_142 = arith.constant 0 : i32
      %dma_wait3A_143 = tpu.memref_slice %arg3[%dma_wait3A_141, %dma_wait3A_142] : memref<10240x128xf32, #tpu.memory_space<hbm>> -> memref<48x128xf32, #tpu.memory_space<hbm>>
      %dma_wait3A_144 = arith.constant 0 : i32
      %dma_wait3A_145 = arith.constant 0 : i32
      %dma_wait3A_146 = tpu.memref_slice %arg3[%dma_wait3A_144, %dma_wait3A_145] : memref<10240x128xf32, #tpu.memory_space<hbm>> -> memref<48x128xf32, #tpu.memory_space<hbm>>
      tpu.wait_dma2 semaphore(%arg24 : memref<!tpu.dma_semaphore, #tpu.memory_space<semaphore_mem>>) src(%dma_wait3A_146 : memref<48x128xf32, #tpu.memory_space<hbm>>) dst(%arg14 : memref<48x128xf32, #tpu.memory_space<vmem>>)
      %get3A = arith.constant 0 : index
      %get3A_147 = tpu.vector_load %arg12[%get3A] {strides = array<i32>} : memref<48xi32, #tpu.memory_space<vmem>>, vector<16xi32>,
      %get3A_148 = vector.shape_cast %get3A_147 : vector<16xi32> to vector<16xi32>
      %shift_right_arithmetic3A = arith.constant 4 : i32
      %shift_right_arithmetic3A_149 = vector.broadcast %shift_right_arithmetic3A : i32 to vector<16xi32>
      %shift_right_arithmetic3A_150 = arith.shrsi %get3A_148, %shift_right_arithmetic3A_149 : vector<16xi32>
      %swap3A = arith.constant 0 : index
      %swap3A_151 = tpu.vector_load %arg21[%swap3A] {strides = array<i32>} : memref<48xi32, #tpu.memory_space<vmem>>, vector<16xi32>,
      %swap3A_152 = vector.shape_cast %swap3A_151 : vector<16xi32> to vector<16xi32>
      %swap3A_153 = vector.shape_cast %shift_right_arithmetic3A_150 : vector<16xi32> to vector<16xi32>
      tpu.vector_store %arg21[%swap3A], %swap3A_153 {strides = array<i32>} : memref<48xi32, #tpu.memory_space<vmem>>, vector<16xi32>,
      %get3A_154 = arith.constant 16 : index
      %get3A_155 = tpu.vector_load %arg12[%get3A_154] {strides = array<i32>} : memref<48xi32, #tpu.memory_space<vmem>>, vector<16xi32>,
      %get3A_156 = vector.shape_cast %get3A_155 : vector<16xi32> to vector<16xi32>
      %shift_right_arithmetic3A_157 = arith.constant 4 : i32
      %shift_right_arithmetic3A_158 = vector.broadcast %shift_right_arithmetic3A_157 : i32 to vector<16xi32>
      %shift_right_arithmetic3A_159 = arith.shrsi %get3A_156, %shift_right_arithmetic3A_158 : vector<16xi32>
      %swap3A_160 = arith.constant 16 : index
      %swap3A_161 = tpu.vector_load %arg21[%swap3A_160] {strides = array<i32>} : memref<48xi32, #tpu.memory_space<vmem>>, vector<16xi32>,
      %swap3A_162 = vector.shape_cast %swap3A_161 : vector<16xi32> to vector<16xi32>
      %swap3A_163 = vector.shape_cast %shift_right_arithmetic3A_159 : vector<16xi32> to vector<16xi32>
      tpu.vector_store %arg21[%swap3A_160], %swap3A_163 {strides = array<i32>} : memref<48xi32, #tpu.memory_space<vmem>>, vector<16xi32>,
      %get3A_164 = arith.constant 32 : index
      %get3A_165 = tpu.vector_load %arg12[%get3A_164] {strides = array<i32>} : memref<48xi32, #tpu.memory_space<vmem>>, vector<16xi32>,
      %get3A_166 = vector.shape_cast %get3A_165 : vector<16xi32> to vector<16xi32>
      %shift_right_arithmetic3A_167 = arith.constant 4 : i32
      %shift_right_arithmetic3A_168 = vector.broadcast %shift_right_arithmetic3A_167 : i32 to vector<16xi32>
      %shift_right_arithmetic3A_169 = arith.shrsi %get3A_166, %shift_right_arithmetic3A_168 : vector<16xi32>
      %swap3A_170 = arith.constant 32 : index
      %swap3A_171 = tpu.vector_load %arg21[%swap3A_170] {strides = array<i32>} : memref<48xi32, #tpu.memory_space<vmem>>, vector<16xi32>,
      %swap3A_172 = vector.shape_cast %swap3A_171 : vector<16xi32> to vector<16xi32>
      %swap3A_173 = vector.shape_cast %shift_right_arithmetic3A_169 : vector<16xi32> to vector<16xi32>
      tpu.vector_store %arg21[%swap3A_170], %swap3A_173 {strides = array<i32>} : memref<48xi32, #tpu.memory_space<vmem>>, vector<16xi32>,
      %mul3A_174 = arith.constant 2 : i32
      %mul3A_175 = arith.muli %mul3A_174, %scan3A_117 : i32
      %add3A_176 = arith.constant 1 : i32
      %add3A_177 = arith.addi %mul3A_175, %add3A_176 : i32
      %add3A_178 = arith.constant 1 : i32
      %add3A_179 = arith.addi %add3A_177, %add3A_178 : i32
      %mul3A_180 = arith.constant 10496 : i32
      %mul3A_181 = arith.muli %add3A, %mul3A_180 : i32
      %mul3A_182 = arith.constant 48 : i32
      %mul3A_183 = arith.muli %add3A_179, %mul3A_182 : i32
      %add3A_184 = arith.addi %mul3A_181, %mul3A_183 : i32
      "tpu.region"() ({
        %run_scoped3A = tpu.sem_alloc : memref<!tpu.dma_semaphore, #tpu.memory_space<semaphore_mem>>
        %dma_start3A_233 = tpu.memref_slice %arg6[%add3A_184] : memref<335872xi32, #tpu.memory_space<hbm>> -> memref<48xi32, #tpu.memory_space<hbm>>
        %dma_start3A_234 = tpu.memref_slice %arg6[%add3A_184] : memref<335872xi32, #tpu.memory_space<hbm>> -> memref<48xi32, #tpu.memory_space<hbm>>
        tpu.enqueue_dma source(%dma_start3A_234 : memref<48xi32, #tpu.memory_space<hbm>>) target(%arg11 : memref<48xi32, #tpu.memory_space<vmem>>) target_semaphore(%run_scoped3A : memref<!tpu.dma_semaphore, #tpu.memory_space<semaphore_mem>>)
        %dma_wait3A_235 = tpu.memref_slice %arg6[%add3A_184] : memref<335872xi32, #tpu.memory_space<hbm>> -> memref<48xi32, #tpu.memory_space<hbm>>
        %dma_wait3A_236 = tpu.memref_slice %arg6[%add3A_184] : memref<335872xi32, #tpu.memory_space<hbm>> -> memref<48xi32, #tpu.memory_space<hbm>>
        tpu.wait_dma2 semaphore(%run_scoped3A : memref<!tpu.dma_semaphore, #tpu.memory_space<semaphore_mem>>) src(%dma_wait3A_236 : memref<48xi32, #tpu.memory_space<hbm>>) dst(%arg11 : memref<48xi32, #tpu.memory_space<vmem>>)
        tpu.yield
      }) : () -> ()
      "tpu.region"() ({
        %run_scoped3A = tpu.sem_alloc : memref<!tpu.dma_semaphore, #tpu.memory_space<semaphore_mem>>
        %dma_start3A_233 = tpu.memref_slice %arg7[%add3A_184] : memref<335872xi32, #tpu.memory_space<hbm>> -> memref<48xi32, #tpu.memory_space<hbm>>
        %dma_start3A_234 = tpu.memref_slice %arg7[%add3A_184] : memref<335872xi32, #tpu.memory_space<hbm>> -> memref<48xi32, #tpu.memory_space<hbm>>
        tpu.enqueue_dma source(%dma_start3A_234 : memref<48xi32, #tpu.memory_space<hbm>>) target(%arg12 : memref<48xi32, #tpu.memory_space<vmem>>) target_semaphore(%run_scoped3A : memref<!tpu.dma_semaphore, #tpu.memory_space<semaphore_mem>>)
        %dma_wait3A_235 = tpu.memref_slice %arg7[%add3A_184] : memref<335872xi32, #tpu.memory_space<hbm>> -> memref<48xi32, #tpu.memory_space<hbm>>
        %dma_wait3A_236 = tpu.memref_slice %arg7[%add3A_184] : memref<335872xi32, #tpu.memory_space<hbm>> -> memref<48xi32, #tpu.memory_space<hbm>>
        tpu.wait_dma2 semaphore(%run_scoped3A : memref<!tpu.dma_semaphore, #tpu.memory_space<semaphore_mem>>) src(%dma_wait3A_236 : memref<48xi32, #tpu.memory_space<hbm>>) dst(%arg12 : memref<48xi32, #tpu.memory_space<vmem>>)
        tpu.yield
      }) : () -> ()
      %dma_start3A_185 = arith.constant 0 : i32
      %dma_start3A_186 = arith.constant 0 : i32
      %dma_start3A_187 = tpu.memref_slice %arg2[%dma_start3A_185, %dma_start3A_186] : memref<10240x128xf32, #tpu.memory_space<hbm>> -> memref<10240x128xf32, #tpu.memory_space<hbm>>
      tpu.enqueue_indirect_dma source(%dma_start3A_187 : memref<10240x128xf32, #tpu.memory_space<hbm>>) target(%arg13 : memref<48x128xf32, #tpu.memory_space<vmem>>) offsets(%arg11 : memref<48xi32, #tpu.memory_space<vmem>>) semaphore(%arg24 : memref<!tpu.dma_semaphore, #tpu.memory_space<semaphore_mem>>)
      %dma_start3A_188 = arith.constant 0 : i32
      %dma_start3A_189 = arith.constant 0 : i32
      %dma_start3A_190 = tpu.memref_slice %arg3[%dma_start3A_188, %dma_start3A_189] : memref<10240x128xf32, #tpu.memory_space<hbm>> -> memref<10240x128xf32, #tpu.memory_space<hbm>>
      tpu.enqueue_indirect_dma source(%dma_start3A_190 : memref<10240x128xf32, #tpu.memory_space<hbm>>) target(%arg14 : memref<48x128xf32, #tpu.memory_space<vmem>>) offsets(%arg12 : memref<48xi32, #tpu.memory_space<vmem>>) semaphore(%arg24 : memref<!tpu.dma_semaphore, #tpu.memory_space<semaphore_mem>>)
      %dma_wait3A_191 = arith.constant 0 : i32
      %dma_wait3A_192 = arith.constant 0 : i32
      %dma_wait3A_193 = tpu.memref_slice %arg2[%dma_wait3A_191, %dma_wait3A_192] : memref<10240x128xf32, #tpu.memory_space<hbm>> -> memref<48x128xf32, #tpu.memory_space<hbm>>
      %dma_wait3A_194 = arith.constant 0 : i32
      %dma_wait3A_195 = arith.constant 0 : i32
      %dma_wait3A_196 = tpu.memref_slice %arg2[%dma_wait3A_194, %dma_wait3A_195] : memref<10240x128xf32, #tpu.memory_space<hbm>> -> memref<48x128xf32, #tpu.memory_space<hbm>>
      tpu.wait_dma2 semaphore(%arg25 : memref<!tpu.dma_semaphore, #tpu.memory_space<semaphore_mem>>) src(%dma_wait3A_196 : memref<48x128xf32, #tpu.memory_space<hbm>>) dst(%arg17 : memref<48x128xf32, #tpu.memory_space<vmem>>)
      %dma_wait3A_197 = arith.constant 0 : i32
      %dma_wait3A_198 = arith.constant 0 : i32
      %dma_wait3A_199 = tpu.memref_slice %arg3[%dma_wait3A_197, %dma_wait3A_198] : memref<10240x128xf32, #tpu.memory_space<hbm>> -> memref<48x128xf32, #tpu.memory_space<hbm>>
      %dma_wait3A_200 = arith.constant 0 : i32
      %dma_wait3A_201 = arith.constant 0 : i32
      %dma_wait3A_202 = tpu.memref_slice %arg3[%dma_wait3A_200, %dma_wait3A_201] : memref<10240x128xf32, #tpu.memory_space<hbm>> -> memref<48x128xf32, #tpu.memory_space<hbm>>
      tpu.wait_dma2 semaphore(%arg25 : memref<!tpu.dma_semaphore, #tpu.memory_space<semaphore_mem>>) src(%dma_wait3A_202 : memref<48x128xf32, #tpu.memory_space<hbm>>) dst(%arg18 : memref<48x128xf32, #tpu.memory_space<vmem>>)
      %get3A_203 = arith.constant 0 : index
      %get3A_204 = tpu.vector_load %arg16[%get3A_203] {strides = array<i32>} : memref<48xi32, #tpu.memory_space<vmem>>, vector<16xi32>,
      %get3A_205 = vector.shape_cast %get3A_204 : vector<16xi32> to vector<16xi32>
      %shift_right_arithmetic3A_206 = arith.constant 4 : i32
      %shift_right_arithmetic3A_207 = vector.broadcast %shift_right_arithmetic3A_206 : i32 to vector<16xi32>
      %shift_right_arithmetic3A_208 = arith.shrsi %get3A_205, %shift_right_arithmetic3A_207 : vector<16xi32>
      %swap3A_209 = arith.constant 0 : index
      %swap3A_210 = tpu.vector_load %arg21[%swap3A_209] {strides = array<i32>} : memref<48xi32, #tpu.memory_space<vmem>>, vector<16xi32>,
      %swap3A_211 = vector.shape_cast %swap3A_210 : vector<16xi32> to vector<16xi32>
      %swap3A_212 = vector.shape_cast %shift_right_arithmetic3A_208 : vector<16xi32> to vector<16xi32>
      tpu.vector_store %arg21[%swap3A_209], %swap3A_212 {strides = array<i32>} : memref<48xi32, #tpu.memory_space<vmem>>, vector<16xi32>,
      %get3A_213 = arith.constant 16 : index
      %get3A_214 = tpu.vector_load %arg16[%get3A_213] {strides = array<i32>} : memref<48xi32, #tpu.memory_space<vmem>>, vector<16xi32>,
      %get3A_215 = vector.shape_cast %get3A_214 : vector<16xi32> to vector<16xi32>
      %shift_right_arithmetic3A_216 = arith.constant 4 : i32
      %shift_right_arithmetic3A_217 = vector.broadcast %shift_right_arithmetic3A_216 : i32 to vector<16xi32>
      %shift_right_arithmetic3A_218 = arith.shrsi %get3A_215, %shift_right_arithmetic3A_217 : vector<16xi32>
      %swap3A_219 = arith.constant 16 : index
      %swap3A_220 = tpu.vector_load %arg21[%swap3A_219] {strides = array<i32>} : memref<48xi32, #tpu.memory_space<vmem>>, vector<16xi32>,
      %swap3A_221 = vector.shape_cast %swap3A_220 : vector<16xi32> to vector<16xi32>
      %swap3A_222 = vector.shape_cast %shift_right_arithmetic3A_218 : vector<16xi32> to vector<16xi32>
      tpu.vector_store %arg21[%swap3A_219], %swap3A_222 {strides = array<i32>} : memref<48xi32, #tpu.memory_space<vmem>>, vector<16xi32>,
      %get3A_223 = arith.constant 32 : index
      %get3A_224 = tpu.vector_load %arg16[%get3A_223] {strides = array<i32>} : memref<48xi32, #tpu.memory_space<vmem>>, vector<16xi32>,
      %get3A_225 = vector.shape_cast %get3A_224 : vector<16xi32> to vector<16xi32>
      %shift_right_arithmetic3A_226 = arith.constant 4 : i32
      %shift_right_arithmetic3A_227 = vector.broadcast %shift_right_arithmetic3A_226 : i32 to vector<16xi32>
      %shift_right_arithmetic3A_228 = arith.shrsi %get3A_225, %shift_right_arithmetic3A_227 : vector<16xi32>
      %swap3A_229 = arith.constant 32 : index
      %swap3A_230 = tpu.vector_load %arg21[%swap3A_229] {strides = array<i32>} : memref<48xi32, #tpu.memory_space<vmem>>, vector<16xi32>,
      %swap3A_231 = vector.shape_cast %swap3A_230 : vector<16xi32> to vector<16xi32>
      %swap3A_232 = vector.shape_cast %shift_right_arithmetic3A_228 : vector<16xi32> to vector<16xi32>
      tpu.vector_store %arg21[%swap3A_229], %swap3A_232 {strides = array<i32>} : memref<48xi32, #tpu.memory_space<vmem>>, vector<16xi32>,
    }
    %scan3A_96 = arith.constant 108 : i32
    %dma_wait3A = arith.constant 0 : i32
    %dma_wait3A_97 = arith.constant 0 : i32
    %dma_wait3A_98 = tpu.memref_slice %arg2[%dma_wait3A, %dma_wait3A_97] : memref<10240x128xf32, #tpu.memory_space<hbm>> -> memref<48x128xf32, #tpu.memory_space<hbm>>
    %dma_wait3A_99 = arith.constant 0 : i32
    %dma_wait3A_100 = arith.constant 0 : i32
    %dma_wait3A_101 = tpu.memref_slice %arg2[%dma_wait3A_99, %dma_wait3A_100] : memref<10240x128xf32, #tpu.memory_space<hbm>> -> memref<48x128xf32, #tpu.memory_space<hbm>>
    tpu.wait_dma2 semaphore(%arg24 : memref<!tpu.dma_semaphore, #tpu.memory_space<semaphore_mem>>) src(%dma_wait3A_101 : memref<48x128xf32, #tpu.memory_space<hbm>>) dst(%arg13 : memref<48x128xf32, #tpu.memory_space<vmem>>)
    %dma_wait3A_102 = arith.constant 0 : i32
    %dma_wait3A_103 = arith.constant 0 : i32
    %dma_wait3A_104 = tpu.memref_slice %arg3[%dma_wait3A_102, %dma_wait3A_103] : memref<10240x128xf32, #tpu.memory_space<hbm>> -> memref<48x128xf32, #tpu.memory_space<hbm>>
    %dma_wait3A_105 = arith.constant 0 : i32
    %dma_wait3A_106 = arith.constant 0 : i32
    %dma_wait3A_107 = tpu.memref_slice %arg3[%dma_wait3A_105, %dma_wait3A_106] : memref<10240x128xf32, #tpu.memory_space<hbm>> -> memref<48x128xf32, #tpu.memory_space<hbm>>
    tpu.wait_dma2 semaphore(%arg24 : memref<!tpu.dma_semaphore, #tpu.memory_space<semaphore_mem>>) src(%dma_wait3A_107 : memref<48x128xf32, #tpu.memory_space<hbm>>) dst(%arg14 : memref<48x128xf32, #tpu.memory_space<vmem>>)
    %barrier3A_108 = arith.constant 0 : index
    tpu.barrier barrier_id(%barrier3A_108)
    %mul3A_109 = arith.constant 640 : i32
    %mul3A_110 = arith.muli %arg1, %mul3A_109 : i32
    %mul3A_111 = arith.constant 640 : i32
    %mul3A_112 = arith.muli %arg1, %mul3A_111 : i32
    "tpu.region"() ({
      %run_scoped3A = tpu.sem_alloc : memref<!tpu.dma_semaphore, #tpu.memory_space<semaphore_mem>>
      %dma_start3A_117 = arith.constant 0 : i32
      %dma_start3A_118 = tpu.memref_slice %arg9[%arg0, %mul3A_112, %dma_start3A_117] : memref<2x10240x128xf32, #tpu.memory_space<hbm>> -> memref<1x640x128xf32, #tpu.memory_space<hbm>>
      %dma_start3A_119 = tpu.memref_squeeze %dma_start3A_118 : memref<1x640x128xf32, #tpu.memory_space<hbm>> -> memref<640x128xf32, #tpu.memory_space<hbm>>
      %dma_start3A_120 = arith.constant 0 : i32
      %dma_start3A_121 = tpu.memref_slice %arg26[%mul3A_110, %dma_start3A_120] : memref<10240x128xf32, #tpu.memory_space<vmem_shared>> -> memref<640x128xf32, #tpu.memory_space<vmem_shared>>
      tpu.enqueue_dma source(%dma_start3A_121 : memref<640x128xf32, #tpu.memory_space<vmem_shared>>) target(%dma_start3A_119 : memref<640x128xf32, #tpu.memory_space<hbm>>) target_semaphore(%run_scoped3A : memref<!tpu.dma_semaphore, #tpu.memory_space<semaphore_mem>>)
      %dma_wait3A_122 = arith.constant 0 : i32
      %dma_wait3A_123 = tpu.memref_slice %arg9[%arg0, %mul3A_112, %dma_wait3A_122] : memref<2x10240x128xf32, #tpu.memory_space<hbm>> -> memref<1x640x128xf32, #tpu.memory_space<hbm>>
      %dma_wait3A_124 = tpu.memref_squeeze %dma_wait3A_123 : memref<1x640x128xf32, #tpu.memory_space<hbm>> -> memref<640x128xf32, #tpu.memory_space<hbm>>
      %dma_wait3A_125 = arith.constant 0 : i32
      %dma_wait3A_126 = tpu.memref_slice %arg26[%mul3A_110, %dma_wait3A_125] : memref<10240x128xf32, #tpu.memory_space<vmem_shared>> -> memref<640x128xf32, #tpu.memory_space<vmem_shared>>
      tpu.wait_dma2 semaphore(%run_scoped3A : memref<!tpu.dma_semaphore, #tpu.memory_space<semaphore_mem>>) src(%dma_wait3A_126 : memref<640x128xf32, #tpu.memory_space<vmem_shared>>) dst(%dma_wait3A_124 : memref<640x128xf32, #tpu.memory_space<hbm>>)
      tpu.yield
    }) : () -> ()
    %mul3A_113 = arith.constant 40 : i32
    %mul3A_114 = arith.muli %arg1, %mul3A_113 : i32
    %mul3A_115 = arith.constant 40 : i32
    %mul3A_116 = arith.muli %arg1, %mul3A_115 : i32
    "tpu.region"() ({
      %run_scoped3A = tpu.sem_alloc : memref<!tpu.dma_semaphore, #tpu.memory_space<semaphore_mem>>
      %dma_start3A_117 = arith.constant 0 : i32
      %dma_start3A_118 = tpu.memref_slice %arg10[%arg0, %mul3A_116, %dma_start3A_117] : memref<2x640x128xf32, #tpu.memory_space<hbm>> -> memref<1x40x128xf32, #tpu.memory_space<hbm>>
      %dma_start3A_119 = tpu.memref_squeeze %dma_start3A_118 : memref<1x40x128xf32, #tpu.memory_space<hbm>> -> memref<40x128xf32, #tpu.memory_space<hbm>>
      %dma_start3A_120 = arith.constant 0 : i32
      %dma_start3A_121 = tpu.memref_slice %arg27[%mul3A_114, %dma_start3A_120] : memref<640x128xf32, #tpu.memory_space<vmem_shared>> -> memref<40x128xf32, #tpu.memory_space<vmem_shared>>
      tpu.enqueue_dma source(%dma_start3A_121 : memref<40x128xf32, #tpu.memory_space<vmem_shared>>) target(%dma_start3A_119 : memref<40x128xf32, #tpu.memory_space<hbm>>) target_semaphore(%run_scoped3A : memref<!tpu.dma_semaphore, #tpu.memory_space<semaphore_mem>>)
      %dma_wait3A_122 = arith.constant 0 : i32
      %dma_wait3A_123 = tpu.memref_slice %arg10[%arg0, %mul3A_116, %dma_wait3A_122] : memref<2x640x128xf32, #tpu.memory_space<hbm>> -> memref<1x40x128xf32, #tpu.memory_space<hbm>>
      %dma_wait3A_124 = tpu.memref_squeeze %dma_wait3A_123 : memref<1x40x128xf32, #tpu.memory_space<hbm>> -> memref<40x128xf32, #tpu.memory_space<hbm>>
      %dma_wait3A_125 = arith.constant 0 : i32
      %dma_wait3A_126 = tpu.memref_slice %arg27[%mul3A_114, %dma_wait3A_125] : memref<640x128xf32, #tpu.memory_space<vmem_shared>> -> memref<40x128xf32, #tpu.memory_space<vmem_shared>>
      tpu.wait_dma2 semaphore(%run_scoped3A : memref<!tpu.dma_semaphore, #tpu.memory_space<semaphore_mem>>) src(%dma_wait3A_126 : memref<40x128xf32, #tpu.memory_space<vmem_shared>>) dst(%dma_wait3A_124 : memref<40x128xf32, #tpu.memory_space<hbm>>)
      tpu.yield
    }) : () -> ()
    return
  }
}

#map = affine_map<(d0, d1) -> (0, 0)>
#map1 = affine_map<(d0, d1) -> (0)>
#map2 = affine_map<(d0, d1) -> (0, 0, 0)>
module attributes {stable_mosaic.version = 14 : i64} {
  func.func @_sc_edge_body(%arg0: i32, %arg1: i32, %arg2: memref<10240x128xf32, #tpu.memory_space<hbm>>, %arg3: memref<10240x128xf32, #tpu.memory_space<hbm>>, %arg4: memref<8x16xf32, #tpu.memory_space<hbm>>, %arg5: memref<8x16xf32, #tpu.memory_space<hbm>>, %arg6: memref<335872xi32, #tpu.memory_space<hbm>>, %arg7: memref<335872xi32, #tpu.memory_space<hbm>>, %arg8: memref<640x128xf32, #tpu.memory_space<hbm>>, %arg9: memref<2x10240x128xf32, #tpu.memory_space<hbm>>, %arg10: memref<2x640x128xf32, #tpu.memory_space<hbm>>, %arg11: memref<48xi32, #tpu.memory_space<vmem>>, %arg12: memref<48xi32, #tpu.memory_space<vmem>>, %arg13: memref<48x128xf32, #tpu.memory_space<vmem>>, %arg14: memref<48x128xf32, #tpu.memory_space<vmem>>, %arg15: memref<48xi32, #tpu.memory_space<vmem>>, %arg16: memref<48xi32, #tpu.memory_space<vmem>>, %arg17: memref<48x128xf32, #tpu.memory_space<vmem>>, %arg18: memref<48x128xf32, #tpu.memory_space<vmem>>, %arg19: memref<48x128xf32, #tpu.memory_space<vmem>>, %arg20: memref<48x128xf32, #tpu.memory_space<vmem>>, %arg21: memref<48xi32, #tpu.memory_space<vmem>>, %arg22: memref<8x16xf32, #tpu.memory_space<vmem>>, %arg23: memref<8x16xf32, #tpu.memory_space<vmem>>, %arg24: memref<!tpu.dma_semaphore, #tpu.memory_space<semaphore_mem>>, %arg25: memref<!tpu.dma_semaphore, #tpu.memory_space<semaphore_mem>>, %arg26: memref<10240x128xf32, #tpu.memory_space<vmem_shared>>, %arg27: memref<640x128xf32, #tpu.memory_space<vmem_shared>>) attributes {dimension_semantics = [#tpu.dimension_semantics<core_parallel>, #tpu.dimension_semantics<subcore_parallel>], iteration_bounds = array<i64: 2, 16>, scalar_prefetch = 0 : i64, scratch_operands = 17 : i64, tpu.core_type = #tpu.core_type<sc_vector_subcore>, window_params = [{transform_indices = #map}, {transform_indices = #map}, {transform_indices = #map}, {transform_indices = #map}, {transform_indices = #map1}, {transform_indices = #map1}, {transform_indices = #map}, {transform_indices = #map2}, {transform_indices = #map2}]} {
    %mul3A = arith.constant 2 : i32
    %mul3A_0 = arith.muli %arg1, %mul3A : i32
    %add3A = arith.addi %mul3A_0, %arg0 : i32
    %mul3A_1 = arith.constant 640 : i32
    %mul3A_2 = arith.muli %arg1, %mul3A_1 : i32
    "tpu.region"() ({
      %run_scoped3A = tpu.sem_alloc : memref<!tpu.dma_semaphore, #tpu.memory_space<semaphore_mem>>
      %dma_start3A_117 = arith.constant 0 : i32
      %dma_start3A_118 = tpu.memref_slice %arg26[%mul3A_2, %dma_start3A_117] : memref<10240x128xf32, #tpu.memory_space<vmem_shared>> -> memref<640x128xf32, #tpu.memory_space<vmem_shared>>
      tpu.enqueue_dma source(%arg8 : memref<640x128xf32, #tpu.memory_space<hbm>>) target(%dma_start3A_118 : memref<640x128xf32, #tpu.memory_space<vmem_shared>>) target_semaphore(%run_scoped3A : memref<!tpu.dma_semaphore, #tpu.memory_space<semaphore_mem>>)
      %dma_wait3A_119 = arith.constant 0 : i32
      %dma_wait3A_120 = tpu.memref_slice %arg26[%mul3A_2, %dma_wait3A_119] : memref<10240x128xf32, #tpu.memory_space<vmem_shared>> -> memref<640x128xf32, #tpu.memory_space<vmem_shared>>
      tpu.wait_dma2 semaphore(%run_scoped3A : memref<!tpu.dma_semaphore, #tpu.memory_space<semaphore_mem>>) src(%arg8 : memref<640x128xf32, #tpu.memory_space<hbm>>) dst(%dma_wait3A_120 : memref<640x128xf32, #tpu.memory_space<vmem_shared>>)
      tpu.yield
    }) : () -> ()
    %mul3A_3 = arith.constant 40 : i32
    %mul3A_4 = arith.muli %arg1, %mul3A_3 : i32
    "tpu.region"() ({
      %run_scoped3A = tpu.sem_alloc : memref<!tpu.dma_semaphore, #tpu.memory_space<semaphore_mem>>
      %dma_start3A_117 = arith.constant 0 : i32
      %dma_start3A_118 = tpu.memref_slice %arg27[%mul3A_4, %dma_start3A_117] : memref<640x128xf32, #tpu.memory_space<vmem_shared>> -> memref<40x128xf32, #tpu.memory_space<vmem_shared>>
      %dma_start3A_119 = arith.constant 0 : i32
      %dma_start3A_120 = arith.constant 0 : i32
      %dma_start3A_121 = tpu.memref_slice %arg8[%dma_start3A_119, %dma_start3A_120] : memref<640x128xf32, #tpu.memory_space<hbm>> -> memref<40x128xf32, #tpu.memory_space<hbm>>
      tpu.enqueue_dma source(%dma_start3A_121 : memref<40x128xf32, #tpu.memory_space<hbm>>) target(%dma_start3A_118 : memref<40x128xf32, #tpu.memory_space<vmem_shared>>) target_semaphore(%run_scoped3A : memref<!tpu.dma_semaphore, #tpu.memory_space<semaphore_mem>>)
      %dma_wait3A_122 = arith.constant 0 : i32
      %dma_wait3A_123 = tpu.memref_slice %arg27[%mul3A_4, %dma_wait3A_122] : memref<640x128xf32, #tpu.memory_space<vmem_shared>> -> memref<40x128xf32, #tpu.memory_space<vmem_shared>>
      %dma_wait3A_124 = arith.constant 0 : i32
      %dma_wait3A_125 = arith.constant 0 : i32
      %dma_wait3A_126 = tpu.memref_slice %arg8[%dma_wait3A_124, %dma_wait3A_125] : memref<640x128xf32, #tpu.memory_space<hbm>> -> memref<40x128xf32, #tpu.memory_space<hbm>>
      tpu.wait_dma2 semaphore(%run_scoped3A : memref<!tpu.dma_semaphore, #tpu.memory_space<semaphore_mem>>) src(%dma_wait3A_126 : memref<40x128xf32, #tpu.memory_space<hbm>>) dst(%dma_wait3A_123 : memref<40x128xf32, #tpu.memory_space<vmem_shared>>)
      tpu.yield
    }) : () -> ()
    "tpu.region"() ({
      %run_scoped3A = tpu.sem_alloc : memref<!tpu.dma_semaphore, #tpu.memory_space<semaphore_mem>>
      tpu.enqueue_dma source(%arg4 : memref<8x16xf32, #tpu.memory_space<hbm>>) target(%arg22 : memref<8x16xf32, #tpu.memory_space<vmem>>) target_semaphore(%run_scoped3A : memref<!tpu.dma_semaphore, #tpu.memory_space<semaphore_mem>>)
      tpu.wait_dma2 semaphore(%run_scoped3A : memref<!tpu.dma_semaphore, #tpu.memory_space<semaphore_mem>>) src(%arg4 : memref<8x16xf32, #tpu.memory_space<hbm>>) dst(%arg22 : memref<8x16xf32, #tpu.memory_space<vmem>>)
      tpu.yield
    }) : () -> ()
    "tpu.region"() ({
      %run_scoped3A = tpu.sem_alloc : memref<!tpu.dma_semaphore, #tpu.memory_space<semaphore_mem>>
      tpu.enqueue_dma source(%arg5 : memref<8x16xf32, #tpu.memory_space<hbm>>) target(%arg23 : memref<8x16xf32, #tpu.memory_space<vmem>>) target_semaphore(%run_scoped3A : memref<!tpu.dma_semaphore, #tpu.memory_space<semaphore_mem>>)
      tpu.wait_dma2 semaphore(%run_scoped3A : memref<!tpu.dma_semaphore, #tpu.memory_space<semaphore_mem>>) src(%arg5 : memref<8x16xf32, #tpu.memory_space<hbm>>) dst(%arg23 : memref<8x16xf32, #tpu.memory_space<vmem>>)
      tpu.yield
    }) : () -> ()
    %barrier3A = arith.constant 0 : index
    tpu.barrier barrier_id(%barrier3A)
    %iota3A = tpu.iota {dimensions = array<i32: 0>} : vector<16xi32>
    %convert_element_type3A = arith.sitofp %iota3A : vector<16xi32> to vector<16xf32>
    %sub3A = arith.constant 0.000000e+00 : f32
    %sub3A_5 = vector.broadcast %sub3A : f32 to vector<16xf32>
    %sub3A_6 = arith.subf %convert_element_type3A, %sub3A_5 : vector<16xf32>
    %mul3A_7 = arith.mulf %sub3A_6, %sub3A_6 : vector<16xf32>
    %sub3A_8 = arith.constant 1.000000e+00 : f32
    %sub3A_9 = vector.broadcast %sub3A_8 : f32 to vector<16xf32>
    %sub3A_10 = arith.subf %sub3A_9, %mul3A_7 : vector<16xf32>
    %max3A = arith.constant 0.000000e+00 : f32
    %max3A_11 = vector.broadcast %max3A : f32 to vector<16xf32>
    %max3A_12 = arith.maximumf %sub3A_10, %max3A_11 : vector<16xf32>
    %sub3A_13 = arith.constant 1.000000e+00 : f32
    %sub3A_14 = vector.broadcast %sub3A_13 : f32 to vector<16xf32>
    %sub3A_15 = arith.subf %convert_element_type3A, %sub3A_14 : vector<16xf32>
    %mul3A_16 = arith.mulf %sub3A_15, %sub3A_15 : vector<16xf32>
    %sub3A_17 = arith.constant 1.000000e+00 : f32
    %sub3A_18 = vector.broadcast %sub3A_17 : f32 to vector<16xf32>
    %sub3A_19 = arith.subf %sub3A_18, %mul3A_16 : vector<16xf32>
    %max3A_20 = arith.constant 0.000000e+00 : f32
    %max3A_21 = vector.broadcast %max3A_20 : f32 to vector<16xf32>
    %max3A_22 = arith.maximumf %sub3A_19, %max3A_21 : vector<16xf32>
    %sub3A_23 = arith.constant 2.000000e+00 : f32
    %sub3A_24 = vector.broadcast %sub3A_23 : f32 to vector<16xf32>
    %sub3A_25 = arith.subf %convert_element_type3A, %sub3A_24 : vector<16xf32>
    %mul3A_26 = arith.mulf %sub3A_25, %sub3A_25 : vector<16xf32>
    %sub3A_27 = arith.constant 1.000000e+00 : f32
    %sub3A_28 = vector.broadcast %sub3A_27 : f32 to vector<16xf32>
    %sub3A_29 = arith.subf %sub3A_28, %mul3A_26 : vector<16xf32>
    %max3A_30 = arith.constant 0.000000e+00 : f32
    %max3A_31 = vector.broadcast %max3A_30 : f32 to vector<16xf32>
    %max3A_32 = arith.maximumf %sub3A_29, %max3A_31 : vector<16xf32>
    %sub3A_33 = arith.constant 3.000000e+00 : f32
    %sub3A_34 = vector.broadcast %sub3A_33 : f32 to vector<16xf32>
    %sub3A_35 = arith.subf %convert_element_type3A, %sub3A_34 : vector<16xf32>
    %mul3A_36 = arith.mulf %sub3A_35, %sub3A_35 : vector<16xf32>
    %sub3A_37 = arith.constant 1.000000e+00 : f32
    %sub3A_38 = vector.broadcast %sub3A_37 : f32 to vector<16xf32>
    %sub3A_39 = arith.subf %sub3A_38, %mul3A_36 : vector<16xf32>
    %max3A_40 = arith.constant 0.000000e+00 : f32
    %max3A_41 = vector.broadcast %max3A_40 : f32 to vector<16xf32>
    %max3A_42 = arith.maximumf %sub3A_39, %max3A_41 : vector<16xf32>
    %sub3A_43 = arith.constant 4.000000e+00 : f32
    %sub3A_44 = vector.broadcast %sub3A_43 : f32 to vector<16xf32>
    %sub3A_45 = arith.subf %convert_element_type3A, %sub3A_44 : vector<16xf32>
    %mul3A_46 = arith.mulf %sub3A_45, %sub3A_45 : vector<16xf32>
    %sub3A_47 = arith.constant 1.000000e+00 : f32
    %sub3A_48 = vector.broadcast %sub3A_47 : f32 to vector<16xf32>
    %sub3A_49 = arith.subf %sub3A_48, %mul3A_46 : vector<16xf32>
    %max3A_50 = arith.constant 0.000000e+00 : f32
    %max3A_51 = vector.broadcast %max3A_50 : f32 to vector<16xf32>
    %max3A_52 = arith.maximumf %sub3A_49, %max3A_51 : vector<16xf32>
    %sub3A_53 = arith.constant 5.000000e+00 : f32
    %sub3A_54 = vector.broadcast %sub3A_53 : f32 to vector<16xf32>
    %sub3A_55 = arith.subf %convert_element_type3A, %sub3A_54 : vector<16xf32>
    %mul3A_56 = arith.mulf %sub3A_55, %sub3A_55 : vector<16xf32>
    %sub3A_57 = arith.constant 1.000000e+00 : f32
    %sub3A_58 = vector.broadcast %sub3A_57 : f32 to vector<16xf32>
    %sub3A_59 = arith.subf %sub3A_58, %mul3A_56 : vector<16xf32>
    %max3A_60 = arith.constant 0.000000e+00 : f32
    %max3A_61 = vector.broadcast %max3A_60 : f32 to vector<16xf32>
    %max3A_62 = arith.maximumf %sub3A_59, %max3A_61 : vector<16xf32>
    %sub3A_63 = arith.constant 6.000000e+00 : f32
    %sub3A_64 = vector.broadcast %sub3A_63 : f32 to vector<16xf32>
    %sub3A_65 = arith.subf %convert_element_type3A, %sub3A_64 : vector<16xf32>
    %mul3A_66 = arith.mulf %sub3A_65, %sub3A_65 : vector<16xf32>
    %sub3A_67 = arith.constant 1.000000e+00 : f32
    %sub3A_68 = vector.broadcast %sub3A_67 : f32 to vector<16xf32>
    %sub3A_69 = arith.subf %sub3A_68, %mul3A_66 : vector<16xf32>
    %max3A_70 = arith.constant 0.000000e+00 : f32
    %max3A_71 = vector.broadcast %max3A_70 : f32 to vector<16xf32>
    %max3A_72 = arith.maximumf %sub3A_69, %max3A_71 : vector<16xf32>
    %sub3A_73 = arith.constant 7.000000e+00 : f32
    %sub3A_74 = vector.broadcast %sub3A_73 : f32 to vector<16xf32>
    %sub3A_75 = arith.subf %convert_element_type3A, %sub3A_74 : vector<16xf32>
    %mul3A_76 = arith.mulf %sub3A_75, %sub3A_75 : vector<16xf32>
    %sub3A_77 = arith.constant 1.000000e+00 : f32
    %sub3A_78 = vector.broadcast %sub3A_77 : f32 to vector<16xf32>
    %sub3A_79 = arith.subf %sub3A_78, %mul3A_76 : vector<16xf32>
    %max3A_80 = arith.constant 0.000000e+00 : f32
    %max3A_81 = vector.broadcast %max3A_80 : f32 to vector<16xf32>
    %max3A_82 = arith.maximumf %sub3A_79, %max3A_81 : vector<16xf32>
    %mul3A_83 = arith.constant 10496 : i32
    %mul3A_84 = arith.muli %add3A, %mul3A_83 : i32
    %add3A_85 = arith.constant 0 : i32
    %add3A_86 = arith.addi %mul3A_84, %add3A_85 : i32
    "tpu.region"() ({
      %run_scoped3A = tpu.sem_alloc : memref<!tpu.dma_semaphore, #tpu.memory_space<semaphore_mem>>
      %dma_start3A_117 = tpu.memref_slice %arg6[%add3A_86] : memref<335872xi32, #tpu.memory_space<hbm>> -> memref<48xi32, #tpu.memory_space<hbm>>
      %dma_start3A_118 = tpu.memref_slice %arg6[%add3A_86] : memref<335872xi32, #tpu.memory_space<hbm>> -> memref<48xi32, #tpu.memory_space<hbm>>
      tpu.enqueue_dma source(%dma_start3A_118 : memref<48xi32, #tpu.memory_space<hbm>>) target(%arg11 : memref<48xi32, #tpu.memory_space<vmem>>) target_semaphore(%run_scoped3A : memref<!tpu.dma_semaphore, #tpu.memory_space<semaphore_mem>>)
      %dma_wait3A_119 = tpu.memref_slice %arg6[%add3A_86] : memref<335872xi32, #tpu.memory_space<hbm>> -> memref<48xi32, #tpu.memory_space<hbm>>
      %dma_wait3A_120 = tpu.memref_slice %arg6[%add3A_86] : memref<335872xi32, #tpu.memory_space<hbm>> -> memref<48xi32, #tpu.memory_space<hbm>>
      tpu.wait_dma2 semaphore(%run_scoped3A : memref<!tpu.dma_semaphore, #tpu.memory_space<semaphore_mem>>) src(%dma_wait3A_120 : memref<48xi32, #tpu.memory_space<hbm>>) dst(%arg11 : memref<48xi32, #tpu.memory_space<vmem>>)
      tpu.yield
    }) : () -> ()
    "tpu.region"() ({
      %run_scoped3A = tpu.sem_alloc : memref<!tpu.dma_semaphore, #tpu.memory_space<semaphore_mem>>
      %dma_start3A_117 = tpu.memref_slice %arg7[%add3A_86] : memref<335872xi32, #tpu.memory_space<hbm>> -> memref<48xi32, #tpu.memory_space<hbm>>
      %dma_start3A_118 = tpu.memref_slice %arg7[%add3A_86] : memref<335872xi32, #tpu.memory_space<hbm>> -> memref<48xi32, #tpu.memory_space<hbm>>
      tpu.enqueue_dma source(%dma_start3A_118 : memref<48xi32, #tpu.memory_space<hbm>>) target(%arg12 : memref<48xi32, #tpu.memory_space<vmem>>) target_semaphore(%run_scoped3A : memref<!tpu.dma_semaphore, #tpu.memory_space<semaphore_mem>>)
      %dma_wait3A_119 = tpu.memref_slice %arg7[%add3A_86] : memref<335872xi32, #tpu.memory_space<hbm>> -> memref<48xi32, #tpu.memory_space<hbm>>
      %dma_wait3A_120 = tpu.memref_slice %arg7[%add3A_86] : memref<335872xi32, #tpu.memory_space<hbm>> -> memref<48xi32, #tpu.memory_space<hbm>>
      tpu.wait_dma2 semaphore(%run_scoped3A : memref<!tpu.dma_semaphore, #tpu.memory_space<semaphore_mem>>) src(%dma_wait3A_120 : memref<48xi32, #tpu.memory_space<hbm>>) dst(%arg12 : memref<48xi32, #tpu.memory_space<vmem>>)
      tpu.yield
    }) : () -> ()
    %dma_start3A = arith.constant 0 : i32
    %dma_start3A_87 = arith.constant 0 : i32
    %dma_start3A_88 = tpu.memref_slice %arg2[%dma_start3A, %dma_start3A_87] : memref<10240x128xf32, #tpu.memory_space<hbm>> -> memref<10240x128xf32, #tpu.memory_space<hbm>>
    tpu.enqueue_indirect_dma source(%dma_start3A_88 : memref<10240x128xf32, #tpu.memory_space<hbm>>) target(%arg13 : memref<48x128xf32, #tpu.memory_space<vmem>>) offsets(%arg11 : memref<48xi32, #tpu.memory_space<vmem>>) semaphore(%arg24 : memref<!tpu.dma_semaphore, #tpu.memory_space<semaphore_mem>>)
    %dma_start3A_89 = arith.constant 0 : i32
    %dma_start3A_90 = arith.constant 0 : i32
    %dma_start3A_91 = tpu.memref_slice %arg3[%dma_start3A_89, %dma_start3A_90] : memref<10240x128xf32, #tpu.memory_space<hbm>> -> memref<10240x128xf32, #tpu.memory_space<hbm>>
    tpu.enqueue_indirect_dma source(%dma_start3A_91 : memref<10240x128xf32, #tpu.memory_space<hbm>>) target(%arg14 : memref<48x128xf32, #tpu.memory_space<vmem>>) offsets(%arg12 : memref<48xi32, #tpu.memory_space<vmem>>) semaphore(%arg24 : memref<!tpu.dma_semaphore, #tpu.memory_space<semaphore_mem>>)
    %scan3A = arith.constant 0 : i32
    %scan3A_92 = arith.constant 0 : i32
    %scan3A_93 = arith.constant 108 : i32
    %scan3A_94 = arith.addi %scan3A_92, %scan3A_93 : i32
    %scan3A_95 = arith.constant 1 : i32
    scf.for %scan3A_117 = %scan3A_92 to %scan3A_94 step %scan3A_95  : i32 {
      %mul3A_118 = arith.constant 2 : i32
      %mul3A_119 = arith.muli %mul3A_118, %scan3A_117 : i32
      %add3A_120 = arith.constant 0 : i32
      %add3A_121 = arith.addi %mul3A_119, %add3A_120 : i32
      %add3A_122 = arith.constant 1 : i32
      %add3A_123 = arith.addi %add3A_121, %add3A_122 : i32
      %mul3A_124 = arith.constant 10496 : i32
      %mul3A_125 = arith.muli %add3A, %mul3A_124 : i32
      %mul3A_126 = arith.constant 48 : i32
      %mul3A_127 = arith.muli %add3A_123, %mul3A_126 : i32
      %add3A_128 = arith.addi %mul3A_125, %mul3A_127 : i32
      "tpu.region"() ({
        %run_scoped3A = tpu.sem_alloc : memref<!tpu.dma_semaphore, #tpu.memory_space<semaphore_mem>>
        %dma_start3A_233 = tpu.memref_slice %arg6[%add3A_128] : memref<335872xi32, #tpu.memory_space<hbm>> -> memref<48xi32, #tpu.memory_space<hbm>>
        %dma_start3A_234 = tpu.memref_slice %arg6[%add3A_128] : memref<335872xi32, #tpu.memory_space<hbm>> -> memref<48xi32, #tpu.memory_space<hbm>>
        tpu.enqueue_dma source(%dma_start3A_234 : memref<48xi32, #tpu.memory_space<hbm>>) target(%arg15 : memref<48xi32, #tpu.memory_space<vmem>>) target_semaphore(%run_scoped3A : memref<!tpu.dma_semaphore, #tpu.memory_space<semaphore_mem>>)
        %dma_wait3A_235 = tpu.memref_slice %arg6[%add3A_128] : memref<335872xi32, #tpu.memory_space<hbm>> -> memref<48xi32, #tpu.memory_space<hbm>>
        %dma_wait3A_236 = tpu.memref_slice %arg6[%add3A_128] : memref<335872xi32, #tpu.memory_space<hbm>> -> memref<48xi32, #tpu.memory_space<hbm>>
        tpu.wait_dma2 semaphore(%run_scoped3A : memref<!tpu.dma_semaphore, #tpu.memory_space<semaphore_mem>>) src(%dma_wait3A_236 : memref<48xi32, #tpu.memory_space<hbm>>) dst(%arg15 : memref<48xi32, #tpu.memory_space<vmem>>)
        tpu.yield
      }) : () -> ()
      "tpu.region"() ({
        %run_scoped3A = tpu.sem_alloc : memref<!tpu.dma_semaphore, #tpu.memory_space<semaphore_mem>>
        %dma_start3A_233 = tpu.memref_slice %arg7[%add3A_128] : memref<335872xi32, #tpu.memory_space<hbm>> -> memref<48xi32, #tpu.memory_space<hbm>>
        %dma_start3A_234 = tpu.memref_slice %arg7[%add3A_128] : memref<335872xi32, #tpu.memory_space<hbm>> -> memref<48xi32, #tpu.memory_space<hbm>>
        tpu.enqueue_dma source(%dma_start3A_234 : memref<48xi32, #tpu.memory_space<hbm>>) target(%arg16 : memref<48xi32, #tpu.memory_space<vmem>>) target_semaphore(%run_scoped3A : memref<!tpu.dma_semaphore, #tpu.memory_space<semaphore_mem>>)
        %dma_wait3A_235 = tpu.memref_slice %arg7[%add3A_128] : memref<335872xi32, #tpu.memory_space<hbm>> -> memref<48xi32, #tpu.memory_space<hbm>>
        %dma_wait3A_236 = tpu.memref_slice %arg7[%add3A_128] : memref<335872xi32, #tpu.memory_space<hbm>> -> memref<48xi32, #tpu.memory_space<hbm>>
        tpu.wait_dma2 semaphore(%run_scoped3A : memref<!tpu.dma_semaphore, #tpu.memory_space<semaphore_mem>>) src(%dma_wait3A_236 : memref<48xi32, #tpu.memory_space<hbm>>) dst(%arg16 : memref<48xi32, #tpu.memory_space<vmem>>)
        tpu.yield
      }) : () -> ()
      %dma_start3A_129 = arith.constant 0 : i32
      %dma_start3A_130 = arith.constant 0 : i32
      %dma_start3A_131 = tpu.memref_slice %arg2[%dma_start3A_129, %dma_start3A_130] : memref<10240x128xf32, #tpu.memory_space<hbm>> -> memref<10240x128xf32, #tpu.memory_space<hbm>>
      tpu.enqueue_indirect_dma source(%dma_start3A_131 : memref<10240x128xf32, #tpu.memory_space<hbm>>) target(%arg17 : memref<48x128xf32, #tpu.memory_space<vmem>>) offsets(%arg15 : memref<48xi32, #tpu.memory_space<vmem>>) semaphore(%arg25 : memref<!tpu.dma_semaphore, #tpu.memory_space<semaphore_mem>>)
      %dma_start3A_132 = arith.constant 0 : i32
      %dma_start3A_133 = arith.constant 0 : i32
      %dma_start3A_134 = tpu.memref_slice %arg3[%dma_start3A_132, %dma_start3A_133] : memref<10240x128xf32, #tpu.memory_space<hbm>> -> memref<10240x128xf32, #tpu.memory_space<hbm>>
      tpu.enqueue_indirect_dma source(%dma_start3A_134 : memref<10240x128xf32, #tpu.memory_space<hbm>>) target(%arg18 : memref<48x128xf32, #tpu.memory_space<vmem>>) offsets(%arg16 : memref<48xi32, #tpu.memory_space<vmem>>) semaphore(%arg25 : memref<!tpu.dma_semaphore, #tpu.memory_space<semaphore_mem>>)
      %dma_wait3A_135 = arith.constant 0 : i32
      %dma_wait3A_136 = arith.constant 0 : i32
      %dma_wait3A_137 = tpu.memref_slice %arg2[%dma_wait3A_135, %dma_wait3A_136] : memref<10240x128xf32, #tpu.memory_space<hbm>> -> memref<48x128xf32, #tpu.memory_space<hbm>>
      %dma_wait3A_138 = arith.constant 0 : i32
      %dma_wait3A_139 = arith.constant 0 : i32
      %dma_wait3A_140 = tpu.memref_slice %arg2[%dma_wait3A_138, %dma_wait3A_139] : memref<10240x128xf32, #tpu.memory_space<hbm>> -> memref<48x128xf32, #tpu.memory_space<hbm>>
      tpu.wait_dma2 semaphore(%arg24 : memref<!tpu.dma_semaphore, #tpu.memory_space<semaphore_mem>>) src(%dma_wait3A_140 : memref<48x128xf32, #tpu.memory_space<hbm>>) dst(%arg13 : memref<48x128xf32, #tpu.memory_space<vmem>>)
      %dma_wait3A_141 = arith.constant 0 : i32
      %dma_wait3A_142 = arith.constant 0 : i32
      %dma_wait3A_143 = tpu.memref_slice %arg3[%dma_wait3A_141, %dma_wait3A_142] : memref<10240x128xf32, #tpu.memory_space<hbm>> -> memref<48x128xf32, #tpu.memory_space<hbm>>
      %dma_wait3A_144 = arith.constant 0 : i32
      %dma_wait3A_145 = arith.constant 0 : i32
      %dma_wait3A_146 = tpu.memref_slice %arg3[%dma_wait3A_144, %dma_wait3A_145] : memref<10240x128xf32, #tpu.memory_space<hbm>> -> memref<48x128xf32, #tpu.memory_space<hbm>>
      tpu.wait_dma2 semaphore(%arg24 : memref<!tpu.dma_semaphore, #tpu.memory_space<semaphore_mem>>) src(%dma_wait3A_146 : memref<48x128xf32, #tpu.memory_space<hbm>>) dst(%arg14 : memref<48x128xf32, #tpu.memory_space<vmem>>)
      %get3A = arith.constant 0 : index
      %get3A_147 = tpu.vector_load %arg12[%get3A] {strides = array<i32>} : memref<48xi32, #tpu.memory_space<vmem>>, vector<16xi32>,
      %get3A_148 = vector.shape_cast %get3A_147 : vector<16xi32> to vector<16xi32>
      %shift_right_arithmetic3A = arith.constant 4 : i32
      %shift_right_arithmetic3A_149 = vector.broadcast %shift_right_arithmetic3A : i32 to vector<16xi32>
      %shift_right_arithmetic3A_150 = arith.shrsi %get3A_148, %shift_right_arithmetic3A_149 : vector<16xi32>
      %swap3A = arith.constant 0 : index
      %swap3A_151 = tpu.vector_load %arg21[%swap3A] {strides = array<i32>} : memref<48xi32, #tpu.memory_space<vmem>>, vector<16xi32>,
      %swap3A_152 = vector.shape_cast %swap3A_151 : vector<16xi32> to vector<16xi32>
      %swap3A_153 = vector.shape_cast %shift_right_arithmetic3A_150 : vector<16xi32> to vector<16xi32>
      tpu.vector_store %arg21[%swap3A], %swap3A_153 {strides = array<i32>} : memref<48xi32, #tpu.memory_space<vmem>>, vector<16xi32>,
      %get3A_154 = arith.constant 16 : index
      %get3A_155 = tpu.vector_load %arg12[%get3A_154] {strides = array<i32>} : memref<48xi32, #tpu.memory_space<vmem>>, vector<16xi32>,
      %get3A_156 = vector.shape_cast %get3A_155 : vector<16xi32> to vector<16xi32>
      %shift_right_arithmetic3A_157 = arith.constant 4 : i32
      %shift_right_arithmetic3A_158 = vector.broadcast %shift_right_arithmetic3A_157 : i32 to vector<16xi32>
      %shift_right_arithmetic3A_159 = arith.shrsi %get3A_156, %shift_right_arithmetic3A_158 : vector<16xi32>
      %swap3A_160 = arith.constant 16 : index
      %swap3A_161 = tpu.vector_load %arg21[%swap3A_160] {strides = array<i32>} : memref<48xi32, #tpu.memory_space<vmem>>, vector<16xi32>,
      %swap3A_162 = vector.shape_cast %swap3A_161 : vector<16xi32> to vector<16xi32>
      %swap3A_163 = vector.shape_cast %shift_right_arithmetic3A_159 : vector<16xi32> to vector<16xi32>
      tpu.vector_store %arg21[%swap3A_160], %swap3A_163 {strides = array<i32>} : memref<48xi32, #tpu.memory_space<vmem>>, vector<16xi32>,
      %get3A_164 = arith.constant 32 : index
      %get3A_165 = tpu.vector_load %arg12[%get3A_164] {strides = array<i32>} : memref<48xi32, #tpu.memory_space<vmem>>, vector<16xi32>,
      %get3A_166 = vector.shape_cast %get3A_165 : vector<16xi32> to vector<16xi32>
      %shift_right_arithmetic3A_167 = arith.constant 4 : i32
      %shift_right_arithmetic3A_168 = vector.broadcast %shift_right_arithmetic3A_167 : i32 to vector<16xi32>
      %shift_right_arithmetic3A_169 = arith.shrsi %get3A_166, %shift_right_arithmetic3A_168 : vector<16xi32>
      %swap3A_170 = arith.constant 32 : index
      %swap3A_171 = tpu.vector_load %arg21[%swap3A_170] {strides = array<i32>} : memref<48xi32, #tpu.memory_space<vmem>>, vector<16xi32>,
      %swap3A_172 = vector.shape_cast %swap3A_171 : vector<16xi32> to vector<16xi32>
      %swap3A_173 = vector.shape_cast %shift_right_arithmetic3A_169 : vector<16xi32> to vector<16xi32>
      tpu.vector_store %arg21[%swap3A_170], %swap3A_173 {strides = array<i32>} : memref<48xi32, #tpu.memory_space<vmem>>, vector<16xi32>,
      %mul3A_174 = arith.constant 2 : i32
      %mul3A_175 = arith.muli %mul3A_174, %scan3A_117 : i32
      %add3A_176 = arith.constant 1 : i32
      %add3A_177 = arith.addi %mul3A_175, %add3A_176 : i32
      %add3A_178 = arith.constant 1 : i32
      %add3A_179 = arith.addi %add3A_177, %add3A_178 : i32
      %mul3A_180 = arith.constant 10496 : i32
      %mul3A_181 = arith.muli %add3A, %mul3A_180 : i32
      %mul3A_182 = arith.constant 48 : i32
      %mul3A_183 = arith.muli %add3A_179, %mul3A_182 : i32
      %add3A_184 = arith.addi %mul3A_181, %mul3A_183 : i32
      "tpu.region"() ({
        %run_scoped3A = tpu.sem_alloc : memref<!tpu.dma_semaphore, #tpu.memory_space<semaphore_mem>>
        %dma_start3A_233 = tpu.memref_slice %arg6[%add3A_184] : memref<335872xi32, #tpu.memory_space<hbm>> -> memref<48xi32, #tpu.memory_space<hbm>>
        %dma_start3A_234 = tpu.memref_slice %arg6[%add3A_184] : memref<335872xi32, #tpu.memory_space<hbm>> -> memref<48xi32, #tpu.memory_space<hbm>>
        tpu.enqueue_dma source(%dma_start3A_234 : memref<48xi32, #tpu.memory_space<hbm>>) target(%arg11 : memref<48xi32, #tpu.memory_space<vmem>>) target_semaphore(%run_scoped3A : memref<!tpu.dma_semaphore, #tpu.memory_space<semaphore_mem>>)
        %dma_wait3A_235 = tpu.memref_slice %arg6[%add3A_184] : memref<335872xi32, #tpu.memory_space<hbm>> -> memref<48xi32, #tpu.memory_space<hbm>>
        %dma_wait3A_236 = tpu.memref_slice %arg6[%add3A_184] : memref<335872xi32, #tpu.memory_space<hbm>> -> memref<48xi32, #tpu.memory_space<hbm>>
        tpu.wait_dma2 semaphore(%run_scoped3A : memref<!tpu.dma_semaphore, #tpu.memory_space<semaphore_mem>>) src(%dma_wait3A_236 : memref<48xi32, #tpu.memory_space<hbm>>) dst(%arg11 : memref<48xi32, #tpu.memory_space<vmem>>)
        tpu.yield
      }) : () -> ()
      "tpu.region"() ({
        %run_scoped3A = tpu.sem_alloc : memref<!tpu.dma_semaphore, #tpu.memory_space<semaphore_mem>>
        %dma_start3A_233 = tpu.memref_slice %arg7[%add3A_184] : memref<335872xi32, #tpu.memory_space<hbm>> -> memref<48xi32, #tpu.memory_space<hbm>>
        %dma_start3A_234 = tpu.memref_slice %arg7[%add3A_184] : memref<335872xi32, #tpu.memory_space<hbm>> -> memref<48xi32, #tpu.memory_space<hbm>>
        tpu.enqueue_dma source(%dma_start3A_234 : memref<48xi32, #tpu.memory_space<hbm>>) target(%arg12 : memref<48xi32, #tpu.memory_space<vmem>>) target_semaphore(%run_scoped3A : memref<!tpu.dma_semaphore, #tpu.memory_space<semaphore_mem>>)
        %dma_wait3A_235 = tpu.memref_slice %arg7[%add3A_184] : memref<335872xi32, #tpu.memory_space<hbm>> -> memref<48xi32, #tpu.memory_space<hbm>>
        %dma_wait3A_236 = tpu.memref_slice %arg7[%add3A_184] : memref<335872xi32, #tpu.memory_space<hbm>> -> memref<48xi32, #tpu.memory_space<hbm>>
        tpu.wait_dma2 semaphore(%run_scoped3A : memref<!tpu.dma_semaphore, #tpu.memory_space<semaphore_mem>>) src(%dma_wait3A_236 : memref<48xi32, #tpu.memory_space<hbm>>) dst(%arg12 : memref<48xi32, #tpu.memory_space<vmem>>)
        tpu.yield
      }) : () -> ()
      %dma_start3A_185 = arith.constant 0 : i32
      %dma_start3A_186 = arith.constant 0 : i32
      %dma_start3A_187 = tpu.memref_slice %arg2[%dma_start3A_185, %dma_start3A_186] : memref<10240x128xf32, #tpu.memory_space<hbm>> -> memref<10240x128xf32, #tpu.memory_space<hbm>>
      tpu.enqueue_indirect_dma source(%dma_start3A_187 : memref<10240x128xf32, #tpu.memory_space<hbm>>) target(%arg13 : memref<48x128xf32, #tpu.memory_space<vmem>>) offsets(%arg11 : memref<48xi32, #tpu.memory_space<vmem>>) semaphore(%arg24 : memref<!tpu.dma_semaphore, #tpu.memory_space<semaphore_mem>>)
      %dma_start3A_188 = arith.constant 0 : i32
      %dma_start3A_189 = arith.constant 0 : i32
      %dma_start3A_190 = tpu.memref_slice %arg3[%dma_start3A_188, %dma_start3A_189] : memref<10240x128xf32, #tpu.memory_space<hbm>> -> memref<10240x128xf32, #tpu.memory_space<hbm>>
      tpu.enqueue_indirect_dma source(%dma_start3A_190 : memref<10240x128xf32, #tpu.memory_space<hbm>>) target(%arg14 : memref<48x128xf32, #tpu.memory_space<vmem>>) offsets(%arg12 : memref<48xi32, #tpu.memory_space<vmem>>) semaphore(%arg24 : memref<!tpu.dma_semaphore, #tpu.memory_space<semaphore_mem>>)
      %dma_wait3A_191 = arith.constant 0 : i32
      %dma_wait3A_192 = arith.constant 0 : i32
      %dma_wait3A_193 = tpu.memref_slice %arg2[%dma_wait3A_191, %dma_wait3A_192] : memref<10240x128xf32, #tpu.memory_space<hbm>> -> memref<48x128xf32, #tpu.memory_space<hbm>>
      %dma_wait3A_194 = arith.constant 0 : i32
      %dma_wait3A_195 = arith.constant 0 : i32
      %dma_wait3A_196 = tpu.memref_slice %arg2[%dma_wait3A_194, %dma_wait3A_195] : memref<10240x128xf32, #tpu.memory_space<hbm>> -> memref<48x128xf32, #tpu.memory_space<hbm>>
      tpu.wait_dma2 semaphore(%arg25 : memref<!tpu.dma_semaphore, #tpu.memory_space<semaphore_mem>>) src(%dma_wait3A_196 : memref<48x128xf32, #tpu.memory_space<hbm>>) dst(%arg17 : memref<48x128xf32, #tpu.memory_space<vmem>>)
      %dma_wait3A_197 = arith.constant 0 : i32
      %dma_wait3A_198 = arith.constant 0 : i32
      %dma_wait3A_199 = tpu.memref_slice %arg3[%dma_wait3A_197, %dma_wait3A_198] : memref<10240x128xf32, #tpu.memory_space<hbm>> -> memref<48x128xf32, #tpu.memory_space<hbm>>
      %dma_wait3A_200 = arith.constant 0 : i32
      %dma_wait3A_201 = arith.constant 0 : i32
      %dma_wait3A_202 = tpu.memref_slice %arg3[%dma_wait3A_200, %dma_wait3A_201] : memref<10240x128xf32, #tpu.memory_space<hbm>> -> memref<48x128xf32, #tpu.memory_space<hbm>>
      tpu.wait_dma2 semaphore(%arg25 : memref<!tpu.dma_semaphore, #tpu.memory_space<semaphore_mem>>) src(%dma_wait3A_202 : memref<48x128xf32, #tpu.memory_space<hbm>>) dst(%arg18 : memref<48x128xf32, #tpu.memory_space<vmem>>)
      %get3A_203 = arith.constant 0 : index
      %get3A_204 = tpu.vector_load %arg16[%get3A_203] {strides = array<i32>} : memref<48xi32, #tpu.memory_space<vmem>>, vector<16xi32>,
      %get3A_205 = vector.shape_cast %get3A_204 : vector<16xi32> to vector<16xi32>
      %shift_right_arithmetic3A_206 = arith.constant 4 : i32
      %shift_right_arithmetic3A_207 = vector.broadcast %shift_right_arithmetic3A_206 : i32 to vector<16xi32>
      %shift_right_arithmetic3A_208 = arith.shrsi %get3A_205, %shift_right_arithmetic3A_207 : vector<16xi32>
      %swap3A_209 = arith.constant 0 : index
      %swap3A_210 = tpu.vector_load %arg21[%swap3A_209] {strides = array<i32>} : memref<48xi32, #tpu.memory_space<vmem>>, vector<16xi32>,
      %swap3A_211 = vector.shape_cast %swap3A_210 : vector<16xi32> to vector<16xi32>
      %swap3A_212 = vector.shape_cast %shift_right_arithmetic3A_208 : vector<16xi32> to vector<16xi32>
      tpu.vector_store %arg21[%swap3A_209], %swap3A_212 {strides = array<i32>} : memref<48xi32, #tpu.memory_space<vmem>>, vector<16xi32>,
      %get3A_213 = arith.constant 16 : index
      %get3A_214 = tpu.vector_load %arg16[%get3A_213] {strides = array<i32>} : memref<48xi32, #tpu.memory_space<vmem>>, vector<16xi32>,
      %get3A_215 = vector.shape_cast %get3A_214 : vector<16xi32> to vector<16xi32>
      %shift_right_arithmetic3A_216 = arith.constant 4 : i32
      %shift_right_arithmetic3A_217 = vector.broadcast %shift_right_arithmetic3A_216 : i32 to vector<16xi32>
      %shift_right_arithmetic3A_218 = arith.shrsi %get3A_215, %shift_right_arithmetic3A_217 : vector<16xi32>
      %swap3A_219 = arith.constant 16 : index
      %swap3A_220 = tpu.vector_load %arg21[%swap3A_219] {strides = array<i32>} : memref<48xi32, #tpu.memory_space<vmem>>, vector<16xi32>,
      %swap3A_221 = vector.shape_cast %swap3A_220 : vector<16xi32> to vector<16xi32>
      %swap3A_222 = vector.shape_cast %shift_right_arithmetic3A_218 : vector<16xi32> to vector<16xi32>
      tpu.vector_store %arg21[%swap3A_219], %swap3A_222 {strides = array<i32>} : memref<48xi32, #tpu.memory_space<vmem>>, vector<16xi32>,
      %get3A_223 = arith.constant 32 : index
      %get3A_224 = tpu.vector_load %arg16[%get3A_223] {strides = array<i32>} : memref<48xi32, #tpu.memory_space<vmem>>, vector<16xi32>,
      %get3A_225 = vector.shape_cast %get3A_224 : vector<16xi32> to vector<16xi32>
      %shift_right_arithmetic3A_226 = arith.constant 4 : i32
      %shift_right_arithmetic3A_227 = vector.broadcast %shift_right_arithmetic3A_226 : i32 to vector<16xi32>
      %shift_right_arithmetic3A_228 = arith.shrsi %get3A_225, %shift_right_arithmetic3A_227 : vector<16xi32>
      %swap3A_229 = arith.constant 32 : index
      %swap3A_230 = tpu.vector_load %arg21[%swap3A_229] {strides = array<i32>} : memref<48xi32, #tpu.memory_space<vmem>>, vector<16xi32>,
      %swap3A_231 = vector.shape_cast %swap3A_230 : vector<16xi32> to vector<16xi32>
      %swap3A_232 = vector.shape_cast %shift_right_arithmetic3A_228 : vector<16xi32> to vector<16xi32>
      tpu.vector_store %arg21[%swap3A_229], %swap3A_232 {strides = array<i32>} : memref<48xi32, #tpu.memory_space<vmem>>, vector<16xi32>,
    }
    %scan3A_96 = arith.constant 108 : i32
    %dma_wait3A = arith.constant 0 : i32
    %dma_wait3A_97 = arith.constant 0 : i32
    %dma_wait3A_98 = tpu.memref_slice %arg2[%dma_wait3A, %dma_wait3A_97] : memref<10240x128xf32, #tpu.memory_space<hbm>> -> memref<48x128xf32, #tpu.memory_space<hbm>>
    %dma_wait3A_99 = arith.constant 0 : i32
    %dma_wait3A_100 = arith.constant 0 : i32
    %dma_wait3A_101 = tpu.memref_slice %arg2[%dma_wait3A_99, %dma_wait3A_100] : memref<10240x128xf32, #tpu.memory_space<hbm>> -> memref<48x128xf32, #tpu.memory_space<hbm>>
    tpu.wait_dma2 semaphore(%arg24 : memref<!tpu.dma_semaphore, #tpu.memory_space<semaphore_mem>>) src(%dma_wait3A_101 : memref<48x128xf32, #tpu.memory_space<hbm>>) dst(%arg13 : memref<48x128xf32, #tpu.memory_space<vmem>>)
    %dma_wait3A_102 = arith.constant 0 : i32
    %dma_wait3A_103 = arith.constant 0 : i32
    %dma_wait3A_104 = tpu.memref_slice %arg3[%dma_wait3A_102, %dma_wait3A_103] : memref<10240x128xf32, #tpu.memory_space<hbm>> -> memref<48x128xf32, #tpu.memory_space<hbm>>
    %dma_wait3A_105 = arith.constant 0 : i32
    %dma_wait3A_106 = arith.constant 0 : i32
    %dma_wait3A_107 = tpu.memref_slice %arg3[%dma_wait3A_105, %dma_wait3A_106] : memref<10240x128xf32, #tpu.memory_space<hbm>> -> memref<48x128xf32, #tpu.memory_space<hbm>>
    tpu.wait_dma2 semaphore(%arg24 : memref<!tpu.dma_semaphore, #tpu.memory_space<semaphore_mem>>) src(%dma_wait3A_107 : memref<48x128xf32, #tpu.memory_space<hbm>>) dst(%arg14 : memref<48x128xf32, #tpu.memory_space<vmem>>)
    %barrier3A_108 = arith.constant 0 : index
    tpu.barrier barrier_id(%barrier3A_108)
    %mul3A_109 = arith.constant 640 : i32
    %mul3A_110 = arith.muli %arg1, %mul3A_109 : i32
    %mul3A_111 = arith.constant 640 : i32
    %mul3A_112 = arith.muli %arg1, %mul3A_111 : i32
    "tpu.region"() ({
      %run_scoped3A = tpu.sem_alloc : memref<!tpu.dma_semaphore, #tpu.memory_space<semaphore_mem>>
      %dma_start3A_117 = arith.constant 0 : i32
      %dma_start3A_118 = tpu.memref_slice %arg9[%arg0, %mul3A_112, %dma_start3A_117] : memref<2x10240x128xf32, #tpu.memory_space<hbm>> -> memref<1x640x128xf32, #tpu.memory_space<hbm>>
      %dma_start3A_119 = tpu.memref_squeeze %dma_start3A_118 : memref<1x640x128xf32, #tpu.memory_space<hbm>> -> memref<640x128xf32, #tpu.memory_space<hbm>>
      %dma_start3A_120 = arith.constant 0 : i32
      %dma_start3A_121 = tpu.memref_slice %arg26[%mul3A_110, %dma_start3A_120] : memref<10240x128xf32, #tpu.memory_space<vmem_shared>> -> memref<640x128xf32, #tpu.memory_space<vmem_shared>>
      tpu.enqueue_dma source(%dma_start3A_121 : memref<640x128xf32, #tpu.memory_space<vmem_shared>>) target(%dma_start3A_119 : memref<640x128xf32, #tpu.memory_space<hbm>>) target_semaphore(%run_scoped3A : memref<!tpu.dma_semaphore, #tpu.memory_space<semaphore_mem>>)
      %dma_wait3A_122 = arith.constant 0 : i32
      %dma_wait3A_123 = tpu.memref_slice %arg9[%arg0, %mul3A_112, %dma_wait3A_122] : memref<2x10240x128xf32, #tpu.memory_space<hbm>> -> memref<1x640x128xf32, #tpu.memory_space<hbm>>
      %dma_wait3A_124 = tpu.memref_squeeze %dma_wait3A_123 : memref<1x640x128xf32, #tpu.memory_space<hbm>> -> memref<640x128xf32, #tpu.memory_space<hbm>>
      %dma_wait3A_125 = arith.constant 0 : i32
      %dma_wait3A_126 = tpu.memref_slice %arg26[%mul3A_110, %dma_wait3A_125] : memref<10240x128xf32, #tpu.memory_space<vmem_shared>> -> memref<640x128xf32, #tpu.memory_space<vmem_shared>>
      tpu.wait_dma2 semaphore(%run_scoped3A : memref<!tpu.dma_semaphore, #tpu.memory_space<semaphore_mem>>) src(%dma_wait3A_126 : memref<640x128xf32, #tpu.memory_space<vmem_shared>>) dst(%dma_wait3A_124 : memref<640x128xf32, #tpu.memory_space<hbm>>)
      tpu.yield
    }) : () -> ()
    %mul3A_113 = arith.constant 40 : i32
    %mul3A_114 = arith.muli %arg1, %mul3A_113 : i32
    %mul3A_115 = arith.constant 40 : i32
    %mul3A_116 = arith.muli %arg1, %mul3A_115 : i32
    "tpu.region"() ({
      %run_scoped3A = tpu.sem_alloc : memref<!tpu.dma_semaphore, #tpu.memory_space<semaphore_mem>>
      %dma_start3A_117 = arith.constant 0 : i32
      %dma_start3A_118 = tpu.memref_slice %arg10[%arg0, %mul3A_116, %dma_start3A_117] : memref<2x640x128xf32, #tpu.memory_space<hbm>> -> memref<1x40x128xf32, #tpu.memory_space<hbm>>
      %dma_start3A_119 = tpu.memref_squeeze %dma_start3A_118 : memref<1x40x128xf32, #tpu.memory_space<hbm>> -> memref<40x128xf32, #tpu.memory_space<hbm>>
      %dma_start3A_120 = arith.constant 0 : i32
      %dma_start3A_121 = tpu.memref_slice %arg27[%mul3A_114, %dma_start3A_120] : memref<640x128xf32, #tpu.memory_space<vmem_shared>> -> memref<40x128xf32, #tpu.memory_space<vmem_shared>>
      tpu.enqueue_dma source(%dma_start3A_121 : memref<40x128xf32, #tpu.memory_space<vmem_shared>>) target(%dma_start3A_119 : memref<40x128xf32, #tpu.memory_space<hbm>>) target_semaphore(%run_scoped3A : memref<!tpu.dma_semaphore, #tpu.memory_space<semaphore_mem>>)
      %dma_wait3A_122 = arith.constant 0 : i32
      %dma_wait3A_123 = tpu.memref_slice %arg10[%arg0, %mul3A_116, %dma_wait3A_122] : memref<2x640x128xf32, #tpu.memory_space<hbm>> -> memref<1x40x128xf32, #tpu.memory_space<hbm>>
      %dma_wait3A_124 = tpu.memref_squeeze %dma_wait3A_123 : memref<1x40x128xf32, #tpu.memory_space<hbm>> -> memref<40x128xf32, #tpu.memory_space<hbm>>
      %dma_wait3A_125 = arith.constant 0 : i32
      %dma_wait3A_126 = tpu.memref_slice %arg27[%mul3A_114, %dma_wait3A_125] : memref<640x128xf32, #tpu.memory_space<vmem_shared>> -> memref<40x128xf32, #tpu.memory_space<vmem_shared>>
      tpu.wait_dma2 semaphore(%run_scoped3A : memref<!tpu.dma_semaphore, #tpu.memory_space<semaphore_mem>>) src(%dma_wait3A_126 : memref<40x128xf32, #tpu.memory_space<vmem_shared>>) dst(%dma_wait3A_124 : memref<40x128xf32, #tpu.memory_space<hbm>>)
      tpu.yield
    }) : () -> ()
    return
  }
}

#map = affine_map<(d0, d1) -> (0, 0)>
#map1 = affine_map<(d0, d1) -> (0)>
#map2 = affine_map<(d0, d1) -> (0, 0, 0)>
module attributes {stable_mosaic.version = 14 : i64} {
  func.func @_sc_edge_body(%arg0: i32, %arg1: i32, %arg2: memref<10240x128xf32, #tpu.memory_space<hbm>>, %arg3: memref<10240x128xf32, #tpu.memory_space<hbm>>, %arg4: memref<8x16xf32, #tpu.memory_space<hbm>>, %arg5: memref<8x16xf32, #tpu.memory_space<hbm>>, %arg6: memref<335872xi32, #tpu.memory_space<hbm>>, %arg7: memref<335872xi32, #tpu.memory_space<hbm>>, %arg8: memref<640x128xf32, #tpu.memory_space<hbm>>, %arg9: memref<2x10240x128xf32, #tpu.memory_space<hbm>>, %arg10: memref<2x640x128xf32, #tpu.memory_space<hbm>>, %arg11: memref<48xi32, #tpu.memory_space<vmem>>, %arg12: memref<48xi32, #tpu.memory_space<vmem>>, %arg13: memref<48x128xf32, #tpu.memory_space<vmem>>, %arg14: memref<48x128xf32, #tpu.memory_space<vmem>>, %arg15: memref<48xi32, #tpu.memory_space<vmem>>, %arg16: memref<48xi32, #tpu.memory_space<vmem>>, %arg17: memref<48x128xf32, #tpu.memory_space<vmem>>, %arg18: memref<48x128xf32, #tpu.memory_space<vmem>>, %arg19: memref<48x128xf32, #tpu.memory_space<vmem>>, %arg20: memref<48x128xf32, #tpu.memory_space<vmem>>, %arg21: memref<48xi32, #tpu.memory_space<vmem>>, %arg22: memref<8x16xf32, #tpu.memory_space<vmem>>, %arg23: memref<8x16xf32, #tpu.memory_space<vmem>>, %arg24: memref<!tpu.dma_semaphore, #tpu.memory_space<semaphore_mem>>, %arg25: memref<!tpu.dma_semaphore, #tpu.memory_space<semaphore_mem>>, %arg26: memref<10240x128xf32, #tpu.memory_space<vmem_shared>>, %arg27: memref<640x128xf32, #tpu.memory_space<vmem_shared>>) attributes {dimension_semantics = [#tpu.dimension_semantics<core_parallel>, #tpu.dimension_semantics<subcore_parallel>], iteration_bounds = array<i64: 2, 16>, scalar_prefetch = 0 : i64, scratch_operands = 17 : i64, tpu.core_type = #tpu.core_type<sc_vector_subcore>, window_params = [{transform_indices = #map}, {transform_indices = #map}, {transform_indices = #map}, {transform_indices = #map}, {transform_indices = #map1}, {transform_indices = #map1}, {transform_indices = #map}, {transform_indices = #map2}, {transform_indices = #map2}]} {
    %mul3A = arith.constant 2 : i32
    %mul3A_0 = arith.muli %arg1, %mul3A : i32
    %add3A = arith.addi %mul3A_0, %arg0 : i32
    %mul3A_1 = arith.constant 640 : i32
    %mul3A_2 = arith.muli %arg1, %mul3A_1 : i32
    "tpu.region"() ({
      %run_scoped3A = tpu.sem_alloc : memref<!tpu.dma_semaphore, #tpu.memory_space<semaphore_mem>>
      %dma_start3A_117 = arith.constant 0 : i32
      %dma_start3A_118 = tpu.memref_slice %arg26[%mul3A_2, %dma_start3A_117] : memref<10240x128xf32, #tpu.memory_space<vmem_shared>> -> memref<640x128xf32, #tpu.memory_space<vmem_shared>>
      tpu.enqueue_dma source(%arg8 : memref<640x128xf32, #tpu.memory_space<hbm>>) target(%dma_start3A_118 : memref<640x128xf32, #tpu.memory_space<vmem_shared>>) target_semaphore(%run_scoped3A : memref<!tpu.dma_semaphore, #tpu.memory_space<semaphore_mem>>)
      %dma_wait3A_119 = arith.constant 0 : i32
      %dma_wait3A_120 = tpu.memref_slice %arg26[%mul3A_2, %dma_wait3A_119] : memref<10240x128xf32, #tpu.memory_space<vmem_shared>> -> memref<640x128xf32, #tpu.memory_space<vmem_shared>>
      tpu.wait_dma2 semaphore(%run_scoped3A : memref<!tpu.dma_semaphore, #tpu.memory_space<semaphore_mem>>) src(%arg8 : memref<640x128xf32, #tpu.memory_space<hbm>>) dst(%dma_wait3A_120 : memref<640x128xf32, #tpu.memory_space<vmem_shared>>)
      tpu.yield
    }) : () -> ()
    %mul3A_3 = arith.constant 40 : i32
    %mul3A_4 = arith.muli %arg1, %mul3A_3 : i32
    "tpu.region"() ({
      %run_scoped3A = tpu.sem_alloc : memref<!tpu.dma_semaphore, #tpu.memory_space<semaphore_mem>>
      %dma_start3A_117 = arith.constant 0 : i32
      %dma_start3A_118 = tpu.memref_slice %arg27[%mul3A_4, %dma_start3A_117] : memref<640x128xf32, #tpu.memory_space<vmem_shared>> -> memref<40x128xf32, #tpu.memory_space<vmem_shared>>
      %dma_start3A_119 = arith.constant 0 : i32
      %dma_start3A_120 = arith.constant 0 : i32
      %dma_start3A_121 = tpu.memref_slice %arg8[%dma_start3A_119, %dma_start3A_120] : memref<640x128xf32, #tpu.memory_space<hbm>> -> memref<40x128xf32, #tpu.memory_space<hbm>>
      tpu.enqueue_dma source(%dma_start3A_121 : memref<40x128xf32, #tpu.memory_space<hbm>>) target(%dma_start3A_118 : memref<40x128xf32, #tpu.memory_space<vmem_shared>>) target_semaphore(%run_scoped3A : memref<!tpu.dma_semaphore, #tpu.memory_space<semaphore_mem>>)
      %dma_wait3A_122 = arith.constant 0 : i32
      %dma_wait3A_123 = tpu.memref_slice %arg27[%mul3A_4, %dma_wait3A_122] : memref<640x128xf32, #tpu.memory_space<vmem_shared>> -> memref<40x128xf32, #tpu.memory_space<vmem_shared>>
      %dma_wait3A_124 = arith.constant 0 : i32
      %dma_wait3A_125 = arith.constant 0 : i32
      %dma_wait3A_126 = tpu.memref_slice %arg8[%dma_wait3A_124, %dma_wait3A_125] : memref<640x128xf32, #tpu.memory_space<hbm>> -> memref<40x128xf32, #tpu.memory_space<hbm>>
      tpu.wait_dma2 semaphore(%run_scoped3A : memref<!tpu.dma_semaphore, #tpu.memory_space<semaphore_mem>>) src(%dma_wait3A_126 : memref<40x128xf32, #tpu.memory_space<hbm>>) dst(%dma_wait3A_123 : memref<40x128xf32, #tpu.memory_space<vmem_shared>>)
      tpu.yield
    }) : () -> ()
    "tpu.region"() ({
      %run_scoped3A = tpu.sem_alloc : memref<!tpu.dma_semaphore, #tpu.memory_space<semaphore_mem>>
      tpu.enqueue_dma source(%arg4 : memref<8x16xf32, #tpu.memory_space<hbm>>) target(%arg22 : memref<8x16xf32, #tpu.memory_space<vmem>>) target_semaphore(%run_scoped3A : memref<!tpu.dma_semaphore, #tpu.memory_space<semaphore_mem>>)
      tpu.wait_dma2 semaphore(%run_scoped3A : memref<!tpu.dma_semaphore, #tpu.memory_space<semaphore_mem>>) src(%arg4 : memref<8x16xf32, #tpu.memory_space<hbm>>) dst(%arg22 : memref<8x16xf32, #tpu.memory_space<vmem>>)
      tpu.yield
    }) : () -> ()
    "tpu.region"() ({
      %run_scoped3A = tpu.sem_alloc : memref<!tpu.dma_semaphore, #tpu.memory_space<semaphore_mem>>
      tpu.enqueue_dma source(%arg5 : memref<8x16xf32, #tpu.memory_space<hbm>>) target(%arg23 : memref<8x16xf32, #tpu.memory_space<vmem>>) target_semaphore(%run_scoped3A : memref<!tpu.dma_semaphore, #tpu.memory_space<semaphore_mem>>)
      tpu.wait_dma2 semaphore(%run_scoped3A : memref<!tpu.dma_semaphore, #tpu.memory_space<semaphore_mem>>) src(%arg5 : memref<8x16xf32, #tpu.memory_space<hbm>>) dst(%arg23 : memref<8x16xf32, #tpu.memory_space<vmem>>)
      tpu.yield
    }) : () -> ()
    %barrier3A = arith.constant 0 : index
    tpu.barrier barrier_id(%barrier3A)
    %iota3A = tpu.iota {dimensions = array<i32: 0>} : vector<16xi32>
    %convert_element_type3A = arith.sitofp %iota3A : vector<16xi32> to vector<16xf32>
    %sub3A = arith.constant 0.000000e+00 : f32
    %sub3A_5 = vector.broadcast %sub3A : f32 to vector<16xf32>
    %sub3A_6 = arith.subf %convert_element_type3A, %sub3A_5 : vector<16xf32>
    %mul3A_7 = arith.mulf %sub3A_6, %sub3A_6 : vector<16xf32>
    %sub3A_8 = arith.constant 1.000000e+00 : f32
    %sub3A_9 = vector.broadcast %sub3A_8 : f32 to vector<16xf32>
    %sub3A_10 = arith.subf %sub3A_9, %mul3A_7 : vector<16xf32>
    %max3A = arith.constant 0.000000e+00 : f32
    %max3A_11 = vector.broadcast %max3A : f32 to vector<16xf32>
    %max3A_12 = arith.maximumf %sub3A_10, %max3A_11 : vector<16xf32>
    %sub3A_13 = arith.constant 1.000000e+00 : f32
    %sub3A_14 = vector.broadcast %sub3A_13 : f32 to vector<16xf32>
    %sub3A_15 = arith.subf %convert_element_type3A, %sub3A_14 : vector<16xf32>
    %mul3A_16 = arith.mulf %sub3A_15, %sub3A_15 : vector<16xf32>
    %sub3A_17 = arith.constant 1.000000e+00 : f32
    %sub3A_18 = vector.broadcast %sub3A_17 : f32 to vector<16xf32>
    %sub3A_19 = arith.subf %sub3A_18, %mul3A_16 : vector<16xf32>
    %max3A_20 = arith.constant 0.000000e+00 : f32
    %max3A_21 = vector.broadcast %max3A_20 : f32 to vector<16xf32>
    %max3A_22 = arith.maximumf %sub3A_19, %max3A_21 : vector<16xf32>
    %sub3A_23 = arith.constant 2.000000e+00 : f32
    %sub3A_24 = vector.broadcast %sub3A_23 : f32 to vector<16xf32>
    %sub3A_25 = arith.subf %convert_element_type3A, %sub3A_24 : vector<16xf32>
    %mul3A_26 = arith.mulf %sub3A_25, %sub3A_25 : vector<16xf32>
    %sub3A_27 = arith.constant 1.000000e+00 : f32
    %sub3A_28 = vector.broadcast %sub3A_27 : f32 to vector<16xf32>
    %sub3A_29 = arith.subf %sub3A_28, %mul3A_26 : vector<16xf32>
    %max3A_30 = arith.constant 0.000000e+00 : f32
    %max3A_31 = vector.broadcast %max3A_30 : f32 to vector<16xf32>
    %max3A_32 = arith.maximumf %sub3A_29, %max3A_31 : vector<16xf32>
    %sub3A_33 = arith.constant 3.000000e+00 : f32
    %sub3A_34 = vector.broadcast %sub3A_33 : f32 to vector<16xf32>
    %sub3A_35 = arith.subf %convert_element_type3A, %sub3A_34 : vector<16xf32>
    %mul3A_36 = arith.mulf %sub3A_35, %sub3A_35 : vector<16xf32>
    %sub3A_37 = arith.constant 1.000000e+00 : f32
    %sub3A_38 = vector.broadcast %sub3A_37 : f32 to vector<16xf32>
    %sub3A_39 = arith.subf %sub3A_38, %mul3A_36 : vector<16xf32>
    %max3A_40 = arith.constant 0.000000e+00 : f32
    %max3A_41 = vector.broadcast %max3A_40 : f32 to vector<16xf32>
    %max3A_42 = arith.maximumf %sub3A_39, %max3A_41 : vector<16xf32>
    %sub3A_43 = arith.constant 4.000000e+00 : f32
    %sub3A_44 = vector.broadcast %sub3A_43 : f32 to vector<16xf32>
    %sub3A_45 = arith.subf %convert_element_type3A, %sub3A_44 : vector<16xf32>
    %mul3A_46 = arith.mulf %sub3A_45, %sub3A_45 : vector<16xf32>
    %sub3A_47 = arith.constant 1.000000e+00 : f32
    %sub3A_48 = vector.broadcast %sub3A_47 : f32 to vector<16xf32>
    %sub3A_49 = arith.subf %sub3A_48, %mul3A_46 : vector<16xf32>
    %max3A_50 = arith.constant 0.000000e+00 : f32
    %max3A_51 = vector.broadcast %max3A_50 : f32 to vector<16xf32>
    %max3A_52 = arith.maximumf %sub3A_49, %max3A_51 : vector<16xf32>
    %sub3A_53 = arith.constant 5.000000e+00 : f32
    %sub3A_54 = vector.broadcast %sub3A_53 : f32 to vector<16xf32>
    %sub3A_55 = arith.subf %convert_element_type3A, %sub3A_54 : vector<16xf32>
    %mul3A_56 = arith.mulf %sub3A_55, %sub3A_55 : vector<16xf32>
    %sub3A_57 = arith.constant 1.000000e+00 : f32
    %sub3A_58 = vector.broadcast %sub3A_57 : f32 to vector<16xf32>
    %sub3A_59 = arith.subf %sub3A_58, %mul3A_56 : vector<16xf32>
    %max3A_60 = arith.constant 0.000000e+00 : f32
    %max3A_61 = vector.broadcast %max3A_60 : f32 to vector<16xf32>
    %max3A_62 = arith.maximumf %sub3A_59, %max3A_61 : vector<16xf32>
    %sub3A_63 = arith.constant 6.000000e+00 : f32
    %sub3A_64 = vector.broadcast %sub3A_63 : f32 to vector<16xf32>
    %sub3A_65 = arith.subf %convert_element_type3A, %sub3A_64 : vector<16xf32>
    %mul3A_66 = arith.mulf %sub3A_65, %sub3A_65 : vector<16xf32>
    %sub3A_67 = arith.constant 1.000000e+00 : f32
    %sub3A_68 = vector.broadcast %sub3A_67 : f32 to vector<16xf32>
    %sub3A_69 = arith.subf %sub3A_68, %mul3A_66 : vector<16xf32>
    %max3A_70 = arith.constant 0.000000e+00 : f32
    %max3A_71 = vector.broadcast %max3A_70 : f32 to vector<16xf32>
    %max3A_72 = arith.maximumf %sub3A_69, %max3A_71 : vector<16xf32>
    %sub3A_73 = arith.constant 7.000000e+00 : f32
    %sub3A_74 = vector.broadcast %sub3A_73 : f32 to vector<16xf32>
    %sub3A_75 = arith.subf %convert_element_type3A, %sub3A_74 : vector<16xf32>
    %mul3A_76 = arith.mulf %sub3A_75, %sub3A_75 : vector<16xf32>
    %sub3A_77 = arith.constant 1.000000e+00 : f32
    %sub3A_78 = vector.broadcast %sub3A_77 : f32 to vector<16xf32>
    %sub3A_79 = arith.subf %sub3A_78, %mul3A_76 : vector<16xf32>
    %max3A_80 = arith.constant 0.000000e+00 : f32
    %max3A_81 = vector.broadcast %max3A_80 : f32 to vector<16xf32>
    %max3A_82 = arith.maximumf %sub3A_79, %max3A_81 : vector<16xf32>
    %mul3A_83 = arith.constant 10496 : i32
    %mul3A_84 = arith.muli %add3A, %mul3A_83 : i32
    %add3A_85 = arith.constant 0 : i32
    %add3A_86 = arith.addi %mul3A_84, %add3A_85 : i32
    "tpu.region"() ({
      %run_scoped3A = tpu.sem_alloc : memref<!tpu.dma_semaphore, #tpu.memory_space<semaphore_mem>>
      %dma_start3A_117 = tpu.memref_slice %arg6[%add3A_86] : memref<335872xi32, #tpu.memory_space<hbm>> -> memref<48xi32, #tpu.memory_space<hbm>>
      %dma_start3A_118 = tpu.memref_slice %arg6[%add3A_86] : memref<335872xi32, #tpu.memory_space<hbm>> -> memref<48xi32, #tpu.memory_space<hbm>>
      tpu.enqueue_dma source(%dma_start3A_118 : memref<48xi32, #tpu.memory_space<hbm>>) target(%arg11 : memref<48xi32, #tpu.memory_space<vmem>>) target_semaphore(%run_scoped3A : memref<!tpu.dma_semaphore, #tpu.memory_space<semaphore_mem>>)
      %dma_wait3A_119 = tpu.memref_slice %arg6[%add3A_86] : memref<335872xi32, #tpu.memory_space<hbm>> -> memref<48xi32, #tpu.memory_space<hbm>>
      %dma_wait3A_120 = tpu.memref_slice %arg6[%add3A_86] : memref<335872xi32, #tpu.memory_space<hbm>> -> memref<48xi32, #tpu.memory_space<hbm>>
      tpu.wait_dma2 semaphore(%run_scoped3A : memref<!tpu.dma_semaphore, #tpu.memory_space<semaphore_mem>>) src(%dma_wait3A_120 : memref<48xi32, #tpu.memory_space<hbm>>) dst(%arg11 : memref<48xi32, #tpu.memory_space<vmem>>)
      tpu.yield
    }) : () -> ()
    "tpu.region"() ({
      %run_scoped3A = tpu.sem_alloc : memref<!tpu.dma_semaphore, #tpu.memory_space<semaphore_mem>>
      %dma_start3A_117 = tpu.memref_slice %arg7[%add3A_86] : memref<335872xi32, #tpu.memory_space<hbm>> -> memref<48xi32, #tpu.memory_space<hbm>>
      %dma_start3A_118 = tpu.memref_slice %arg7[%add3A_86] : memref<335872xi32, #tpu.memory_space<hbm>> -> memref<48xi32, #tpu.memory_space<hbm>>
      tpu.enqueue_dma source(%dma_start3A_118 : memref<48xi32, #tpu.memory_space<hbm>>) target(%arg12 : memref<48xi32, #tpu.memory_space<vmem>>) target_semaphore(%run_scoped3A : memref<!tpu.dma_semaphore, #tpu.memory_space<semaphore_mem>>)
      %dma_wait3A_119 = tpu.memref_slice %arg7[%add3A_86] : memref<335872xi32, #tpu.memory_space<hbm>> -> memref<48xi32, #tpu.memory_space<hbm>>
      %dma_wait3A_120 = tpu.memref_slice %arg7[%add3A_86] : memref<335872xi32, #tpu.memory_space<hbm>> -> memref<48xi32, #tpu.memory_space<hbm>>
      tpu.wait_dma2 semaphore(%run_scoped3A : memref<!tpu.dma_semaphore, #tpu.memory_space<semaphore_mem>>) src(%dma_wait3A_120 : memref<48xi32, #tpu.memory_space<hbm>>) dst(%arg12 : memref<48xi32, #tpu.memory_space<vmem>>)
      tpu.yield
    }) : () -> ()
    %dma_start3A = arith.constant 0 : i32
    %dma_start3A_87 = arith.constant 0 : i32
    %dma_start3A_88 = tpu.memref_slice %arg2[%dma_start3A, %dma_start3A_87] : memref<10240x128xf32, #tpu.memory_space<hbm>> -> memref<10240x128xf32, #tpu.memory_space<hbm>>
    tpu.enqueue_indirect_dma source(%dma_start3A_88 : memref<10240x128xf32, #tpu.memory_space<hbm>>) target(%arg13 : memref<48x128xf32, #tpu.memory_space<vmem>>) offsets(%arg11 : memref<48xi32, #tpu.memory_space<vmem>>) semaphore(%arg24 : memref<!tpu.dma_semaphore, #tpu.memory_space<semaphore_mem>>)
    %dma_start3A_89 = arith.constant 0 : i32
    %dma_start3A_90 = arith.constant 0 : i32
    %dma_start3A_91 = tpu.memref_slice %arg3[%dma_start3A_89, %dma_start3A_90] : memref<10240x128xf32, #tpu.memory_space<hbm>> -> memref<10240x128xf32, #tpu.memory_space<hbm>>
    tpu.enqueue_indirect_dma source(%dma_start3A_91 : memref<10240x128xf32, #tpu.memory_space<hbm>>) target(%arg14 : memref<48x128xf32, #tpu.memory_space<vmem>>) offsets(%arg12 : memref<48xi32, #tpu.memory_space<vmem>>) semaphore(%arg24 : memref<!tpu.dma_semaphore, #tpu.memory_space<semaphore_mem>>)
    %scan3A = arith.constant 0 : i32
    %scan3A_92 = arith.constant 0 : i32
    %scan3A_93 = arith.constant 108 : i32
    %scan3A_94 = arith.addi %scan3A_92, %scan3A_93 : i32
    %scan3A_95 = arith.constant 1 : i32
    scf.for %scan3A_117 = %scan3A_92 to %scan3A_94 step %scan3A_95  : i32 {
      %mul3A_118 = arith.constant 2 : i32
      %mul3A_119 = arith.muli %mul3A_118, %scan3A_117 : i32
      %add3A_120 = arith.constant 0 : i32
      %add3A_121 = arith.addi %mul3A_119, %add3A_120 : i32
      %add3A_122 = arith.constant 1 : i32
      %add3A_123 = arith.addi %add3A_121, %add3A_122 : i32
      %mul3A_124 = arith.constant 10496 : i32
      %mul3A_125 = arith.muli %add3A, %mul3A_124 : i32
      %mul3A_126 = arith.constant 48 : i32
      %mul3A_127 = arith.muli %add3A_123, %mul3A_126 : i32
      %add3A_128 = arith.addi %mul3A_125, %mul3A_127 : i32
      "tpu.region"() ({
        %run_scoped3A = tpu.sem_alloc : memref<!tpu.dma_semaphore, #tpu.memory_space<semaphore_mem>>
        %dma_start3A_233 = tpu.memref_slice %arg6[%add3A_128] : memref<335872xi32, #tpu.memory_space<hbm>> -> memref<48xi32, #tpu.memory_space<hbm>>
        %dma_start3A_234 = tpu.memref_slice %arg6[%add3A_128] : memref<335872xi32, #tpu.memory_space<hbm>> -> memref<48xi32, #tpu.memory_space<hbm>>
        tpu.enqueue_dma source(%dma_start3A_234 : memref<48xi32, #tpu.memory_space<hbm>>) target(%arg15 : memref<48xi32, #tpu.memory_space<vmem>>) target_semaphore(%run_scoped3A : memref<!tpu.dma_semaphore, #tpu.memory_space<semaphore_mem>>)
        %dma_wait3A_235 = tpu.memref_slice %arg6[%add3A_128] : memref<335872xi32, #tpu.memory_space<hbm>> -> memref<48xi32, #tpu.memory_space<hbm>>
        %dma_wait3A_236 = tpu.memref_slice %arg6[%add3A_128] : memref<335872xi32, #tpu.memory_space<hbm>> -> memref<48xi32, #tpu.memory_space<hbm>>
        tpu.wait_dma2 semaphore(%run_scoped3A : memref<!tpu.dma_semaphore, #tpu.memory_space<semaphore_mem>>) src(%dma_wait3A_236 : memref<48xi32, #tpu.memory_space<hbm>>) dst(%arg15 : memref<48xi32, #tpu.memory_space<vmem>>)
        tpu.yield
      }) : () -> ()
      "tpu.region"() ({
        %run_scoped3A = tpu.sem_alloc : memref<!tpu.dma_semaphore, #tpu.memory_space<semaphore_mem>>
        %dma_start3A_233 = tpu.memref_slice %arg7[%add3A_128] : memref<335872xi32, #tpu.memory_space<hbm>> -> memref<48xi32, #tpu.memory_space<hbm>>
        %dma_start3A_234 = tpu.memref_slice %arg7[%add3A_128] : memref<335872xi32, #tpu.memory_space<hbm>> -> memref<48xi32, #tpu.memory_space<hbm>>
        tpu.enqueue_dma source(%dma_start3A_234 : memref<48xi32, #tpu.memory_space<hbm>>) target(%arg16 : memref<48xi32, #tpu.memory_space<vmem>>) target_semaphore(%run_scoped3A : memref<!tpu.dma_semaphore, #tpu.memory_space<semaphore_mem>>)
        %dma_wait3A_235 = tpu.memref_slice %arg7[%add3A_128] : memref<335872xi32, #tpu.memory_space<hbm>> -> memref<48xi32, #tpu.memory_space<hbm>>
        %dma_wait3A_236 = tpu.memref_slice %arg7[%add3A_128] : memref<335872xi32, #tpu.memory_space<hbm>> -> memref<48xi32, #tpu.memory_space<hbm>>
        tpu.wait_dma2 semaphore(%run_scoped3A : memref<!tpu.dma_semaphore, #tpu.memory_space<semaphore_mem>>) src(%dma_wait3A_236 : memref<48xi32, #tpu.memory_space<hbm>>) dst(%arg16 : memref<48xi32, #tpu.memory_space<vmem>>)
        tpu.yield
      }) : () -> ()
      %dma_start3A_129 = arith.constant 0 : i32
      %dma_start3A_130 = arith.constant 0 : i32
      %dma_start3A_131 = tpu.memref_slice %arg2[%dma_start3A_129, %dma_start3A_130] : memref<10240x128xf32, #tpu.memory_space<hbm>> -> memref<10240x128xf32, #tpu.memory_space<hbm>>
      tpu.enqueue_indirect_dma source(%dma_start3A_131 : memref<10240x128xf32, #tpu.memory_space<hbm>>) target(%arg17 : memref<48x128xf32, #tpu.memory_space<vmem>>) offsets(%arg15 : memref<48xi32, #tpu.memory_space<vmem>>) semaphore(%arg25 : memref<!tpu.dma_semaphore, #tpu.memory_space<semaphore_mem>>)
      %dma_start3A_132 = arith.constant 0 : i32
      %dma_start3A_133 = arith.constant 0 : i32
      %dma_start3A_134 = tpu.memref_slice %arg3[%dma_start3A_132, %dma_start3A_133] : memref<10240x128xf32, #tpu.memory_space<hbm>> -> memref<10240x128xf32, #tpu.memory_space<hbm>>
      tpu.enqueue_indirect_dma source(%dma_start3A_134 : memref<10240x128xf32, #tpu.memory_space<hbm>>) target(%arg18 : memref<48x128xf32, #tpu.memory_space<vmem>>) offsets(%arg16 : memref<48xi32, #tpu.memory_space<vmem>>) semaphore(%arg25 : memref<!tpu.dma_semaphore, #tpu.memory_space<semaphore_mem>>)
      %dma_wait3A_135 = arith.constant 0 : i32
      %dma_wait3A_136 = arith.constant 0 : i32
      %dma_wait3A_137 = tpu.memref_slice %arg2[%dma_wait3A_135, %dma_wait3A_136] : memref<10240x128xf32, #tpu.memory_space<hbm>> -> memref<48x128xf32, #tpu.memory_space<hbm>>
      %dma_wait3A_138 = arith.constant 0 : i32
      %dma_wait3A_139 = arith.constant 0 : i32
      %dma_wait3A_140 = tpu.memref_slice %arg2[%dma_wait3A_138, %dma_wait3A_139] : memref<10240x128xf32, #tpu.memory_space<hbm>> -> memref<48x128xf32, #tpu.memory_space<hbm>>
      tpu.wait_dma2 semaphore(%arg24 : memref<!tpu.dma_semaphore, #tpu.memory_space<semaphore_mem>>) src(%dma_wait3A_140 : memref<48x128xf32, #tpu.memory_space<hbm>>) dst(%arg13 : memref<48x128xf32, #tpu.memory_space<vmem>>)
      %dma_wait3A_141 = arith.constant 0 : i32
      %dma_wait3A_142 = arith.constant 0 : i32
      %dma_wait3A_143 = tpu.memref_slice %arg3[%dma_wait3A_141, %dma_wait3A_142] : memref<10240x128xf32, #tpu.memory_space<hbm>> -> memref<48x128xf32, #tpu.memory_space<hbm>>
      %dma_wait3A_144 = arith.constant 0 : i32
      %dma_wait3A_145 = arith.constant 0 : i32
      %dma_wait3A_146 = tpu.memref_slice %arg3[%dma_wait3A_144, %dma_wait3A_145] : memref<10240x128xf32, #tpu.memory_space<hbm>> -> memref<48x128xf32, #tpu.memory_space<hbm>>
      tpu.wait_dma2 semaphore(%arg24 : memref<!tpu.dma_semaphore, #tpu.memory_space<semaphore_mem>>) src(%dma_wait3A_146 : memref<48x128xf32, #tpu.memory_space<hbm>>) dst(%arg14 : memref<48x128xf32, #tpu.memory_space<vmem>>)
      %get3A = arith.constant 0 : index
      %get3A_147 = tpu.vector_load %arg12[%get3A] {strides = array<i32>} : memref<48xi32, #tpu.memory_space<vmem>>, vector<16xi32>,
      %get3A_148 = vector.shape_cast %get3A_147 : vector<16xi32> to vector<16xi32>
      %shift_right_arithmetic3A = arith.constant 4 : i32
      %shift_right_arithmetic3A_149 = vector.broadcast %shift_right_arithmetic3A : i32 to vector<16xi32>
      %shift_right_arithmetic3A_150 = arith.shrsi %get3A_148, %shift_right_arithmetic3A_149 : vector<16xi32>
      %swap3A = arith.constant 0 : index
      %swap3A_151 = tpu.vector_load %arg21[%swap3A] {strides = array<i32>} : memref<48xi32, #tpu.memory_space<vmem>>, vector<16xi32>,
      %swap3A_152 = vector.shape_cast %swap3A_151 : vector<16xi32> to vector<16xi32>
      %swap3A_153 = vector.shape_cast %shift_right_arithmetic3A_150 : vector<16xi32> to vector<16xi32>
      tpu.vector_store %arg21[%swap3A], %swap3A_153 {strides = array<i32>} : memref<48xi32, #tpu.memory_space<vmem>>, vector<16xi32>,
      %get3A_154 = arith.constant 16 : index
      %get3A_155 = tpu.vector_load %arg12[%get3A_154] {strides = array<i32>} : memref<48xi32, #tpu.memory_space<vmem>>, vector<16xi32>,
      %get3A_156 = vector.shape_cast %get3A_155 : vector<16xi32> to vector<16xi32>
      %shift_right_arithmetic3A_157 = arith.constant 4 : i32
      %shift_right_arithmetic3A_158 = vector.broadcast %shift_right_arithmetic3A_157 : i32 to vector<16xi32>
      %shift_right_arithmetic3A_159 = arith.shrsi %get3A_156, %shift_right_arithmetic3A_158 : vector<16xi32>
      %swap3A_160 = arith.constant 16 : index
      %swap3A_161 = tpu.vector_load %arg21[%swap3A_160] {strides = array<i32>} : memref<48xi32, #tpu.memory_space<vmem>>, vector<16xi32>,
      %swap3A_162 = vector.shape_cast %swap3A_161 : vector<16xi32> to vector<16xi32>
      %swap3A_163 = vector.shape_cast %shift_right_arithmetic3A_159 : vector<16xi32> to vector<16xi32>
      tpu.vector_store %arg21[%swap3A_160], %swap3A_163 {strides = array<i32>} : memref<48xi32, #tpu.memory_space<vmem>>, vector<16xi32>,
      %get3A_164 = arith.constant 32 : index
      %get3A_165 = tpu.vector_load %arg12[%get3A_164] {strides = array<i32>} : memref<48xi32, #tpu.memory_space<vmem>>, vector<16xi32>,
      %get3A_166 = vector.shape_cast %get3A_165 : vector<16xi32> to vector<16xi32>
      %shift_right_arithmetic3A_167 = arith.constant 4 : i32
      %shift_right_arithmetic3A_168 = vector.broadcast %shift_right_arithmetic3A_167 : i32 to vector<16xi32>
      %shift_right_arithmetic3A_169 = arith.shrsi %get3A_166, %shift_right_arithmetic3A_168 : vector<16xi32>
      %swap3A_170 = arith.constant 32 : index
      %swap3A_171 = tpu.vector_load %arg21[%swap3A_170] {strides = array<i32>} : memref<48xi32, #tpu.memory_space<vmem>>, vector<16xi32>,
      %swap3A_172 = vector.shape_cast %swap3A_171 : vector<16xi32> to vector<16xi32>
      %swap3A_173 = vector.shape_cast %shift_right_arithmetic3A_169 : vector<16xi32> to vector<16xi32>
      tpu.vector_store %arg21[%swap3A_170], %swap3A_173 {strides = array<i32>} : memref<48xi32, #tpu.memory_space<vmem>>, vector<16xi32>,
      %mul3A_174 = arith.constant 2 : i32
      %mul3A_175 = arith.muli %mul3A_174, %scan3A_117 : i32
      %add3A_176 = arith.constant 1 : i32
      %add3A_177 = arith.addi %mul3A_175, %add3A_176 : i32
      %add3A_178 = arith.constant 1 : i32
      %add3A_179 = arith.addi %add3A_177, %add3A_178 : i32
      %mul3A_180 = arith.constant 10496 : i32
      %mul3A_181 = arith.muli %add3A, %mul3A_180 : i32
      %mul3A_182 = arith.constant 48 : i32
      %mul3A_183 = arith.muli %add3A_179, %mul3A_182 : i32
      %add3A_184 = arith.addi %mul3A_181, %mul3A_183 : i32
      "tpu.region"() ({
        %run_scoped3A = tpu.sem_alloc : memref<!tpu.dma_semaphore, #tpu.memory_space<semaphore_mem>>
        %dma_start3A_233 = tpu.memref_slice %arg6[%add3A_184] : memref<335872xi32, #tpu.memory_space<hbm>> -> memref<48xi32, #tpu.memory_space<hbm>>
        %dma_start3A_234 = tpu.memref_slice %arg6[%add3A_184] : memref<335872xi32, #tpu.memory_space<hbm>> -> memref<48xi32, #tpu.memory_space<hbm>>
        tpu.enqueue_dma source(%dma_start3A_234 : memref<48xi32, #tpu.memory_space<hbm>>) target(%arg11 : memref<48xi32, #tpu.memory_space<vmem>>) target_semaphore(%run_scoped3A : memref<!tpu.dma_semaphore, #tpu.memory_space<semaphore_mem>>)
        %dma_wait3A_235 = tpu.memref_slice %arg6[%add3A_184] : memref<335872xi32, #tpu.memory_space<hbm>> -> memref<48xi32, #tpu.memory_space<hbm>>
        %dma_wait3A_236 = tpu.memref_slice %arg6[%add3A_184] : memref<335872xi32, #tpu.memory_space<hbm>> -> memref<48xi32, #tpu.memory_space<hbm>>
        tpu.wait_dma2 semaphore(%run_scoped3A : memref<!tpu.dma_semaphore, #tpu.memory_space<semaphore_mem>>) src(%dma_wait3A_236 : memref<48xi32, #tpu.memory_space<hbm>>) dst(%arg11 : memref<48xi32, #tpu.memory_space<vmem>>)
        tpu.yield
      }) : () -> ()
      "tpu.region"() ({
        %run_scoped3A = tpu.sem_alloc : memref<!tpu.dma_semaphore, #tpu.memory_space<semaphore_mem>>
        %dma_start3A_233 = tpu.memref_slice %arg7[%add3A_184] : memref<335872xi32, #tpu.memory_space<hbm>> -> memref<48xi32, #tpu.memory_space<hbm>>
        %dma_start3A_234 = tpu.memref_slice %arg7[%add3A_184] : memref<335872xi32, #tpu.memory_space<hbm>> -> memref<48xi32, #tpu.memory_space<hbm>>
        tpu.enqueue_dma source(%dma_start3A_234 : memref<48xi32, #tpu.memory_space<hbm>>) target(%arg12 : memref<48xi32, #tpu.memory_space<vmem>>) target_semaphore(%run_scoped3A : memref<!tpu.dma_semaphore, #tpu.memory_space<semaphore_mem>>)
        %dma_wait3A_235 = tpu.memref_slice %arg7[%add3A_184] : memref<335872xi32, #tpu.memory_space<hbm>> -> memref<48xi32, #tpu.memory_space<hbm>>
        %dma_wait3A_236 = tpu.memref_slice %arg7[%add3A_184] : memref<335872xi32, #tpu.memory_space<hbm>> -> memref<48xi32, #tpu.memory_space<hbm>>
        tpu.wait_dma2 semaphore(%run_scoped3A : memref<!tpu.dma_semaphore, #tpu.memory_space<semaphore_mem>>) src(%dma_wait3A_236 : memref<48xi32, #tpu.memory_space<hbm>>) dst(%arg12 : memref<48xi32, #tpu.memory_space<vmem>>)
        tpu.yield
      }) : () -> ()
      %dma_start3A_185 = arith.constant 0 : i32
      %dma_start3A_186 = arith.constant 0 : i32
      %dma_start3A_187 = tpu.memref_slice %arg2[%dma_start3A_185, %dma_start3A_186] : memref<10240x128xf32, #tpu.memory_space<hbm>> -> memref<10240x128xf32, #tpu.memory_space<hbm>>
      tpu.enqueue_indirect_dma source(%dma_start3A_187 : memref<10240x128xf32, #tpu.memory_space<hbm>>) target(%arg13 : memref<48x128xf32, #tpu.memory_space<vmem>>) offsets(%arg11 : memref<48xi32, #tpu.memory_space<vmem>>) semaphore(%arg24 : memref<!tpu.dma_semaphore, #tpu.memory_space<semaphore_mem>>)
      %dma_start3A_188 = arith.constant 0 : i32
      %dma_start3A_189 = arith.constant 0 : i32
      %dma_start3A_190 = tpu.memref_slice %arg3[%dma_start3A_188, %dma_start3A_189] : memref<10240x128xf32, #tpu.memory_space<hbm>> -> memref<10240x128xf32, #tpu.memory_space<hbm>>
      tpu.enqueue_indirect_dma source(%dma_start3A_190 : memref<10240x128xf32, #tpu.memory_space<hbm>>) target(%arg14 : memref<48x128xf32, #tpu.memory_space<vmem>>) offsets(%arg12 : memref<48xi32, #tpu.memory_space<vmem>>) semaphore(%arg24 : memref<!tpu.dma_semaphore, #tpu.memory_space<semaphore_mem>>)
      %dma_wait3A_191 = arith.constant 0 : i32
      %dma_wait3A_192 = arith.constant 0 : i32
      %dma_wait3A_193 = tpu.memref_slice %arg2[%dma_wait3A_191, %dma_wait3A_192] : memref<10240x128xf32, #tpu.memory_space<hbm>> -> memref<48x128xf32, #tpu.memory_space<hbm>>
      %dma_wait3A_194 = arith.constant 0 : i32
      %dma_wait3A_195 = arith.constant 0 : i32
      %dma_wait3A_196 = tpu.memref_slice %arg2[%dma_wait3A_194, %dma_wait3A_195] : memref<10240x128xf32, #tpu.memory_space<hbm>> -> memref<48x128xf32, #tpu.memory_space<hbm>>
      tpu.wait_dma2 semaphore(%arg25 : memref<!tpu.dma_semaphore, #tpu.memory_space<semaphore_mem>>) src(%dma_wait3A_196 : memref<48x128xf32, #tpu.memory_space<hbm>>) dst(%arg17 : memref<48x128xf32, #tpu.memory_space<vmem>>)
      %dma_wait3A_197 = arith.constant 0 : i32
      %dma_wait3A_198 = arith.constant 0 : i32
      %dma_wait3A_199 = tpu.memref_slice %arg3[%dma_wait3A_197, %dma_wait3A_198] : memref<10240x128xf32, #tpu.memory_space<hbm>> -> memref<48x128xf32, #tpu.memory_space<hbm>>
      %dma_wait3A_200 = arith.constant 0 : i32
      %dma_wait3A_201 = arith.constant 0 : i32
      %dma_wait3A_202 = tpu.memref_slice %arg3[%dma_wait3A_200, %dma_wait3A_201] : memref<10240x128xf32, #tpu.memory_space<hbm>> -> memref<48x128xf32, #tpu.memory_space<hbm>>
      tpu.wait_dma2 semaphore(%arg25 : memref<!tpu.dma_semaphore, #tpu.memory_space<semaphore_mem>>) src(%dma_wait3A_202 : memref<48x128xf32, #tpu.memory_space<hbm>>) dst(%arg18 : memref<48x128xf32, #tpu.memory_space<vmem>>)
      %get3A_203 = arith.constant 0 : index
      %get3A_204 = tpu.vector_load %arg16[%get3A_203] {strides = array<i32>} : memref<48xi32, #tpu.memory_space<vmem>>, vector<16xi32>,
      %get3A_205 = vector.shape_cast %get3A_204 : vector<16xi32> to vector<16xi32>
      %shift_right_arithmetic3A_206 = arith.constant 4 : i32
      %shift_right_arithmetic3A_207 = vector.broadcast %shift_right_arithmetic3A_206 : i32 to vector<16xi32>
      %shift_right_arithmetic3A_208 = arith.shrsi %get3A_205, %shift_right_arithmetic3A_207 : vector<16xi32>
      %swap3A_209 = arith.constant 0 : index
      %swap3A_210 = tpu.vector_load %arg21[%swap3A_209] {strides = array<i32>} : memref<48xi32, #tpu.memory_space<vmem>>, vector<16xi32>,
      %swap3A_211 = vector.shape_cast %swap3A_210 : vector<16xi32> to vector<16xi32>
      %swap3A_212 = vector.shape_cast %shift_right_arithmetic3A_208 : vector<16xi32> to vector<16xi32>
      tpu.vector_store %arg21[%swap3A_209], %swap3A_212 {strides = array<i32>} : memref<48xi32, #tpu.memory_space<vmem>>, vector<16xi32>,
      %get3A_213 = arith.constant 16 : index
      %get3A_214 = tpu.vector_load %arg16[%get3A_213] {strides = array<i32>} : memref<48xi32, #tpu.memory_space<vmem>>, vector<16xi32>,
      %get3A_215 = vector.shape_cast %get3A_214 : vector<16xi32> to vector<16xi32>
      %shift_right_arithmetic3A_216 = arith.constant 4 : i32
      %shift_right_arithmetic3A_217 = vector.broadcast %shift_right_arithmetic3A_216 : i32 to vector<16xi32>
      %shift_right_arithmetic3A_218 = arith.shrsi %get3A_215, %shift_right_arithmetic3A_217 : vector<16xi32>
      %swap3A_219 = arith.constant 16 : index
      %swap3A_220 = tpu.vector_load %arg21[%swap3A_219] {strides = array<i32>} : memref<48xi32, #tpu.memory_space<vmem>>, vector<16xi32>,
      %swap3A_221 = vector.shape_cast %swap3A_220 : vector<16xi32> to vector<16xi32>
      %swap3A_222 = vector.shape_cast %shift_right_arithmetic3A_218 : vector<16xi32> to vector<16xi32>
      tpu.vector_store %arg21[%swap3A_219], %swap3A_222 {strides = array<i32>} : memref<48xi32, #tpu.memory_space<vmem>>, vector<16xi32>,
      %get3A_223 = arith.constant 32 : index
      %get3A_224 = tpu.vector_load %arg16[%get3A_223] {strides = array<i32>} : memref<48xi32, #tpu.memory_space<vmem>>, vector<16xi32>,
      %get3A_225 = vector.shape_cast %get3A_224 : vector<16xi32> to vector<16xi32>
      %shift_right_arithmetic3A_226 = arith.constant 4 : i32
      %shift_right_arithmetic3A_227 = vector.broadcast %shift_right_arithmetic3A_226 : i32 to vector<16xi32>
      %shift_right_arithmetic3A_228 = arith.shrsi %get3A_225, %shift_right_arithmetic3A_227 : vector<16xi32>
      %swap3A_229 = arith.constant 32 : index
      %swap3A_230 = tpu.vector_load %arg21[%swap3A_229] {strides = array<i32>} : memref<48xi32, #tpu.memory_space<vmem>>, vector<16xi32>,
      %swap3A_231 = vector.shape_cast %swap3A_230 : vector<16xi32> to vector<16xi32>
      %swap3A_232 = vector.shape_cast %shift_right_arithmetic3A_228 : vector<16xi32> to vector<16xi32>
      tpu.vector_store %arg21[%swap3A_229], %swap3A_232 {strides = array<i32>} : memref<48xi32, #tpu.memory_space<vmem>>, vector<16xi32>,
    }
    %scan3A_96 = arith.constant 108 : i32
    %dma_wait3A = arith.constant 0 : i32
    %dma_wait3A_97 = arith.constant 0 : i32
    %dma_wait3A_98 = tpu.memref_slice %arg2[%dma_wait3A, %dma_wait3A_97] : memref<10240x128xf32, #tpu.memory_space<hbm>> -> memref<48x128xf32, #tpu.memory_space<hbm>>
    %dma_wait3A_99 = arith.constant 0 : i32
    %dma_wait3A_100 = arith.constant 0 : i32
    %dma_wait3A_101 = tpu.memref_slice %arg2[%dma_wait3A_99, %dma_wait3A_100] : memref<10240x128xf32, #tpu.memory_space<hbm>> -> memref<48x128xf32, #tpu.memory_space<hbm>>
    tpu.wait_dma2 semaphore(%arg24 : memref<!tpu.dma_semaphore, #tpu.memory_space<semaphore_mem>>) src(%dma_wait3A_101 : memref<48x128xf32, #tpu.memory_space<hbm>>) dst(%arg13 : memref<48x128xf32, #tpu.memory_space<vmem>>)
    %dma_wait3A_102 = arith.constant 0 : i32
    %dma_wait3A_103 = arith.constant 0 : i32
    %dma_wait3A_104 = tpu.memref_slice %arg3[%dma_wait3A_102, %dma_wait3A_103] : memref<10240x128xf32, #tpu.memory_space<hbm>> -> memref<48x128xf32, #tpu.memory_space<hbm>>
    %dma_wait3A_105 = arith.constant 0 : i32
    %dma_wait3A_106 = arith.constant 0 : i32
    %dma_wait3A_107 = tpu.memref_slice %arg3[%dma_wait3A_105, %dma_wait3A_106] : memref<10240x128xf32, #tpu.memory_space<hbm>> -> memref<48x128xf32, #tpu.memory_space<hbm>>
    tpu.wait_dma2 semaphore(%arg24 : memref<!tpu.dma_semaphore, #tpu.memory_space<semaphore_mem>>) src(%dma_wait3A_107 : memref<48x128xf32, #tpu.memory_space<hbm>>) dst(%arg14 : memref<48x128xf32, #tpu.memory_space<vmem>>)
    %barrier3A_108 = arith.constant 0 : index
    tpu.barrier barrier_id(%barrier3A_108)
    %mul3A_109 = arith.constant 640 : i32
    %mul3A_110 = arith.muli %arg1, %mul3A_109 : i32
    %mul3A_111 = arith.constant 640 : i32
    %mul3A_112 = arith.muli %arg1, %mul3A_111 : i32
    "tpu.region"() ({
      %run_scoped3A = tpu.sem_alloc : memref<!tpu.dma_semaphore, #tpu.memory_space<semaphore_mem>>
      %dma_start3A_117 = arith.constant 0 : i32
      %dma_start3A_118 = tpu.memref_slice %arg9[%arg0, %mul3A_112, %dma_start3A_117] : memref<2x10240x128xf32, #tpu.memory_space<hbm>> -> memref<1x640x128xf32, #tpu.memory_space<hbm>>
      %dma_start3A_119 = tpu.memref_squeeze %dma_start3A_118 : memref<1x640x128xf32, #tpu.memory_space<hbm>> -> memref<640x128xf32, #tpu.memory_space<hbm>>
      %dma_start3A_120 = arith.constant 0 : i32
      %dma_start3A_121 = tpu.memref_slice %arg26[%mul3A_110, %dma_start3A_120] : memref<10240x128xf32, #tpu.memory_space<vmem_shared>> -> memref<640x128xf32, #tpu.memory_space<vmem_shared>>
      tpu.enqueue_dma source(%dma_start3A_121 : memref<640x128xf32, #tpu.memory_space<vmem_shared>>) target(%dma_start3A_119 : memref<640x128xf32, #tpu.memory_space<hbm>>) target_semaphore(%run_scoped3A : memref<!tpu.dma_semaphore, #tpu.memory_space<semaphore_mem>>)
      %dma_wait3A_122 = arith.constant 0 : i32
      %dma_wait3A_123 = tpu.memref_slice %arg9[%arg0, %mul3A_112, %dma_wait3A_122] : memref<2x10240x128xf32, #tpu.memory_space<hbm>> -> memref<1x640x128xf32, #tpu.memory_space<hbm>>
      %dma_wait3A_124 = tpu.memref_squeeze %dma_wait3A_123 : memref<1x640x128xf32, #tpu.memory_space<hbm>> -> memref<640x128xf32, #tpu.memory_space<hbm>>
      %dma_wait3A_125 = arith.constant 0 : i32
      %dma_wait3A_126 = tpu.memref_slice %arg26[%mul3A_110, %dma_wait3A_125] : memref<10240x128xf32, #tpu.memory_space<vmem_shared>> -> memref<640x128xf32, #tpu.memory_space<vmem_shared>>
      tpu.wait_dma2 semaphore(%run_scoped3A : memref<!tpu.dma_semaphore, #tpu.memory_space<semaphore_mem>>) src(%dma_wait3A_126 : memref<640x128xf32, #tpu.memory_space<vmem_shared>>) dst(%dma_wait3A_124 : memref<640x128xf32, #tpu.memory_space<hbm>>)
      tpu.yield
    }) : () -> ()
    %mul3A_113 = arith.constant 40 : i32
    %mul3A_114 = arith.muli %arg1, %mul3A_113 : i32
    %mul3A_115 = arith.constant 40 : i32
    %mul3A_116 = arith.muli %arg1, %mul3A_115 : i32
    "tpu.region"() ({
      %run_scoped3A = tpu.sem_alloc : memref<!tpu.dma_semaphore, #tpu.memory_space<semaphore_mem>>
      %dma_start3A_117 = arith.constant 0 : i32
      %dma_start3A_118 = tpu.memref_slice %arg10[%arg0, %mul3A_116, %dma_start3A_117] : memref<2x640x128xf32, #tpu.memory_space<hbm>> -> memref<1x40x128xf32, #tpu.memory_space<hbm>>
      %dma_start3A_119 = tpu.memref_squeeze %dma_start3A_118 : memref<1x40x128xf32, #tpu.memory_space<hbm>> -> memref<40x128xf32, #tpu.memory_space<hbm>>
      %dma_start3A_120 = arith.constant 0 : i32
      %dma_start3A_121 = tpu.memref_slice %arg27[%mul3A_114, %dma_start3A_120] : memref<640x128xf32, #tpu.memory_space<vmem_shared>> -> memref<40x128xf32, #tpu.memory_space<vmem_shared>>
      tpu.enqueue_dma source(%dma_start3A_121 : memref<40x128xf32, #tpu.memory_space<vmem_shared>>) target(%dma_start3A_119 : memref<40x128xf32, #tpu.memory_space<hbm>>) target_semaphore(%run_scoped3A : memref<!tpu.dma_semaphore, #tpu.memory_space<semaphore_mem>>)
      %dma_wait3A_122 = arith.constant 0 : i32
      %dma_wait3A_123 = tpu.memref_slice %arg10[%arg0, %mul3A_116, %dma_wait3A_122] : memref<2x640x128xf32, #tpu.memory_space<hbm>> -> memref<1x40x128xf32, #tpu.memory_space<hbm>>
      %dma_wait3A_124 = tpu.memref_squeeze %dma_wait3A_123 : memref<1x40x128xf32, #tpu.memory_space<hbm>> -> memref<40x128xf32, #tpu.memory_space<hbm>>
      %dma_wait3A_125 = arith.constant 0 : i32
      %dma_wait3A_126 = tpu.memref_slice %arg27[%mul3A_114, %dma_wait3A_125] : memref<640x128xf32, #tpu.memory_space<vmem_shared>> -> memref<40x128xf32, #tpu.memory_space<vmem_shared>>
      tpu.wait_dma2 semaphore(%run_scoped3A : memref<!tpu.dma_semaphore, #tpu.memory_space<semaphore_mem>>) src(%dma_wait3A_126 : memref<40x128xf32, #tpu.memory_space<vmem_shared>>) dst(%dma_wait3A_124 : memref<40x128xf32, #tpu.memory_space<hbm>>)
      tpu.yield
    }) : () -> ()
    return
  }
}

module attributes {stable_mosaic.version = 14 : i64} {
  func.func @_prep0_body(%arg0: i32, %arg1: memref<1024x128xf32, #tpu.memory_space<vmem>>, %arg2: memref<128x128xf32, #tpu.memory_space<vmem>>, %arg3: memref<128x128xf32, #tpu.memory_space<vmem>>, %arg4: memref<128x8xf32, #tpu.memory_space<vmem>>, %arg5: memref<1024x128xf32, #tpu.memory_space<vmem>>, %arg6: memref<1024x128xf32, #tpu.memory_space<vmem>>, %arg7: memref<1024x8xf32, #tpu.memory_space<vmem>>, %arg8: memref<1024x8xf32, #tpu.memory_space<vmem>>) attributes {dimension_semantics = [#tpu.dimension_semantics<arbitrary>], iteration_bounds = array<i64: 10>, scalar_prefetch = 0 : i64, scratch_operands = 0 : i64, tpu.core_type = #tpu.core_type<tc>, window_params = [{transform_indices = @transform_0, window_bounds = array<i64: 1024, 128>}, {pipeline_mode = #tpu.pipeline_mode<synchronous>, transform_indices = @transform_1, window_bounds = array<i64: 128, 128>}, {pipeline_mode = #tpu.pipeline_mode<synchronous>, transform_indices = @transform_2, window_bounds = array<i64: 128, 128>}, {pipeline_mode = #tpu.pipeline_mode<synchronous>, transform_indices = @transform_3, window_bounds = array<i64: 128, 8>}, {transform_indices = @transform_4, window_bounds = array<i64: 1024, 128>}, {transform_indices = @transform_5, window_bounds = array<i64: 1024, 128>}, {transform_indices = @transform_6, window_bounds = array<i64: 1024, 8>}, {transform_indices = @transform_7, window_bounds = array<i64: 1024, 8>}]} {
    %get3A = arith.constant 0 : index
    %get3A_0 = arith.constant 0 : index
    %get3A_1 = vector.load %arg1[%get3A, %get3A_0] : memref<1024x128xf32, #tpu.memory_space<vmem>>, vector<1024x128xf32>
    %get3A_2 = arith.constant 0 : index
    %get3A_3 = arith.constant 0 : index
    %get3A_4 = vector.load %arg2[%get3A_2, %get3A_3] : memref<128x128xf32, #tpu.memory_space<vmem>>, vector<128x128xf32>
    %dot_general3A = arith.constant dense<0.000000e+00> : vector<1024x128xf32>
    %dot_general3A_5 = tpu.matmul %get3A_1, %get3A_4, %dot_general3A {dimension_numbers = #tpu.dot_dimension_numbers<[1], [0], [0], [1], [0, 0, 1, 1], [], []>, transpose_lhs_hint = false} : vector<1024x128xf32>, vector<128x128xf32>, vector<1024x128xf32> -> vector<1024x128xf32>
    %swap3A = arith.constant 0 : index
    %swap3A_6 = arith.constant 0 : index
    %swap3A_7 = vector.load %arg5[%swap3A, %swap3A_6] : memref<1024x128xf32, #tpu.memory_space<vmem>>, vector<1024x128xf32>
    tpu.vector_store %arg5[%swap3A, %swap3A_6], %dot_general3A_5 {strides = array<i32>} : memref<1024x128xf32, #tpu.memory_space<vmem>>, vector<1024x128xf32>,
    %abs3A = math.absf %dot_general3A_5 : vector<1024x128xf32>
    %get3A_8 = arith.constant 0 : index
    %get3A_9 = arith.constant 0 : index
    %get3A_10 = vector.load %arg4[%get3A_8, %get3A_9] : memref<128x8xf32, #tpu.memory_space<vmem>>, vector<128x8xf32>
    %dot_general3A_11 = arith.constant dense<0.000000e+00> : vector<1024x8xf32>
    %dot_general3A_12 = tpu.matmul %abs3A, %get3A_10, %dot_general3A_11 {dimension_numbers = #tpu.dot_dimension_numbers<[1], [0], [0], [1], [0, 0, 1, 1], [], []>, transpose_lhs_hint = false} : vector<1024x128xf32>, vector<128x8xf32>, vector<1024x8xf32> -> vector<1024x8xf32>
    %swap3A_13 = arith.constant 0 : index
    %swap3A_14 = arith.constant 0 : index
    %swap3A_15 = vector.load %arg7[%swap3A_13, %swap3A_14] : memref<1024x8xf32, #tpu.memory_space<vmem>>, vector<1024x8xf32>
    tpu.vector_store %arg7[%swap3A_13, %swap3A_14], %dot_general3A_12 {strides = array<i32>} : memref<1024x8xf32, #tpu.memory_space<vmem>>, vector<1024x8xf32>,
    %get3A_16 = arith.constant 0 : index
    %get3A_17 = arith.constant 0 : index
    %get3A_18 = vector.load %arg3[%get3A_16, %get3A_17] : memref<128x128xf32, #tpu.memory_space<vmem>>, vector<128x128xf32>
    %dot_general3A_19 = arith.constant dense<0.000000e+00> : vector<1024x128xf32>
    %dot_general3A_20 = tpu.matmul %get3A_1, %get3A_18, %dot_general3A_19 {dimension_numbers = #tpu.dot_dimension_numbers<[1], [0], [0], [1], [0, 0, 1, 1], [], []>, transpose_lhs_hint = false} : vector<1024x128xf32>, vector<128x128xf32>, vector<1024x128xf32> -> vector<1024x128xf32>
    %swap3A_21 = arith.constant 0 : index
    %swap3A_22 = arith.constant 0 : index
    %swap3A_23 = vector.load %arg6[%swap3A_21, %swap3A_22] : memref<1024x128xf32, #tpu.memory_space<vmem>>, vector<1024x128xf32>
    tpu.vector_store %arg6[%swap3A_21, %swap3A_22], %dot_general3A_20 {strides = array<i32>} : memref<1024x128xf32, #tpu.memory_space<vmem>>, vector<1024x128xf32>,
    %abs3A_24 = math.absf %dot_general3A_20 : vector<1024x128xf32>
    %get3A_25 = arith.constant 0 : index
    %get3A_26 = arith.constant 0 : index
    %get3A_27 = vector.load %arg4[%get3A_25, %get3A_26] : memref<128x8xf32, #tpu.memory_space<vmem>>, vector<128x8xf32>
    %dot_general3A_28 = arith.constant dense<0.000000e+00> : vector<1024x8xf32>
    %dot_general3A_29 = tpu.matmul %abs3A_24, %get3A_27, %dot_general3A_28 {dimension_numbers = #tpu.dot_dimension_numbers<[1], [0], [0], [1], [0, 0, 1, 1], [], []>, transpose_lhs_hint = false} : vector<1024x128xf32>, vector<128x8xf32>, vector<1024x8xf32> -> vector<1024x8xf32>
    %swap3A_30 = arith.constant 0 : index
    %swap3A_31 = arith.constant 0 : index
    %swap3A_32 = vector.load %arg8[%swap3A_30, %swap3A_31] : memref<1024x8xf32, #tpu.memory_space<vmem>>, vector<1024x8xf32>
    tpu.vector_store %arg8[%swap3A_30, %swap3A_31], %dot_general3A_29 {strides = array<i32>} : memref<1024x8xf32, #tpu.memory_space<vmem>>, vector<1024x8xf32>,
    return
  }
  func.func @transform_0(%arg0: i32) -> (i32, i32) {
    %c0_i32 = arith.constant 0 : i32
    %c0_i32_0 = arith.constant 0 : i32
    return %arg0, %c0_i32 : i32, i32
  }
  func.func @transform_1(%arg0: i32) -> (i32, i32) {
    %c0_i32 = arith.constant 0 : i32
    %c0_i32_0 = arith.constant 0 : i32
    %c0_i32_1 = arith.constant 0 : i32
    return %c0_i32, %c0_i32_0 : i32, i32
  }
  func.func @transform_2(%arg0: i32) -> (i32, i32) {
    %c0_i32 = arith.constant 0 : i32
    %c0_i32_0 = arith.constant 0 : i32
    %c0_i32_1 = arith.constant 0 : i32
    return %c0_i32, %c0_i32_0 : i32, i32
  }
  func.func @transform_3(%arg0: i32) -> (i32, i32) {
    %c0_i32 = arith.constant 0 : i32
    %c0_i32_0 = arith.constant 0 : i32
    %c0_i32_1 = arith.constant 0 : i32
    return %c0_i32, %c0_i32_0 : i32, i32
  }
  func.func @transform_4(%arg0: i32) -> (i32, i32) {
    %c0_i32 = arith.constant 0 : i32
    %c0_i32_0 = arith.constant 0 : i32
    return %arg0, %c0_i32 : i32, i32
  }
  func.func @transform_5(%arg0: i32) -> (i32, i32) {
    %c0_i32 = arith.constant 0 : i32
    %c0_i32_0 = arith.constant 0 : i32
    return %arg0, %c0_i32 : i32, i32
  }
  func.func @transform_6(%arg0: i32) -> (i32, i32) {
    %c0_i32 = arith.constant 0 : i32
    %c0_i32_0 = arith.constant 0 : i32
    return %arg0, %c0_i32 : i32, i32
  }
  func.func @transform_7(%arg0: i32) -> (i32, i32) {
    %c0_i32 = arith.constant 0 : i32
    %c0_i32_0 = arith.constant 0 : i32
    return %arg0, %c0_i32 : i32, i32
  }
}

module attributes {stable_mosaic.version = 14 : i64} {
  func.func @_prep_body(%arg0: i32, %arg1: memref<2x1024x128xf32, #tpu.memory_space<vmem>>, %arg2: memref<2x1024x8xf32, #tpu.memory_space<vmem>>, %arg3: memref<1x128xf32, #tpu.memory_space<vmem>>, %arg4: memref<128x128xf32, #tpu.memory_space<vmem>>, %arg5: memref<128x128xf32, #tpu.memory_space<vmem>>, %arg6: memref<128x8xf32, #tpu.memory_space<vmem>>, %arg7: memref<8x128xf32, #tpu.memory_space<vmem>>, %arg8: memref<1024x128xf32, #tpu.memory_space<vmem>>, %arg9: memref<1024x128xf32, #tpu.memory_space<vmem>>, %arg10: memref<1024x8xf32, #tpu.memory_space<vmem>>, %arg11: memref<1024x8xf32, #tpu.memory_space<vmem>>) attributes {dimension_semantics = [#tpu.dimension_semantics<arbitrary>], iteration_bounds = array<i64: 10>, scalar_prefetch = 0 : i64, scratch_operands = 0 : i64, tpu.core_type = #tpu.core_type<tc>, window_params = [{transform_indices = @transform_0, window_bounds = array<i64: 2, 1024, 128>}, {transform_indices = @transform_1, window_bounds = array<i64: 2, 1024, 8>}, {pipeline_mode = #tpu.pipeline_mode<synchronous>, transform_indices = @transform_2, window_bounds = array<i64: 1, 128>}, {pipeline_mode = #tpu.pipeline_mode<synchronous>, transform_indices = @transform_3, window_bounds = array<i64: 128, 128>}, {pipeline_mode = #tpu.pipeline_mode<synchronous>, transform_indices = @transform_4, window_bounds = array<i64: 128, 128>}, {pipeline_mode = #tpu.pipeline_mode<synchronous>, transform_indices = @transform_5, window_bounds = array<i64: 128, 8>}, {pipeline_mode = #tpu.pipeline_mode<synchronous>, transform_indices = @transform_6, window_bounds = array<i64: 8, 128>}, {transform_indices = @transform_7, window_bounds = array<i64: 1024, 128>}, {transform_indices = @transform_8, window_bounds = array<i64: 1024, 128>}, {transform_indices = @transform_9, window_bounds = array<i64: 1024, 8>}, {transform_indices = @transform_10, window_bounds = array<i64: 1024, 8>}]} {
    %get3A = arith.constant 0 : index
    %get3A_0 = arith.constant 0 : index
    %get3A_1 = arith.constant 0 : index
    %get3A_2 = vector.load %arg1[%get3A, %get3A_0, %get3A_1] : memref<2x1024x128xf32, #tpu.memory_space<vmem>>, vector<1x1024x128xf32>
    %get3A_3 = vector.shape_cast %get3A_2 : vector<1x1024x128xf32> to vector<1024x128xf32>
    %get3A_4 = arith.constant 1 : index
    %get3A_5 = arith.constant 0 : index
    %get3A_6 = arith.constant 0 : index
    %get3A_7 = vector.load %arg1[%get3A_4, %get3A_5, %get3A_6] : memref<2x1024x128xf32, #tpu.memory_space<vmem>>, vector<1x1024x128xf32>
    %get3A_8 = vector.shape_cast %get3A_7 : vector<1x1024x128xf32> to vector<1024x128xf32>
    %add3A = arith.addf %get3A_3, %get3A_8 : vector<1024x128xf32>
    %get3A_9 = arith.constant 0 : index
    %get3A_10 = arith.constant 0 : index
    %get3A_11 = arith.constant 0 : index
    %get3A_12 = vector.load %arg2[%get3A_9, %get3A_10, %get3A_11] : memref<2x1024x8xf32, #tpu.memory_space<vmem>>, vector<2x1024x8xf32>
    %reduce_sum3A = arith.constant dense<0.000000e+00> : vector<1024x8xf32>
    %reduce_sum3A_13 = vector.multi_reduction <add>, %get3A_12, %reduce_sum3A [0] : vector<2x1024x8xf32> to vector<1024x8xf32>
    %get3A_14 = arith.constant 0 : index
    %get3A_15 = arith.constant 0 : index
    %get3A_16 = vector.load %arg7[%get3A_14, %get3A_15] : memref<8x128xf32, #tpu.memory_space<vmem>>, vector<8x128xf32>
    %bitcast_convert_type3A = tpu.bitcast %reduce_sum3A_13 : vector<1024x8xf32> -> vector<1024x8xi32>
    %and3A = arith.constant -65536 : i32
    %and3A_17 = vector.broadcast %and3A : i32 to vector<1024x8xi32>
    %and3A_18 = arith.andi %bitcast_convert_type3A, %and3A_17 : vector<1024x8xi32>
    %bitcast_convert_type3A_19 = tpu.bitcast %and3A_18 : vector<1024x8xi32> -> vector<1024x8xf32>
    %sub3A = arith.subf %reduce_sum3A_13, %bitcast_convert_type3A_19 : vector<1024x8xf32>
    %convert_element_type3A = arith.truncf %bitcast_convert_type3A_19 : vector<1024x8xf32> to vector<1024x8xbf16>
    %convert_element_type3A_20 = arith.truncf %sub3A : vector<1024x8xf32> to vector<1024x8xbf16>
    %convert_element_type3A_21 = arith.truncf %get3A_16 : vector<8x128xf32> to vector<8x128xbf16>
    %dot_general3A = arith.constant dense<0.000000e+00> : vector<1024x128xf32>
    %dot_general3A_22 = tpu.matmul %convert_element_type3A, %convert_element_type3A_21, %dot_general3A {dimension_numbers = #tpu.dot_dimension_numbers<[1], [0], [0], [1], [0, 0, 1, 1], [], []>, transpose_lhs_hint = false} : vector<1024x8xbf16>, vector<8x128xbf16>, vector<1024x128xf32> -> vector<1024x128xf32>
    %dot_general3A_23 = arith.constant dense<0.000000e+00> : vector<1024x128xf32>
    %dot_general3A_24 = tpu.matmul %convert_element_type3A_20, %convert_element_type3A_21, %dot_general3A_23 {dimension_numbers = #tpu.dot_dimension_numbers<[1], [0], [0], [1], [0, 0, 1, 1], [], []>, transpose_lhs_hint = false} : vector<1024x8xbf16>, vector<8x128xbf16>, vector<1024x128xf32> -> vector<1024x128xf32>
    %add3A_25 = arith.addf %dot_general3A_22, %dot_general3A_24 : vector<1024x128xf32>
    %max3A = arith.constant 1.000000e-30 : f32
    %max3A_26 = vector.broadcast %max3A : f32 to vector<1024x128xf32>
    %max3A_27 = arith.maximumf %add3A_25, %max3A_26 : vector<1024x128xf32>
    %div3A = arith.divf %add3A, %max3A_27 : vector<1024x128xf32>
    %get3A_28 = arith.constant 0 : index
    %get3A_29 = arith.constant 0 : index
    %get3A_30 = vector.load %arg3[%get3A_28, %get3A_29] : memref<1x128xf32, #tpu.memory_space<vmem>>, vector<1x128xf32>
    %add3A_31 = vector.broadcast %get3A_30 : vector<1x128xf32> to vector<1024x128xf32>
    %add3A_32 = arith.addf %div3A, %add3A_31 : vector<1024x128xf32>
    %gt3A = arith.constant 0.000000e+00 : f32
    %gt3A_33 = vector.broadcast %gt3A : f32 to vector<1024x128xf32>
    %gt3A_34 = arith.cmpf ogt, %add3A_32, %gt3A_33 : vector<1024x128xf32>
    %exp3A = math.exp %add3A_32 : vector<1024x128xf32>
    %sub3A_35 = arith.constant 1.000000e+00 : f32
    %sub3A_36 = vector.broadcast %sub3A_35 : f32 to vector<1024x128xf32>
    %sub3A_37 = arith.subf %exp3A, %sub3A_36 : vector<1024x128xf32>
    %select_n3A = arith.select %gt3A_34, %add3A_32, %sub3A_37 : vector<1024x128xi1>, vector<1024x128xf32>
    %get3A_38 = arith.constant 0 : index
    %get3A_39 = arith.constant 0 : index
    %get3A_40 = vector.load %arg4[%get3A_38, %get3A_39] : memref<128x128xf32, #tpu.memory_space<vmem>>, vector<128x128xf32>
    %dot_general3A_41 = arith.constant dense<0.000000e+00> : vector<1024x128xf32>
    %dot_general3A_42 = tpu.matmul %select_n3A, %get3A_40, %dot_general3A_41 {dimension_numbers = #tpu.dot_dimension_numbers<[1], [0], [0], [1], [0, 0, 1, 1], [], []>, transpose_lhs_hint = false} : vector<1024x128xf32>, vector<128x128xf32>, vector<1024x128xf32> -> vector<1024x128xf32>
    %swap3A = arith.constant 0 : index
    %swap3A_43 = arith.constant 0 : index
    %swap3A_44 = vector.load %arg8[%swap3A, %swap3A_43] : memref<1024x128xf32, #tpu.memory_space<vmem>>, vector<1024x128xf32>
    tpu.vector_store %arg8[%swap3A, %swap3A_43], %dot_general3A_42 {strides = array<i32>} : memref<1024x128xf32, #tpu.memory_space<vmem>>, vector<1024x128xf32>,
    %abs3A = math.absf %dot_general3A_42 : vector<1024x128xf32>
    %get3A_45 = arith.constant 0 : index
    %get3A_46 = arith.constant 0 : index
    %get3A_47 = vector.load %arg6[%get3A_45, %get3A_46] : memref<128x8xf32, #tpu.memory_space<vmem>>, vector<128x8xf32>
    %dot_general3A_48 = arith.constant dense<0.000000e+00> : vector<1024x8xf32>
    %dot_general3A_49 = tpu.matmul %abs3A, %get3A_47, %dot_general3A_48 {dimension_numbers = #tpu.dot_dimension_numbers<[1], [0], [0], [1], [0, 0, 1, 1], [], []>, transpose_lhs_hint = false} : vector<1024x128xf32>, vector<128x8xf32>, vector<1024x8xf32> -> vector<1024x8xf32>
    %swap3A_50 = arith.constant 0 : index
    %swap3A_51 = arith.constant 0 : index
    %swap3A_52 = vector.load %arg10[%swap3A_50, %swap3A_51] : memref<1024x8xf32, #tpu.memory_space<vmem>>, vector<1024x8xf32>
    tpu.vector_store %arg10[%swap3A_50, %swap3A_51], %dot_general3A_49 {strides = array<i32>} : memref<1024x8xf32, #tpu.memory_space<vmem>>, vector<1024x8xf32>,
    %get3A_53 = arith.constant 0 : index
    %get3A_54 = arith.constant 0 : index
    %get3A_55 = vector.load %arg5[%get3A_53, %get3A_54] : memref<128x128xf32, #tpu.memory_space<vmem>>, vector<128x128xf32>
    %dot_general3A_56 = arith.constant dense<0.000000e+00> : vector<1024x128xf32>
    %dot_general3A_57 = tpu.matmul %select_n3A, %get3A_55, %dot_general3A_56 {dimension_numbers = #tpu.dot_dimension_numbers<[1], [0], [0], [1], [0, 0, 1, 1], [], []>, transpose_lhs_hint = false} : vector<1024x128xf32>, vector<128x128xf32>, vector<1024x128xf32> -> vector<1024x128xf32>
    %swap3A_58 = arith.constant 0 : index
    %swap3A_59 = arith.constant 0 : index
    %swap3A_60 = vector.load %arg9[%swap3A_58, %swap3A_59] : memref<1024x128xf32, #tpu.memory_space<vmem>>, vector<1024x128xf32>
    tpu.vector_store %arg9[%swap3A_58, %swap3A_59], %dot_general3A_57 {strides = array<i32>} : memref<1024x128xf32, #tpu.memory_space<vmem>>, vector<1024x128xf32>,
    %abs3A_61 = math.absf %dot_general3A_57 : vector<1024x128xf32>
    %get3A_62 = arith.constant 0 : index
    %get3A_63 = arith.constant 0 : index
    %get3A_64 = vector.load %arg6[%get3A_62, %get3A_63] : memref<128x8xf32, #tpu.memory_space<vmem>>, vector<128x8xf32>
    %dot_general3A_65 = arith.constant dense<0.000000e+00> : vector<1024x8xf32>
    %dot_general3A_66 = tpu.matmul %abs3A_61, %get3A_64, %dot_general3A_65 {dimension_numbers = #tpu.dot_dimension_numbers<[1], [0], [0], [1], [0, 0, 1, 1], [], []>, transpose_lhs_hint = false} : vector<1024x128xf32>, vector<128x8xf32>, vector<1024x8xf32> -> vector<1024x8xf32>
    %swap3A_67 = arith.constant 0 : index
    %swap3A_68 = arith.constant 0 : index
    %swap3A_69 = vector.load %arg11[%swap3A_67, %swap3A_68] : memref<1024x8xf32, #tpu.memory_space<vmem>>, vector<1024x8xf32>
    tpu.vector_store %arg11[%swap3A_67, %swap3A_68], %dot_general3A_66 {strides = array<i32>} : memref<1024x8xf32, #tpu.memory_space<vmem>>, vector<1024x8xf32>,
    return
  }
  func.func @transform_0(%arg0: i32) -> (i32, i32, i32) {
    %c0_i32 = arith.constant 0 : i32
    %c0_i32_0 = arith.constant 0 : i32
    %c0_i32_1 = arith.constant 0 : i32
    return %c0_i32, %arg0, %c0_i32_0 : i32, i32, i32
  }
  func.func @transform_1(%arg0: i32) -> (i32, i32, i32) {
    %c0_i32 = arith.constant 0 : i32
    %c0_i32_0 = arith.constant 0 : i32
    %c0_i32_1 = arith.constant 0 : i32
    return %c0_i32, %arg0, %c0_i32_0 : i32, i32, i32
  }
  func.func @transform_2(%arg0: i32) -> (i32, i32) {
    %c0_i32 = arith.constant 0 : i32
    %c0_i32_0 = arith.constant 0 : i32
    %c0_i32_1 = arith.constant 0 : i32
    return %c0_i32, %c0_i32_0 : i32, i32
  }
  func.func @transform_3(%arg0: i32) -> (i32, i32) {
    %c0_i32 = arith.constant 0 : i32
    %c0_i32_0 = arith.constant 0 : i32
    %c0_i32_1 = arith.constant 0 : i32
    return %c0_i32, %c0_i32_0 : i32, i32
  }
  func.func @transform_4(%arg0: i32) -> (i32, i32) {
    %c0_i32 = arith.constant 0 : i32
    %c0_i32_0 = arith.constant 0 : i32
    %c0_i32_1 = arith.constant 0 : i32
    return %c0_i32, %c0_i32_0 : i32, i32
  }
  func.func @transform_5(%arg0: i32) -> (i32, i32) {
    %c0_i32 = arith.constant 0 : i32
    %c0_i32_0 = arith.constant 0 : i32
    %c0_i32_1 = arith.constant 0 : i32
    return %c0_i32, %c0_i32_0 : i32, i32
  }
  func.func @transform_6(%arg0: i32) -> (i32, i32) {
    %c0_i32 = arith.constant 0 : i32
    %c0_i32_0 = arith.constant 0 : i32
    %c0_i32_1 = arith.constant 0 : i32
    return %c0_i32, %c0_i32_0 : i32, i32
  }
  func.func @transform_7(%arg0: i32) -> (i32, i32) {
    %c0_i32 = arith.constant 0 : i32
    %c0_i32_0 = arith.constant 0 : i32
    return %arg0, %c0_i32 : i32, i32
  }
  func.func @transform_8(%arg0: i32) -> (i32, i32) {
    %c0_i32 = arith.constant 0 : i32
    %c0_i32_0 = arith.constant 0 : i32
    return %arg0, %c0_i32 : i32, i32
  }
  func.func @transform_9(%arg0: i32) -> (i32, i32) {
    %c0_i32 = arith.constant 0 : i32
    %c0_i32_0 = arith.constant 0 : i32
    return %arg0, %c0_i32 : i32, i32
  }
  func.func @transform_10(%arg0: i32) -> (i32, i32) {
    %c0_i32 = arith.constant 0 : i32
    %c0_i32_0 = arith.constant 0 : i32
    return %arg0, %c0_i32 : i32, i32
  }
}

module attributes {stable_mosaic.version = 14 : i64} {
  func.func @_final_body(%arg0: i32, %arg1: memref<2x1024x128xf32, #tpu.memory_space<vmem>>, %arg2: memref<2x1024x8xf32, #tpu.memory_space<vmem>>, %arg3: memref<8x128xf32, #tpu.memory_space<vmem>>, %arg4: memref<128x16xf32, #tpu.memory_space<vmem>>, %arg5: memref<1x16xf32, #tpu.memory_space<vmem>>, %arg6: memref<16x8xf32, #tpu.memory_space<vmem>>, %arg7: memref<1x8xf32, #tpu.memory_space<vmem>>, %arg8: memref<8x4xf32, #tpu.memory_space<vmem>>, %arg9: memref<1x4xf32, #tpu.memory_space<vmem>>, %arg10: memref<16x8xf32, #tpu.memory_space<vmem>>, %arg11: memref<1x8xf32, #tpu.memory_space<vmem>>, %arg12: memref<8x1xf32, #tpu.memory_space<vmem>>, %arg13: memref<1x1xf32, #tpu.memory_space<vmem>>, %arg14: memref<1024x4xf32, #tpu.memory_space<vmem>>, %arg15: memref<1024x1xf32, #tpu.memory_space<vmem>>) attributes {dimension_semantics = [#tpu.dimension_semantics<arbitrary>], iteration_bounds = array<i64: 10>, scalar_prefetch = 0 : i64, scratch_operands = 0 : i64, tpu.core_type = #tpu.core_type<tc>, window_params = [{transform_indices = @transform_0, window_bounds = array<i64: 2, 1024, 128>}, {transform_indices = @transform_1, window_bounds = array<i64: 2, 1024, 8>}, {pipeline_mode = #tpu.pipeline_mode<synchronous>, transform_indices = @transform_2, window_bounds = array<i64: 8, 128>}, {pipeline_mode = #tpu.pipeline_mode<synchronous>, transform_indices = @transform_3, window_bounds = array<i64: 128, 16>}, {pipeline_mode = #tpu.pipeline_mode<synchronous>, transform_indices = @transform_4, window_bounds = array<i64: 1, 16>}, {pipeline_mode = #tpu.pipeline_mode<synchronous>, transform_indices = @transform_5, window_bounds = array<i64: 16, 8>}, {pipeline_mode = #tpu.pipeline_mode<synchronous>, transform_indices = @transform_6, window_bounds = array<i64: 1, 8>}, {pipeline_mode = #tpu.pipeline_mode<synchronous>, transform_indices = @transform_7, window_bounds = array<i64: 8, 4>}, {pipeline_mode = #tpu.pipeline_mode<synchronous>, transform_indices = @transform_8, window_bounds = array<i64: 1, 4>}, {pipeline_mode = #tpu.pipeline_mode<synchronous>, transform_indices = @transform_9, window_bounds = array<i64: 16, 8>}, {pipeline_mode = #tpu.pipeline_mode<synchronous>, transform_indices = @transform_10, window_bounds = array<i64: 1, 8>}, {pipeline_mode = #tpu.pipeline_mode<synchronous>, transform_indices = @transform_11, window_bounds = array<i64: 8, 1>}, {pipeline_mode = #tpu.pipeline_mode<synchronous>, transform_indices = @transform_12, window_bounds = array<i64: 1, 1>}, {transform_indices = @transform_13, window_bounds = array<i64: 1024, 4>}, {transform_indices = @transform_14, window_bounds = array<i64: 1024, 1>}]} {
    %get3A = arith.constant 0 : index
    %get3A_0 = arith.constant 0 : index
    %get3A_1 = arith.constant 0 : index
    %get3A_2 = vector.load %arg1[%get3A, %get3A_0, %get3A_1] : memref<2x1024x128xf32, #tpu.memory_space<vmem>>, vector<1x1024x128xf32>
    %get3A_3 = vector.shape_cast %get3A_2 : vector<1x1024x128xf32> to vector<1024x128xf32>
    %get3A_4 = arith.constant 1 : index
    %get3A_5 = arith.constant 0 : index
    %get3A_6 = arith.constant 0 : index
    %get3A_7 = vector.load %arg1[%get3A_4, %get3A_5, %get3A_6] : memref<2x1024x128xf32, #tpu.memory_space<vmem>>, vector<1x1024x128xf32>
    %get3A_8 = vector.shape_cast %get3A_7 : vector<1x1024x128xf32> to vector<1024x128xf32>
    %add3A = arith.addf %get3A_3, %get3A_8 : vector<1024x128xf32>
    %get3A_9 = arith.constant 0 : index
    %get3A_10 = arith.constant 0 : index
    %get3A_11 = arith.constant 0 : index
    %get3A_12 = vector.load %arg2[%get3A_9, %get3A_10, %get3A_11] : memref<2x1024x8xf32, #tpu.memory_space<vmem>>, vector<2x1024x8xf32>
    %reduce_sum3A = arith.constant dense<0.000000e+00> : vector<1024x8xf32>
    %reduce_sum3A_13 = vector.multi_reduction <add>, %get3A_12, %reduce_sum3A [0] : vector<2x1024x8xf32> to vector<1024x8xf32>
    %get3A_14 = arith.constant 0 : index
    %get3A_15 = arith.constant 0 : index
    %get3A_16 = vector.load %arg3[%get3A_14, %get3A_15] : memref<8x128xf32, #tpu.memory_space<vmem>>, vector<8x128xf32>
    %bitcast_convert_type3A = tpu.bitcast %reduce_sum3A_13 : vector<1024x8xf32> -> vector<1024x8xi32>
    %and3A = arith.constant -65536 : i32
    %and3A_17 = vector.broadcast %and3A : i32 to vector<1024x8xi32>
    %and3A_18 = arith.andi %bitcast_convert_type3A, %and3A_17 : vector<1024x8xi32>
    %bitcast_convert_type3A_19 = tpu.bitcast %and3A_18 : vector<1024x8xi32> -> vector<1024x8xf32>
    %sub3A = arith.subf %reduce_sum3A_13, %bitcast_convert_type3A_19 : vector<1024x8xf32>
    %convert_element_type3A = arith.truncf %bitcast_convert_type3A_19 : vector<1024x8xf32> to vector<1024x8xbf16>
    %convert_element_type3A_20 = arith.truncf %sub3A : vector<1024x8xf32> to vector<1024x8xbf16>
    %convert_element_type3A_21 = arith.truncf %get3A_16 : vector<8x128xf32> to vector<8x128xbf16>
    %dot_general3A = arith.constant dense<0.000000e+00> : vector<1024x128xf32>
    %dot_general3A_22 = tpu.matmul %convert_element_type3A, %convert_element_type3A_21, %dot_general3A {dimension_numbers = #tpu.dot_dimension_numbers<[1], [0], [0], [1], [0, 0, 1, 1], [], []>, transpose_lhs_hint = false} : vector<1024x8xbf16>, vector<8x128xbf16>, vector<1024x128xf32> -> vector<1024x128xf32>
    %dot_general3A_23 = arith.constant dense<0.000000e+00> : vector<1024x128xf32>
    %dot_general3A_24 = tpu.matmul %convert_element_type3A_20, %convert_element_type3A_21, %dot_general3A_23 {dimension_numbers = #tpu.dot_dimension_numbers<[1], [0], [0], [1], [0, 0, 1, 1], [], []>, transpose_lhs_hint = false} : vector<1024x8xbf16>, vector<8x128xbf16>, vector<1024x128xf32> -> vector<1024x128xf32>
    %add3A_25 = arith.addf %dot_general3A_22, %dot_general3A_24 : vector<1024x128xf32>
    %max3A = arith.constant 1.000000e-30 : f32
    %max3A_26 = vector.broadcast %max3A : f32 to vector<1024x128xf32>
    %max3A_27 = arith.maximumf %add3A_25, %max3A_26 : vector<1024x128xf32>
    %div3A = arith.divf %add3A, %max3A_27 : vector<1024x128xf32>
    %get3A_28 = arith.constant 0 : index
    %get3A_29 = arith.constant 0 : index
    %get3A_30 = vector.load %arg4[%get3A_28, %get3A_29] : memref<128x16xf32, #tpu.memory_space<vmem>>, vector<128x16xf32>
    %bitcast_convert_type3A_31 = tpu.bitcast %div3A : vector<1024x128xf32> -> vector<1024x128xi32>
    %and3A_32 = arith.constant -65536 : i32
    %and3A_33 = vector.broadcast %and3A_32 : i32 to vector<1024x128xi32>
    %and3A_34 = arith.andi %bitcast_convert_type3A_31, %and3A_33 : vector<1024x128xi32>
    %bitcast_convert_type3A_35 = tpu.bitcast %and3A_34 : vector<1024x128xi32> -> vector<1024x128xf32>
    %sub3A_36 = arith.subf %div3A, %bitcast_convert_type3A_35 : vector<1024x128xf32>
    %convert_element_type3A_37 = arith.truncf %bitcast_convert_type3A_35 : vector<1024x128xf32> to vector<1024x128xbf16>
    %convert_element_type3A_38 = arith.truncf %sub3A_36 : vector<1024x128xf32> to vector<1024x128xbf16>
    %convert_element_type3A_39 = arith.truncf %get3A_30 : vector<128x16xf32> to vector<128x16xbf16>
    %dot_general3A_40 = arith.constant dense<0.000000e+00> : vector<1024x16xf32>
    %dot_general3A_41 = tpu.matmul %convert_element_type3A_37, %convert_element_type3A_39, %dot_general3A_40 {dimension_numbers = #tpu.dot_dimension_numbers<[1], [0], [0], [1], [0, 0, 1, 1], [], []>, transpose_lhs_hint = false} : vector<1024x128xbf16>, vector<128x16xbf16>, vector<1024x16xf32> -> vector<1024x16xf32>
    %dot_general3A_42 = arith.constant dense<0.000000e+00> : vector<1024x16xf32>
    %dot_general3A_43 = tpu.matmul %convert_element_type3A_38, %convert_element_type3A_39, %dot_general3A_42 {dimension_numbers = #tpu.dot_dimension_numbers<[1], [0], [0], [1], [0, 0, 1, 1], [], []>, transpose_lhs_hint = false} : vector<1024x128xbf16>, vector<128x16xbf16>, vector<1024x16xf32> -> vector<1024x16xf32>
    %add3A_44 = arith.addf %dot_general3A_41, %dot_general3A_43 : vector<1024x16xf32>
    %get3A_45 = arith.constant 0 : index
    %get3A_46 = arith.constant 0 : index
    %get3A_47 = vector.load %arg5[%get3A_45, %get3A_46] : memref<1x16xf32, #tpu.memory_space<vmem>>, vector<1x16xf32>
    %add3A_48 = vector.broadcast %get3A_47 : vector<1x16xf32> to vector<1024x16xf32>
    %add3A_49 = arith.addf %add3A_44, %add3A_48 : vector<1024x16xf32>
    %get3A_50 = arith.constant 0 : index
    %get3A_51 = arith.constant 0 : index
    %get3A_52 = vector.load %arg6[%get3A_50, %get3A_51] : memref<16x8xf32, #tpu.memory_space<vmem>>, vector<16x8xf32>
    %dot_general3A_53 = arith.constant dense<0.000000e+00> : vector<1024x8xf32>
    %dot_general3A_54 = tpu.matmul %add3A_49, %get3A_52, %dot_general3A_53 {dimension_numbers = #tpu.dot_dimension_numbers<[1], [0], [0], [1], [0, 0, 1, 1], [], []>, transpose_lhs_hint = false} : vector<1024x16xf32>, vector<16x8xf32>, vector<1024x8xf32> -> vector<1024x8xf32>
    %get3A_55 = arith.constant 0 : index
    %get3A_56 = arith.constant 0 : index
    %get3A_57 = vector.load %arg7[%get3A_55, %get3A_56] : memref<1x8xf32, #tpu.memory_space<vmem>>, vector<1x8xf32>
    %add3A_58 = vector.broadcast %get3A_57 : vector<1x8xf32> to vector<1024x8xf32>
    %add3A_59 = arith.addf %dot_general3A_54, %add3A_58 : vector<1024x8xf32>
    %max3A_60 = arith.constant 0.000000e+00 : f32
    %max3A_61 = vector.broadcast %max3A_60 : f32 to vector<1024x8xf32>
    %max3A_62 = arith.maximumf %add3A_59, %max3A_61 : vector<1024x8xf32>
    %get3A_63 = arith.constant 0 : index
    %get3A_64 = arith.constant 0 : index
    %get3A_65 = vector.load %arg8[%get3A_63, %get3A_64] : memref<8x4xf32, #tpu.memory_space<vmem>>, vector<8x4xf32>
    %dot_general3A_66 = arith.constant dense<0.000000e+00> : vector<1024x4xf32>
    %dot_general3A_67 = tpu.matmul %max3A_62, %get3A_65, %dot_general3A_66 {dimension_numbers = #tpu.dot_dimension_numbers<[1], [0], [0], [1], [0, 0, 1, 1], [], []>, transpose_lhs_hint = false} : vector<1024x8xf32>, vector<8x4xf32>, vector<1024x4xf32> -> vector<1024x4xf32>
    %get3A_68 = arith.constant 0 : index
    %get3A_69 = arith.constant 0 : index
    %get3A_70 = vector.load %arg9[%get3A_68, %get3A_69] : memref<1x4xf32, #tpu.memory_space<vmem>>, vector<1x4xf32>
    %add3A_71 = vector.broadcast %get3A_70 : vector<1x4xf32> to vector<1024x4xf32>
    %add3A_72 = arith.addf %dot_general3A_67, %add3A_71 : vector<1024x4xf32>
    %swap3A = arith.constant 0 : index
    %swap3A_73 = arith.constant 0 : index
    %swap3A_74 = vector.load %arg14[%swap3A, %swap3A_73] : memref<1024x4xf32, #tpu.memory_space<vmem>>, vector<1024x4xf32>
    tpu.vector_store %arg14[%swap3A, %swap3A_73], %add3A_72 {strides = array<i32>} : memref<1024x4xf32, #tpu.memory_space<vmem>>, vector<1024x4xf32>,
    %get3A_75 = arith.constant 0 : index
    %get3A_76 = arith.constant 0 : index
    %get3A_77 = vector.load %arg10[%get3A_75, %get3A_76] : memref<16x8xf32, #tpu.memory_space<vmem>>, vector<16x8xf32>
    %dot_general3A_78 = arith.constant dense<0.000000e+00> : vector<1024x8xf32>
    %dot_general3A_79 = tpu.matmul %add3A_49, %get3A_77, %dot_general3A_78 {dimension_numbers = #tpu.dot_dimension_numbers<[1], [0], [0], [1], [0, 0, 1, 1], [], []>, transpose_lhs_hint = false} : vector<1024x16xf32>, vector<16x8xf32>, vector<1024x8xf32> -> vector<1024x8xf32>
    %get3A_80 = arith.constant 0 : index
    %get3A_81 = arith.constant 0 : index
    %get3A_82 = vector.load %arg11[%get3A_80, %get3A_81] : memref<1x8xf32, #tpu.memory_space<vmem>>, vector<1x8xf32>
    %add3A_83 = vector.broadcast %get3A_82 : vector<1x8xf32> to vector<1024x8xf32>
    %add3A_84 = arith.addf %dot_general3A_79, %add3A_83 : vector<1024x8xf32>
    %max3A_85 = arith.constant 0.000000e+00 : f32
    %max3A_86 = vector.broadcast %max3A_85 : f32 to vector<1024x8xf32>
    %max3A_87 = arith.maximumf %add3A_84, %max3A_86 : vector<1024x8xf32>
    %get3A_88 = arith.constant 0 : index
    %get3A_89 = arith.constant 0 : index
    %get3A_90 = vector.load %arg12[%get3A_88, %get3A_89] : memref<8x1xf32, #tpu.memory_space<vmem>>, vector<8x1xf32>
    %dot_general3A_91 = arith.constant dense<0.000000e+00> : vector<1024x1xf32>
    %dot_general3A_92 = tpu.matmul %max3A_87, %get3A_90, %dot_general3A_91 {dimension_numbers = #tpu.dot_dimension_numbers<[1], [0], [0], [1], [0, 0, 1, 1], [], []>, transpose_lhs_hint = false} : vector<1024x8xf32>, vector<8x1xf32>, vector<1024x1xf32> -> vector<1024x1xf32>
    %get3A_93 = arith.constant 0 : index
    %get3A_94 = arith.constant 0 : index
    %get3A_95 = vector.load %arg13[%get3A_93, %get3A_94] : memref<1x1xf32, #tpu.memory_space<vmem>>, vector<1x1xf32>
    %add3A_96 = vector.broadcast %get3A_95 : vector<1x1xf32> to vector<1024x1xf32>
    %add3A_97 = arith.addf %dot_general3A_92, %add3A_96 : vector<1024x1xf32>
    %swap3A_98 = arith.constant 0 : index
    %swap3A_99 = arith.constant 0 : index
    %swap3A_100 = vector.load %arg15[%swap3A_98, %swap3A_99] : memref<1024x1xf32, #tpu.memory_space<vmem>>, vector<1024x1xf32>
    tpu.vector_store %arg15[%swap3A_98, %swap3A_99], %add3A_97 {strides = array<i32>} : memref<1024x1xf32, #tpu.memory_space<vmem>>, vector<1024x1xf32>,
    return
  }
  func.func @transform_0(%arg0: i32) -> (i32, i32, i32) {
    %c0_i32 = arith.constant 0 : i32
    %c0_i32_0 = arith.constant 0 : i32
    %c0_i32_1 = arith.constant 0 : i32
    return %c0_i32, %arg0, %c0_i32_0 : i32, i32, i32
  }
  func.func @transform_1(%arg0: i32) -> (i32, i32, i32) {
    %c0_i32 = arith.constant 0 : i32
    %c0_i32_0 = arith.constant 0 : i32
    %c0_i32_1 = arith.constant 0 : i32
    return %c0_i32, %arg0, %c0_i32_0 : i32, i32, i32
  }
  func.func @transform_2(%arg0: i32) -> (i32, i32) {
    %c0_i32 = arith.constant 0 : i32
    %c0_i32_0 = arith.constant 0 : i32
    %c0_i32_1 = arith.constant 0 : i32
    return %c0_i32, %c0_i32_0 : i32, i32
  }
  func.func @transform_3(%arg0: i32) -> (i32, i32) {
    %c0_i32 = arith.constant 0 : i32
    %c0_i32_0 = arith.constant 0 : i32
    %c0_i32_1 = arith.constant 0 : i32
    return %c0_i32, %c0_i32_0 : i32, i32
  }
  func.func @transform_4(%arg0: i32) -> (i32, i32) {
    %c0_i32 = arith.constant 0 : i32
    %c0_i32_0 = arith.constant 0 : i32
    %c0_i32_1 = arith.constant 0 : i32
    return %c0_i32, %c0_i32_0 : i32, i32
  }
  func.func @transform_5(%arg0: i32) -> (i32, i32) {
    %c0_i32 = arith.constant 0 : i32
    %c0_i32_0 = arith.constant 0 : i32
    %c0_i32_1 = arith.constant 0 : i32
    return %c0_i32, %c0_i32_0 : i32, i32
  }
  func.func @transform_6(%arg0: i32) -> (i32, i32) {
    %c0_i32 = arith.constant 0 : i32
    %c0_i32_0 = arith.constant 0 : i32
    %c0_i32_1 = arith.constant 0 : i32
    return %c0_i32, %c0_i32_0 : i32, i32
  }
  func.func @transform_7(%arg0: i32) -> (i32, i32) {
    %c0_i32 = arith.constant 0 : i32
    %c0_i32_0 = arith.constant 0 : i32
    %c0_i32_1 = arith.constant 0 : i32
    return %c0_i32, %c0_i32_0 : i32, i32
  }
  func.func @transform_8(%arg0: i32) -> (i32, i32) {
    %c0_i32 = arith.constant 0 : i32
    %c0_i32_0 = arith.constant 0 : i32
    %c0_i32_1 = arith.constant 0 : i32
    return %c0_i32, %c0_i32_0 : i32, i32
  }
  func.func @transform_9(%arg0: i32) -> (i32, i32) {
    %c0_i32 = arith.constant 0 : i32
    %c0_i32_0 = arith.constant 0 : i32
    %c0_i32_1 = arith.constant 0 : i32
    return %c0_i32, %c0_i32_0 : i32, i32
  }
  func.func @transform_10(%arg0: i32) -> (i32, i32) {
    %c0_i32 = arith.constant 0 : i32
    %c0_i32_0 = arith.constant 0 : i32
    %c0_i32_1 = arith.constant 0 : i32
    return %c0_i32, %c0_i32_0 : i32, i32
  }
  func.func @transform_11(%arg0: i32) -> (i32, i32) {
    %c0_i32 = arith.constant 0 : i32
    %c0_i32_0 = arith.constant 0 : i32
    %c0_i32_1 = arith.constant 0 : i32
    return %c0_i32, %c0_i32_0 : i32, i32
  }
  func.func @transform_12(%arg0: i32) -> (i32, i32) {
    %c0_i32 = arith.constant 0 : i32
    %c0_i32_0 = arith.constant 0 : i32
    %c0_i32_1 = arith.constant 0 : i32
    return %c0_i32, %c0_i32_0 : i32, i32
  }
  func.func @transform_13(%arg0: i32) -> (i32, i32) {
    %c0_i32 = arith.constant 0 : i32
    %c0_i32_0 = arith.constant 0 : i32
    return %arg0, %c0_i32 : i32, i32
  }
  func.func @transform_14(%arg0: i32) -> (i32, i32) {
    %c0_i32 = arith.constant 0 : i32
    %c0_i32_0 = arith.constant 0 : i32
    return %arg0, %c0_i32 : i32, i32
  }
}

</mosaic_0001>

<sc_bundles>
// kernel: kernel.12.cloned.1.call-start
scs
__scs_entry_jumppad:
0x0: {  	(pc) =	sbr.rel $0x88, $3  }
0x1: {  	(tag) =	ssettag $0x0;
	lr =	simm.s32 $0x1  }
0x2: {  	[smem:$0x3F8B] =	sst lr;
	_ =	strace $0xD0000000  }
0x3: {  	_ = 	snop  }
0x4: {  	_ = 	snop  }
0x5: {  	_ = 	snop  }
0x6: {  	_ = 	snop  }
0x7: {  	_ = 	snop  }
__scs_overlays_trampoline_lowered:
0x8: {  	[smem:$0x3F9A] =	sst s0  }
0x9: {  	[smem:$0x3F9B] =	sst s1  }
0xa: {  	[smem:$0x3F9C] =	sst s2  }
0xb: {  	[smem:$0x3F9D] =	sst s3  }
0xc: {  	[smem:$0x3F9E] =	sst s4  }
0xd: {  	[smem:$0x3F9F] =	sst s5  }
0xe: {  	[smem:$0x3FA0] =	sst s6  }
0xf: {  	[smem:$0x3FA1] =	sst s7  }
0x10: {  	[smem:$0x3FA2] =	sst s8  }
0x11: {  	[smem:$0x3FA3] =	sst s9;
	s0 =	simm.s32 @!p0 $0x0  }
0x12: {  	s1 =	sld [smem:$0x3F89];
	s0 =	simm.s32 @p0 $0x1  }
0x13: {  	[smem:$0x3FA4] =	sst s0;
	s0 =	simm.s32 @!p1 $0x0  }
0x14: {  	s2 =	sld [smem:$0x3F88];
	s0 =	simm.s32 @p1 $0x1  }
0x15: {  	[smem:$0x3FA5] =	sst s0;
	s0 =	simm.s32 @!p2 $0x0  }
0x16: {  	s3 =	sld [smem:$0x3FDB];
	s0 =	simm.s32 @p2 $0x1  }
0x17: {  	s4 =	simm.s32 $0x1BF5;
	[smem:$0x3FA7] =	sst s0  }
0x18: {  	s0 =	sld [smem:$0x3F8A];
	_ =	swait.ge [sflag:s4], $0x0  }
0x19: {  	s7 =	sld [smem:$0x3F8B]  }
0x1a: {  	s8 =	sadd.s32 $0xFFFFE003, lr  }
0x1b: {  	s9 =	sadd.s32 $0xFFFFFEF7, lr;
	s5 =	simm.s32 $0xFFFFFFFF;
	p2 =	slt.u32 s8, $0xFFFFF086  }
0x1c: {  	p1 =	slt.u32 s9, $0xF7A;
	s5 =	simm.s32 @!p2 $0x0  }
0x1d: {  	s5 =	simm.s32 @p1 $0x1;
	p0 =	seq.s32 s7, s2  }
0x1e: {  	s7 =	smul.u32 @!p0 $0xF7A, s2;
	p2 =	seq.s32 @!p0 s5, $0x0  }
0x1f: {  	s9 =	smul.u32 $0xF7A, s1;
	s8 =	simm.s32 @!p0 $0x1BF5;
	p2 =	por !p2, p0  }
0x20: {  	[sflag:s8] =	ssyncset.s32 @!p0 $0xFFFFF086;
	s6 =	sadd.s32 @!p0 s3, s7;
	s7 =	simm.s32 @!p0 $0x108  }
0x21: {  	s3 =	sadd.s32 s3, s9;
	s6 =	sadd.s32 @!p0 $0x88, s6;
	s7 =	simm.s32 @p2 $0x1082  }
0x22: {  	[simem:s7], [sflag:s8] =	dma.local @!p0 [hbm:s6], $0xF7A  }
0x23: {  	s9 =	sor.u32 $0xD0000000, s2;
	s6 =	simm.s32 $0x108;
	_ =	swait.ge @!p0 [sflag:s8], $0x0  }
0x24: {  	s3 =	sadd.s32 $0x88, s3;
	s6 =	simm.s32 @!p1 $0x1082;
	[sflag:s4] =	ssyncset.s32 $0xFFFFF086  }
0x25: {  	[simem:s6], [sflag:s4] =	dma.local [hbm:s3], $0xF7A  }
0x26: {  	[smem:$0x3F8B] =	sst s1;
	(tag) =	ssettag s2;
	_ =	strace s9  }
0x27: {  	s1 =	sld [smem:$0x3F9B]  }
0x28: {  	s2 =	sld [smem:$0x3F9C]  }
0x29: {  	s4 =	sld [smem:$0x3F9E]  }
0x2a: {  	p0 =	seq.s32 s5, $0x0;
	s5 =	sld [smem:$0x3F9F]  }
0x2b: {  	s6 =	sld [smem:$0x3FA0]  }
0x2c: {  	s7 =	sld [smem:$0x3FA1]  }
0x2d: {  	s3 =	simm.s32 $0x108;
	s8 =	sld [smem:$0x3FA2]  }
0x2e: {  	s3 =	simm.s32 @!p0 $0x1082;
	s9 =	sld [smem:$0x3FA3]  }
0x2f: {  	lr =	sadd.s32 s0, s3;
	s0 =	sld [smem:$0x3F9A]  }
0x30: {  	s3 =	sld [smem:$0x3F9D]  }
0x31: {  	[smem:$0x3FA6] =	sst s10  }
0x32: {  	s10 =	sld [smem:$0x3FA4];
	_ =	sdelay $0x3  }
0x33: {  	p0 =	seq.s32 s10, $0x1;
	s10 =	sld [smem:$0x3FA6];
	_ =	sdelay $0x3  }
0x34: {  	[smem:$0x3FA6] =	sst s10  }
0x35: {  	s10 =	sld [smem:$0x3FA5];
	_ =	sdelay $0x3  }
0x36: {  	p1 =	seq.s32 s10, $0x1;
	s10 =	sld [smem:$0x3FA6];
	_ =	sdelay $0x3  }
0x37: {  	[smem:$0x3FA6] =	sst s10  }
0x38: {  	s10 =	sld [smem:$0x3FA7]  }
0x39: {  	_ = 	snop;
	(pc) =	sbr.ind lr, $3  }
0x3a: {  	_ = 	snop  }
0x3b: {  	_ = 	snop  }
0x3c: {  	p2 =	seq.s32 s10, $0x1;
	s10 =	sld [smem:$0x3FA6]  }
0x3d: {  	_ =	shalt  }
0x3e: {  	_ =	shalt  }
0x3f: {  	_ =	shalt  }
0x40: {  	_ =	shalt  }
0x41: {  	_ =	shalt  }
0x42: {  	_ =	shalt  }
0x43: {  	_ =	shalt  }
0x44: {  	_ =	shalt  }
0x45: {  	_ =	shalt  }
0x46: {  	_ =	shalt  }
0x47: {  	_ =	shalt  }
0x48: {  	_ =	shalt  }
0x49: {  	_ =	shalt  }
0x4a: {  	_ =	shalt  }
0x4b: {  	_ =	shalt  }
0x4c: {  	_ =	shalt  }
0x4d: {  	_ =	shalt  }
0x4e: {  	_ =	shalt  }
0x4f: {  	_ =	shalt  }
0x50: {  	_ =	shalt  }
0x51: {  	_ =	shalt  }
0x52: {  	_ =	shalt  }
0x53: {  	_ =	shalt  }
0x54: {  	_ =	shalt  }
0x55: {  	_ =	shalt  }
0x56: {  	_ =	shalt  }
0x57: {  	_ =	shalt  }
0x58: {  	_ =	shalt  }
0x59: {  	_ =	shalt  }
0x5a: {  	_ =	shalt  }
0x5b: {  	_ =	shalt  }
0x5c: {  	_ =	shalt  }
0x5d: {  	_ =	shalt  }
0x5e: {  	_ =	shalt  }
0x5f: {  	_ =	shalt  }
0x60: {  	_ =	shalt  }
0x61: {  	_ =	shalt  }
0x62: {  	_ =	shalt  }
0x63: {  	_ =	shalt  }
0x64: {  	_ =	shalt  }
0x65: {  	_ =	shalt  }
0x66: {  	_ =	shalt  }
0x67: {  	_ =	shalt  }
0x68: {  	_ =	shalt  }
0x69: {  	_ =	shalt  }
0x6a: {  	_ =	shalt  }
0x6b: {  	_ =	shalt  }
0x6c: {  	_ =	shalt  }
0x6d: {  	_ =	shalt  }
0x6e: {  	_ =	shalt  }
0x6f: {  	_ =	shalt  }
0x70: {  	_ =	shalt  }
0x71: {  	_ =	shalt  }
0x72: {  	_ =	shalt  }
0x73: {  	_ =	shalt  }
0x74: {  	_ =	shalt  }
0x75: {  	_ =	shalt  }
0x76: {  	_ =	shalt  }
0x77: {  	_ =	shalt  }
0x78: {  	_ =	shalt  }
0x79: {  	_ =	shalt  }
0x7a: {  	_ =	shalt  }
0x7b: {  	_ =	shalt  }
0x7c: {  	_ =	shalt  }
0x7d: {  	_ =	shalt  }
0x7e: {  	_ =	shalt  }
0x7f: {  	_ =	shalt  }
0x80: {  	_ =	shalt  }
0x81: {  	_ =	shalt  }
0x82: {  	_ =	shalt  }
0x83: {  	_ =	shalt  }
0x84: {  	_ =	shalt  }
0x85: {  	_ =	shalt  }
0x86: {  	_ =	shalt  }
0x87: {  	_ =	shalt  }
.Lfunc_end0:
.L_simem_size_0:
called_computation.1_lowered:
.L_overlay_start_0:
0x88: {  	s2 =	sld [smem:$0x3FD9]  }
0x89: {  	s3 =	sld [smem:$0x3FFE];
	_ =	sdelay $0x1  }
0x8a: {  	s1 =	srdreg.scid  }
0x8b: {  	s0 =	sand.u32 $0x1, s1  }
0x8c: {  	s14 =	sshll.u32 s0, $0xA;
	s2 =	sadd.s32 s3, s2  }
0x8d: {  	s2 =	sadd.s32 s2, s14  }
0x8e: {  	[smem:$0x3FB2] =	sst s2  }
0x8f: {  	_ = 	snop  }
0x90: {  	s2 =	sld [smem:$0x3FD0];
	_ =	sdelay $0x2  }
0x91: {  	s4 =	simm.s32 $0xA;
	s5 =	simm.s32 $0x10;
	s15 =	sld [smem:$0x3FC1]  }
0x92: {  	[smem:s5], [sflag:s4] =	dma.local [hbm:s2], $0x1  }
0x93: {  	_ =	swait.eq [sflag:s4], $0x1  }
0x94: {  	[sflag:s4] =	ssyncset.done $0x0  }
0x95: {  	[sflag:s4] =	ssyncadd.s32 $0xFFFFFFFF  }
0x96: {  	s16 =	sld [smem:$0x11];
	(tm) =	ssettm $0x1  }
0x97: {  	s17 =	sld [smem:$0x3FFB];
	_ =	sdelay $0x3  }
0x98: {  	_ =	strace s17  }
0x99: {  	s4 =	sld [smem:$0x3FFC];
	_ =	sdelay $0x3  }
0x9a: {  	_ =	strace s4  }
0x9b: {  	s4 =	sld [smem:$0x3FFD];
	_ =	sdelay $0x3  }
0x9c: {  	_ =	strace s4  }
0x9d: {  	_ =	strace $0x8FFFFFFF  }
0x9e: {  	s18 =	sld [smem:$0x3FDB];
	_ =	sdelay $0x1  }
0x9f: {  	s19 =	simm.s32 $_scs_section_size  }
0xa0: {  	s6 =	simm.s32 $_size__tile_overlayer_lowered;
	s7 =	simm.s32 $_tile_overlayer_lowered  }
0xa1: {  	s22 =	simm.s32 $0x1BFF;
	s21 =	sshll.u32 s7, $0x1;
	s4 =	sadd.s32 s19, s18  }
0xa2: {  	s8 =	simm.s32 $0x0;
	s20 =	sshll.u32 s6, $0x1;
	s6 =	sadd.s32 s21, s4  }
0xa3: {  	[timem:s8], [sflag:s22] =	dma.local [hbm:s6], s20  }
0xa4: {  	_ =	swait.ge [sflag:s22], s20  }
0xa5: {  	s5 =	ssub.s32 $0x0, s20;
	[sflag:s22] =	ssyncset.done $0x0  }
0xa6: {  	[sflag:s22] =	ssyncadd.s32 s5;
	_ =	sdelay $0x1  }
0xa7: {  	s23 =	simm.s32 $0x1B8B  }
0xa8: {  	_ =	swait.ge [sflag:s23], $0x1  }
0xa9: {  	[sflag:s23] =	ssyncset.done $0x0  }
0xaa: {  	s25 =	simm.s32 $0x1B8E;
	s24 =	sld [smem:$0x3FFE];
	[sflag:s23] =	ssyncadd.s32 $0xFFFFFFFF  }
0xab: {  	s26 =	simm.s32 $execute0_lowered;
	[smem:$0x3FD2] =	sst s25  }
0xac: {  	s6 =	sshll.u32 s26, $0x1;
	_ =	strace $0x80000049;
	[dreg:$0x1] =	wrdreg $0xFFFFFFFF  }
0xad: {  	s28 =	simm.s32 $_size_execute0_lowered;
	s4 =	sadd.s32 s4, s6;
	[dreg:$0x0] =	wrdreg $0x0  }
0xae: {  	s6 =	sshll.u32 s28, $0x1;
	[dreg:$0x2] =	wrdreg s4  }
0xaf: {  	[dreg:$0x3] =	wrdreg s6  }
0xb0: {  	[dreg:$0x4] =	wrdreg $0xC0  }
0xb1: {  	_ =	task [dreg:s8], $0x5FFFF  }
0xb2: {  	[dreg:$0x1] =	wrdreg $0xFFFFFFFF  }
0xb3: {  	[dreg:$0x0] =	wrdreg $0x60  }
0xb4: {  	[dreg:$0x2] =	wrdreg s24  }
0xb5: {  	[dreg:$0x3] =	wrdreg s15  }
0xb6: {  	[dreg:$0x4] =	wrdreg s16  }
0xb7: {  	[dreg:$0x5] =	wrdreg $0x6A800  }
0xb8: {  	[dreg:$0x6] =	wrdreg $0x1AA800  }
0xb9: {  	[dreg:$0x7] =	wrdreg $0x9  }
0xba: {  	_ =	task.clear_ibuf [dreg:s8], $0x8FFFF;
	_ =	strace $0x90000049  }
0xbb: {  	s29 =	simm.s32 $0x9;
	_ =	strace $0x8000004B  }
0xbc: {  	_ =	swait.ge [sflag:s29], $0x1  }
0xbd: {  	[sflag:s29] =	ssyncadd.s32 $0xFFFFFFFF  }
0xbe: {  	_ =	strace $0x9000004B  }
0xbf: {  	_ =	sfence  }
0xc0: {  	s30 =	sld [smem:$0x0];
	_ =	sdelay $0x2  }
0xc1: {  	s31 =	sshll.u32 s1, $0xD;
	s1 =	sshrl.u32 s1, $0x2  }
0xc2: {  	s3 =	sand.u32 $0x4000, s31;
	s1 =	sadd.s32 s1, s30  }
0xc3: {  	s0 =	sor.u32 s3, s0;
	s1 =	sshll.u32 s1, $0x11  }
0xc4: {  	s0 =	sor.u32 s1, s0  }
0xc5: {  	s0 =	sadd.s32 $0x8F2B, s0  }
0xc6: {  	[sflag:s0] =	ssyncadd.remote.s32 $0x1  }
0xc7: {  	_ =	sfence.sel $0xFFFF  }
0xc8: {  	[dreg:$0x0] =	wrdreg $0xFFFFFFFF;
	(pc) =	sbr.abs _section_cstart, $3  }
0xc9: {  	[dreg:$0x1] =	wrdreg $0xFFFFFFFF  }
0xca: {  	_ =	task.clear_ibuf [dreg:s8], $0x2FFFF;
	_ =	strace $0x9FFFFFFF  }
0xcb: {  	(tm) =	ssettm $0x7FFFFFFF  }
tec
execute0_lowered:
.L_overlay_start_1:
0x0: {  	(tag) =	ssettag $0x1  }
0x1: {  	s0 =	rddreg [dreg:$0x0]  }
0x2: {  	s1 =	rddreg [dreg:$0x3]  }
0x3: {  	s2 =	rddreg [dreg:$0x4]  }
0x4: {  	s3 =	srdreg.scid;
	s4 =	simm.s32 $0x0;
	s15 =	stileid.u32  }
0x5: {  	s28 =	simm.s32 $0x3100;
	s29 =	simm.s32 $0x3180;
	s8 =	smul.u32 $0x14000, s15  }
0x6: {  	s30 =	simm.s32 $0x3200;
	s31 =	simm.s32 $0x4A00;
	s25 =	smul.u32 $0x1400, s15  }
0x7: {  	s3 =	sand.u32 $0x1, s3;
	[smem:$0x7FF] =	sst s4;
	s26 =	smul.u32 $0x50000, s15  }
0x8: {  	s5 =	sadd.s32 $0x2600, s0;
	s6 =	sadd.s32 $0x2A600, s0;
	s13 =	smul.u32 $0x5000, s15  }
0x9: {  	s18 =	sadd.s32 $0x52600, s0;
	s17 =	sadd.s32 $0x5CA00, s0;
	s21 =	smul.u32 $0x5200, s15  }
0xa: {  	s16 =	sshll.u32 s15, $0x1;
	s22 =	sshll.u32 s15, $0x6;
	s7 =	smul.u32 $0x140000, s3  }
0xb: {  	_ =	strace $0x8000004A;
	s9 =	smul.u32 $0x14000, s3;
	s11 =	ssub.s32 $0x2, s3  }
0xc: {  	s19 =	sshrl.u32 s11, $0x1;
	s20 =	sshrl.u32 s26, $0x2;
	s23 =	sshrl.u32 s13, $0x2  }
0xd: {  	s7 =	sadd.s32 s8, s7;
	s8 =	sadd.s32 s25, s9;
	s14 =	ssub.s32 s11, s19  }
0xe: {  	s1 =	sadd.s32 s20, s1;
	s2 =	sadd.s32 s23, s2;
	s20 =	simm.s32 $0x3  }
0xf: {  	s23 =	simm.s32 $0x80;
	s10 =	sshrl.u32 s7, $0x3;
	s7 =	sadd.s32 $0x66E00, s0  }
0x10: {  	s8 =	sshrl.u32 s8, $0x3;
	[dreg:$0x6] =	wrdreg s2;
	s14 =	smax.u32 s14, $0x1  }
0x11: {  	s19 =	sshrl.u32 s1, $0x3;
	s1 =	simm.s32 $0x0;
	s12 =	sadd.s32 s10, s0  }
0x12: {  	s10 =	sor.u32 s3, s16;
	s0 =	sadd.s32 s8, s0;
	s3 =	smul.u32 $0x2900, s3  }
0x13: {  	s8 =	sor.u32 $0x1C03, s22;
	s10 =	smul.u32 $0x2900, s10;
	s12 =	sadd.s32 $0x6E600, s12  }
0x14: {  	s13 =	sadd.s32 $0x69600, s0;
	s0 =	simm.s32 $0x1;
	s25 =	sadd.s32 s3, s21  }
0x15: {  	s24 =	sshrl.u32 s10, $0x3;
	s3 =	sor.u32 $0x60, s25;
	s2 =	sor.u32 $0x30, s25  }
0x16: {  	s25 =	simm.s32 $0x100;
	s10 =	sadd.s32 s18, s24;
	s11 =	sadd.s32 s17, s24  }
0x17: {  	s26 =	sshrl.u32 s3, $0x3;
	s2 =	sshrl.u32 s2, $0x3;
	s24 =	simm.s32 $0x30  }
0x18: {  	s3 =	simm.s32 $0x2;
	s15 =	sadd.s32 s26, s17;
	s16 =	sadd.s32 s26, s18  }
0x19: {  	s17 =	sadd.s32 s2, s17;
	s18 =	sadd.s32 s2, s18;
	s26 =	simm.s32 $0x1900  }
.LBB2_1:
0x1a: {  	[spmem:s19], [sflag:s8] =	dma.local [hbm:s7], $0x2800  }
0x1b: {  	_ =	swait.ge [sflag:s20], $0x2800  }
0x1c: {  	[sflag:s20] =	ssyncset.done $0x0;
	s2 =	rddreg [dreg:$0x6]  }
0x1d: {  	[sflag:s20] =	ssyncadd.s32 $0xFFFFD800;
	s2 =	sshrl.u32 s2, $0x3  }
0x1e: {  	[spmem:s2], [sflag:s8] =	dma.local [hbm:s7], $0x280  }
0x1f: {  	_ =	swait.ge [sflag:s20], $0x280  }
0x20: {  	[sflag:s20] =	ssyncset.done $0x0  }
0x21: {  	[sflag:s20] =	ssyncadd.s32 $0xFFFFFD80  }
0x22: {  	s21 =	simm.s32 $0x6280;
	s9 =	rddreg [dreg:$0x1]  }
0x23: {  	[tilespmem:s21], [sflag:$0x3] =	stream.linear.gather [hbm4b:s9+s4], $0x400, $0x38;
	[tilespmem:$0x1BE80] =	vst v63  }
0x24: {  	_ =	swait.ge [sflag:s20], $0x400  }
0x25: {  	[sflag:s20] =	ssyncset.done $0x0  }
0x26: {  	[sflag:s20] =	ssyncadd.s32 $0xFFFFFC00  }
0x27: {  	s22 =	simm.s32 $0x6680;
	s21 =	rddreg [dreg:$0x2]  }
0x28: {  	[tilespmem:s22], [sflag:$0x3] =	stream.linear.gather [hbm4b:s21+s4], $0x400, $0x38;
	[tilespmem:$0x1BE80] =	vst v63  }
0x29: {  	_ =	swait.ge [sflag:s20], $0x400  }
0x2a: {  	[sflag:s20] =	ssyncset.done $0x0  }
0x2b: {  	[sflag:s20] =	ssyncadd.s32 $0xFFFFFC00  }
0x2c: {  	[bflag:$0x0] =	sbarrier.arrive $0xFFFF  }
0x2d: {  	[tilespmem:s4], [sflag:$0x3] =	stream.linear.gather [hbm4b:s10+s4], $0x30, $0x38;
	[tilespmem:$0x1BE80] =	vst v63  }
0x2e: {  	_ =	swait.ge [sflag:s20], $0x30  }
0x2f: {  	[sflag:s20] =	ssyncset.done $0x0  }
0x30: {  	[sflag:s20] =	ssyncadd.s32 $0xFFFFFFD0  }
0x31: {  	[tilespmem:s23], [sflag:$0x3] =	stream.linear.gather [hbm4b:s11+s4], $0x30, $0x38;
	[tilespmem:$0x1BE80] =	vst v63  }
0x32: {  	_ =	swait.ge [sflag:s20], $0x30  }
0x33: {  	[sflag:s20] =	ssyncset.done $0x0  }
0x34: {  	[sflag:s20] =	ssyncadd.s32 $0xFFFFFFD0  }
0x35: {  	[tilespmem:s25], [sflag:$0x1] =	stream.indirect.gather [hbm4b:s5+s24], $0x80, s4, s24, $0xb8;
	[tilespmem:$0x1BE80] =	vst v63  }
0x36: {  	_ = 	snop  }
0x37: {  	[tilespmem:s26], [sflag:$0x1] =	stream.indirect.gather [hbm4b:s6+s24], $0x80, s23, s24, $0xb8;
	[tilespmem:$0x1BE80] =	vst v63  }
0x38: {  	s9 =	sadd.s32 $0x0, s18  }
0x39: {  	[tilespmem:s28], [sflag:$0x3] =	stream.linear.gather [hbm4b:s9+s4], $0x30, $0x38;
	[tilespmem:$0x1BE80] =	vst v63  }
0x3a: {  	_ =	swait.ge [sflag:s20], $0x30  }
0x3b: {  	[sflag:s20] =	ssyncset.done $0x0  }
0x3c: {  	s22 =	sadd.s32 $0x0, s17;
	[sflag:s20] =	ssyncadd.s32 $0xFFFFFFD0  }
0x3d: {  	[tilespmem:s29], [sflag:$0x3] =	stream.linear.gather [hbm4b:s22+s4], $0x30, $0x38;
	[tilespmem:$0x1BE80] =	vst v63  }
0x3e: {  	_ =	swait.ge [sflag:s20], $0x30  }
0x3f: {  	[sflag:s20] =	ssyncset.done $0x0  }
0x40: {  	[sflag:s20] =	ssyncadd.s32 $0xFFFFFFD0  }
0x41: {  	[tilespmem:s30], [sflag:$0x2] =	stream.indirect.gather [hbm4b:s5+s24], $0x80, s28, s24, $0xb8;
	[tilespmem:$0x1BE80] =	vst v63  }
0x42: {  	_ = 	snop  }
0x43: {  	[tilespmem:s31], [sflag:$0x2] =	stream.indirect.gather [hbm4b:s6+s24], $0x80, s29, s24, $0xb8;
	[tilespmem:$0x1BE80] =	vst v63  }
0x44: {  	_ =	swait.ge [sflag:s0], $0x1800  }
0x45: {  	[sflag:s0] =	ssyncset.done $0x0  }
0x46: {  	[sflag:s0] =	ssyncadd.s32 $0xFFFFE800  }
0x47: {  	_ =	swait.ge [sflag:s0], $0x1800  }
0x48: {  	[sflag:s0] =	ssyncset.done $0x0  }
0x49: {  	[sflag:s0] =	ssyncadd.s32 $0xFFFFE800  }
0x4a: {  	v0 =	vld [tilespmem:$0xA0]  }
0x4b: {  	v1 =	vld [tilespmem:$0x80]  }
0x4c: {  	v2 =	vld [tilespmem:$0x90];
	_ =	sdelay $0x2  }
0x4d: {  	v0 =	vshra.s32 v0, $0x4  }
0x4e: {  	v1 =	vshra.s32 v1, $0x4;
	[tilespmem:$0x6220] =	vst v0  }
0x4f: {  	[tilespmem:$0x6200] =	vst v1;
	v0 =	vshra.s32 v2, $0x4  }
0x50: {  	s9 =	sadd.s32 $0x0, s16;
	[tilespmem:$0x6210] =	vst v0  }
0x51: {  	[tilespmem:s4], [sflag:$0x3] =	stream.linear.gather [hbm4b:s9+s4], $0x30, $0x38;
	[tilespmem:$0x1BE80] =	vst v63  }
0x52: {  	_ =	swait.ge [sflag:s20], $0x30  }
0x53: {  	[sflag:s20] =	ssyncset.done $0x0  }
0x54: {  	s22 =	sadd.s32 $0x0, s15;
	[sflag:s20] =	ssyncadd.s32 $0xFFFFFFD0  }
0x55: {  	[tilespmem:s23], [sflag:$0x3] =	stream.linear.gather [hbm4b:s22+s4], $0x30, $0x38;
	[tilespmem:$0x1BE80] =	vst v63  }
0x56: {  	_ =	swait.ge [sflag:s20], $0x30  }
0x57: {  	[sflag:s20] =	ssyncset.done $0x0  }
0x58: {  	[sflag:s20] =	ssyncadd.s32 $0xFFFFFFD0  }
0x59: {  	[tilespmem:s25], [sflag:$0x1] =	stream.indirect.gather [hbm4b:s5+s24], $0x80, s4, s24, $0xb8;
	[tilespmem:$0x1BE80] =	vst v63  }
0x5a: {  	_ = 	snop  }
0x5b: {  	[tilespmem:s26], [sflag:$0x1] =	stream.indirect.gather [hbm4b:s6+s24], $0x80, s23, s24, $0xb8;
	[tilespmem:$0x1BE80] =	vst v63  }
0x5c: {  	_ =	swait.ge [sflag:s3], $0x1800  }
0x5d: {  	[sflag:s3] =	ssyncset.done $0x0  }
0x5e: {  	[sflag:s3] =	ssyncadd.s32 $0xFFFFE800  }
0x5f: {  	_ =	swait.ge [sflag:s3], $0x1800  }
0x60: {  	[sflag:s3] =	ssyncset.done $0x0  }
0x61: {  	[sflag:s3] =	ssyncadd.s32 $0xFFFFE800  }
0x62: {  	v1 =	vld [tilespmem:$0x31A0]  }
0x63: {  	v2 =	vld [tilespmem:$0x3180]  }
0x64: {  	s21 =	simm.s32 $0xC;
	v0 =	vld [tilespmem:$0x3190]  }
.LBB2_2:
0x65: {  	_ = 	snop  }
0x66: {  	p0 =	sne.s32 s21, $0x504;
	s22 =	smov.u32 s21;
	s21 =	sadd.s32 $0xC, s21  }
0x67: {  	v1 =	vshra.s32 v1, $0x4  }
0x68: {  	v2 =	vshra.s32 v2, $0x4;
	[tilespmem:$0x6220] =	vst v1  }
0x69: {  	[tilespmem:$0x6200] =	vst v2;
	v0 =	vshra.s32 v0, $0x4  }
0x6a: {  	s9 =	sadd.s32 s22, s18;
	[tilespmem:$0x6210] =	vst v0  }
0x6b: {  	[tilespmem:s28], [sflag:$0x3] =	stream.linear.gather [hbm4b:s9+s4], $0x30, $0x38;
	[tilespmem:$0x1BE80] =	vst v63  }
0x6c: {  	_ =	swait.ge [sflag:s20], $0x30  }
0x6d: {  	[sflag:s20] =	ssyncset.done $0x0  }
0x6e: {  	s9 =	sadd.s32 s22, s17;
	[sflag:s20] =	ssyncadd.s32 $0xFFFFFFD0  }
0x6f: {  	[tilespmem:s29], [sflag:$0x3] =	stream.linear.gather [hbm4b:s9+s4], $0x30, $0x38;
	[tilespmem:$0x1BE80] =	vst v63  }
0x70: {  	_ =	swait.ge [sflag:s20], $0x30  }
0x71: {  	[sflag:s20] =	ssyncset.done $0x0  }
0x72: {  	[sflag:s20] =	ssyncadd.s32 $0xFFFFFFD0  }
0x73: {  	[tilespmem:s30], [sflag:$0x2] =	stream.indirect.gather [hbm4b:s5+s24], $0x80, s28, s24, $0xb8;
	[tilespmem:$0x1BE80] =	vst v63  }
0x74: {  	_ = 	snop  }
0x75: {  	[tilespmem:s31], [sflag:$0x2] =	stream.indirect.gather [hbm4b:s6+s24], $0x80, s29, s24, $0xb8;
	[tilespmem:$0x1BE80] =	vst v63  }
0x76: {  	_ =	swait.ge [sflag:s0], $0x1800  }
0x77: {  	[sflag:s0] =	ssyncset.done $0x0  }
0x78: {  	[sflag:s0] =	ssyncadd.s32 $0xFFFFE800  }
0x79: {  	_ =	swait.ge [sflag:s0], $0x1800  }
0x7a: {  	[sflag:s0] =	ssyncset.done $0x0  }
0x7b: {  	[sflag:s0] =	ssyncadd.s32 $0xFFFFE800  }
0x7c: {  	v0 =	vld [tilespmem:$0xA0]  }
0x7d: {  	v1 =	vld [tilespmem:$0x80]  }
0x7e: {  	v2 =	vld [tilespmem:$0x90];
	_ =	sdelay $0x2  }
0x7f: {  	v0 =	vshra.s32 v0, $0x4  }
0x80: {  	v1 =	vshra.s32 v1, $0x4;
	[tilespmem:$0x6220] =	vst v0  }
0x81: {  	[tilespmem:$0x6200] =	vst v1;
	v0 =	vshra.s32 v2, $0x4  }
0x82: {  	s9 =	sadd.s32 s22, s16;
	[tilespmem:$0x6210] =	vst v0  }
0x83: {  	[tilespmem:s4], [sflag:$0x3] =	stream.linear.gather [hbm4b:s9+s4], $0x30, $0x38;
	[tilespmem:$0x1BE80] =	vst v63  }
0x84: {  	_ =	swait.ge [sflag:s20], $0x30  }
0x85: {  	[sflag:s20] =	ssyncset.done $0x0  }
0x86: {  	s9 =	sadd.s32 s22, s15;
	[sflag:s20] =	ssyncadd.s32 $0xFFFFFFD0  }
0x87: {  	[tilespmem:s23], [sflag:$0x3] =	stream.linear.gather [hbm4b:s9+s4], $0x30, $0x38;
	[tilespmem:$0x1BE80] =	vst v63  }
0x88: {  	_ =	swait.ge [sflag:s20], $0x30  }
0x89: {  	[sflag:s20] =	ssyncset.done $0x0  }
0x8a: {  	[sflag:s20] =	ssyncadd.s32 $0xFFFFFFD0  }
0x8b: {  	[tilespmem:s25], [sflag:$0x1] =	stream.indirect.gather [hbm4b:s5+s24], $0x80, s4, s24, $0xb8;
	[tilespmem:$0x1BE80] =	vst v63  }
0x8c: {  	_ = 	snop  }
0x8d: {  	[tilespmem:s26], [sflag:$0x1] =	stream.indirect.gather [hbm4b:s6+s24], $0x80, s23, s24, $0xb8;
	[tilespmem:$0x1BE80] =	vst v63  }
0x8e: {  	_ =	swait.ge [sflag:s3], $0x1800  }
0x8f: {  	[sflag:s3] =	ssyncset.done $0x0  }
0x90: {  	[sflag:s3] =	ssyncadd.s32 $0xFFFFE800  }
0x91: {  	_ =	swait.ge [sflag:s3], $0x1800  }
.Ltmp0:
0x92: {  	[sflag:s3] =	ssyncset.done $0x0;
	(pc) =	sbr.rel @p0 .LBB2_2-.Ltmp0, $4  }
0x93: {  	[sflag:s3] =	ssyncadd.s32 $0xFFFFE800  }
0x94: {  	v1 =	vld [tilespmem:$0x31A0]  }
0x95: {  	v2 =	vld [tilespmem:$0x3180]  }
0x96: {  	v0 =	vld [tilespmem:$0x3190]  }
0x97: {  	_ =	sdelay $0x1  }
0x98: {  	v1 =	vshra.s32 v1, $0x4  }
0x99: {  	v2 =	vshra.s32 v2, $0x4;
	[tilespmem:$0x6220] =	vst v1  }
0x9a: {  	[tilespmem:$0x6200] =	vst v2;
	v0 =	vshra.s32 v0, $0x4  }
0x9b: {  	[tilespmem:$0x6210] =	vst v0  }
0x9c: {  	_ =	swait.ge [sflag:s0], $0x1800  }
0x9d: {  	[sflag:s0] =	ssyncset.done $0x0  }
0x9e: {  	[sflag:s0] =	ssyncadd.s32 $0xFFFFE800  }
0x9f: {  	_ =	swait.ge [sflag:s0], $0x1800  }
0xa0: {  	[sflag:s0] =	ssyncset.done $0x0  }
0xa1: {  	[sflag:s0] =	ssyncadd.s32 $0xFFFFE800  }
0xa2: {  	[bflag:$0x0] =	sbarrier.arrive $0xFFFF  }
0xa3: {  	[hbm:s12], [sflag:s8] =	dma.local [spmem:s19], $0x2800  }
0xa4: {  	s1 =	sadd.s32 $0x1, s1;
	_ =	swait.ge [sflag:s20], $0x2800  }
0xa5: {  	p0 =	sne.s32 s1, s14;
	[sflag:s20] =	ssyncset.done $0x0  }
.Ltmp1:
0xa6: {  	[sflag:s20] =	ssyncadd.s32 $0xFFFFD800;
	(pc) =	sbr.rel @p0 .LBB2_1-.Ltmp1, $4  }
0xa7: {  	[hbm:s13], [sflag:s8] =	dma.local [spmem:s2], $0x280  }
0xa8: {  	_ =	swait.ge [sflag:s20], $0x280  }
0xa9: {  	[sflag:s20] =	ssyncset.done $0x0  }
0xaa: {  	[sflag:s20] =	ssyncadd.s32 $0xFFFFFD80  }
0xab: {  	_ =	sfence.sel $0x180000  }
0xac: {  	[bflag:$0x0] =	sbarrier.arrive $0xFFFF  }
0xad: {  	_ =	strace $0x9000004A  }
0xae: {  	s0 =	stileid.u32;
	[bflag:$0x2] =	sbarrier.arrive $0xFFFF  }
0xaf: {  	p0 =	sne.s32 s0, $0x0;
	s0 =	rddreg [dreg:$0x5]  }
0xb0: {  	s0 =	sadd.s32 @!p0 $0x100000, s0  }
0xb1: {  	[sflag:s0] =	ssyncadd.tile.s32 @!p0 $0x1;
	_ =	shalt  }
.Lfunc_end2:
_tile_overlayer_lowered:
.L_overlay_start_2:
0xb2: {  	(tag) =	ssettag $0x2  }
0xb3: {  	s0 =	rddreg [dreg:$0x0];
	s2 =	stileid.u32  }
0xb4: {  	s1 =	rddreg [dreg:$0x1];
	p0 =	sne.s32 s2, $0x0  }
0xb5: {  	s3 =	rddreg [dreg:$0x2];
	[bflag:$0x3] =	sbarrier.arrive $0xFFFF;
	s2 =	simm.s32 @!p0 $0x1C03  }
0xb6: {  	[timem:s3], [sflag:s2] =	dma.local @!p0 [hbm:s0], s1  }
0xb7: {  	s0 =	simm.s32 @!p0 $0x3  }
0xb8: {  	_ =	swait.ge @!p0 [sflag:s0], s1  }
0xb9: {  	s1 =	ssub.s32 @!p0 $0x0, s1;
	[sflag:s0] =	ssyncset.done @!p0 $0x0  }
0xba: {  	[sflag:s0] =	ssyncadd.s32 @!p0 s1  }
0xbb: {  	[bflag:$0x3] =	sbarrier.arrive $0xFFFF  }
0xbc: {  	_ =	shalt  }

// kernel: kernel.15.cloned.1.call-start
scs
__scs_entry_jumppad:
0x0: {  	(pc) =	sbr.rel $0x88, $3  }
0x1: {  	(tag) =	ssettag $0x0;
	lr =	simm.s32 $0x1  }
0x2: {  	[smem:$0x3F8B] =	sst lr;
	_ =	strace $0xD0000000  }
0x3: {  	_ = 	snop  }
0x4: {  	_ = 	snop  }
0x5: {  	_ = 	snop  }
0x6: {  	_ = 	snop  }
0x7: {  	_ = 	snop  }
__scs_overlays_trampoline_lowered:
0x8: {  	[smem:$0x3F9A] =	sst s0  }
0x9: {  	[smem:$0x3F9B] =	sst s1  }
0xa: {  	[smem:$0x3F9C] =	sst s2  }
0xb: {  	[smem:$0x3F9D] =	sst s3  }
0xc: {  	[smem:$0x3F9E] =	sst s4  }
0xd: {  	[smem:$0x3F9F] =	sst s5  }
0xe: {  	[smem:$0x3FA0] =	sst s6  }
0xf: {  	[smem:$0x3FA1] =	sst s7  }
0x10: {  	[smem:$0x3FA2] =	sst s8  }
0x11: {  	[smem:$0x3FA3] =	sst s9;
	s0 =	simm.s32 @!p0 $0x0  }
0x12: {  	s1 =	sld [smem:$0x3F89];
	s0 =	simm.s32 @p0 $0x1  }
0x13: {  	[smem:$0x3FA4] =	sst s0;
	s0 =	simm.s32 @!p1 $0x0  }
0x14: {  	s2 =	sld [smem:$0x3F88];
	s0 =	simm.s32 @p1 $0x1  }
0x15: {  	[smem:$0x3FA5] =	sst s0;
	s0 =	simm.s32 @!p2 $0x0  }
0x16: {  	s3 =	sld [smem:$0x3FDB];
	s0 =	simm.s32 @p2 $0x1  }
0x17: {  	s4 =	simm.s32 $0x1BF5;
	[smem:$0x3FA7] =	sst s0  }
0x18: {  	s0 =	sld [smem:$0x3F8A];
	_ =	swait.ge [sflag:s4], $0x0  }
0x19: {  	s7 =	sld [smem:$0x3F8B]  }
0x1a: {  	s8 =	sadd.s32 $0xFFFFE003, lr  }
0x1b: {  	s9 =	sadd.s32 $0xFFFFFEF7, lr;
	s5 =	simm.s32 $0xFFFFFFFF;
	p2 =	slt.u32 s8, $0xFFFFF086  }
0x1c: {  	p1 =	slt.u32 s9, $0xF7A;
	s5 =	simm.s32 @!p2 $0x0  }
0x1d: {  	s5 =	simm.s32 @p1 $0x1;
	p0 =	seq.s32 s7, s2  }
0x1e: {  	s7 =	smul.u32 @!p0 $0xF7A, s2;
	p2 =	seq.s32 @!p0 s5, $0x0  }
0x1f: {  	s9 =	smul.u32 $0xF7A, s1;
	s8 =	simm.s32 @!p0 $0x1BF5;
	p2 =	por !p2, p0  }
0x20: {  	[sflag:s8] =	ssyncset.s32 @!p0 $0xFFFFF086;
	s6 =	sadd.s32 @!p0 s3, s7;
	s7 =	simm.s32 @!p0 $0x108  }
0x21: {  	s3 =	sadd.s32 s3, s9;
	s6 =	sadd.s32 @!p0 $0x88, s6;
	s7 =	simm.s32 @p2 $0x1082  }
0x22: {  	[simem:s7], [sflag:s8] =	dma.local @!p0 [hbm:s6], $0xF7A  }
0x23: {  	s9 =	sor.u32 $0xD0000000, s2;
	s6 =	simm.s32 $0x108;
	_ =	swait.ge @!p0 [sflag:s8], $0x0  }
0x24: {  	s3 =	sadd.s32 $0x88, s3;
	s6 =	simm.s32 @!p1 $0x1082;
	[sflag:s4] =	ssyncset.s32 $0xFFFFF086  }
0x25: {  	[simem:s6], [sflag:s4] =	dma.local [hbm:s3], $0xF7A  }
0x26: {  	[smem:$0x3F8B] =	sst s1;
	(tag) =	ssettag s2;
	_ =	strace s9  }
0x27: {  	s1 =	sld [smem:$0x3F9B]  }
0x28: {  	s2 =	sld [smem:$0x3F9C]  }
0x29: {  	s4 =	sld [smem:$0x3F9E]  }
0x2a: {  	p0 =	seq.s32 s5, $0x0;
	s5 =	sld [smem:$0x3F9F]  }
0x2b: {  	s6 =	sld [smem:$0x3FA0]  }
0x2c: {  	s7 =	sld [smem:$0x3FA1]  }
0x2d: {  	s3 =	simm.s32 $0x108;
	s8 =	sld [smem:$0x3FA2]  }
0x2e: {  	s3 =	simm.s32 @!p0 $0x1082;
	s9 =	sld [smem:$0x3FA3]  }
0x2f: {  	lr =	sadd.s32 s0, s3;
	s0 =	sld [smem:$0x3F9A]  }
0x30: {  	s3 =	sld [smem:$0x3F9D]  }
0x31: {  	[smem:$0x3FA6] =	sst s10  }
0x32: {  	s10 =	sld [smem:$0x3FA4];
	_ =	sdelay $0x3  }
0x33: {  	p0 =	seq.s32 s10, $0x1;
	s10 =	sld [smem:$0x3FA6];
	_ =	sdelay $0x3  }
0x34: {  	[smem:$0x3FA6] =	sst s10  }
0x35: {  	s10 =	sld [smem:$0x3FA5];
	_ =	sdelay $0x3  }
0x36: {  	p1 =	seq.s32 s10, $0x1;
	s10 =	sld [smem:$0x3FA6];
	_ =	sdelay $0x3  }
0x37: {  	[smem:$0x3FA6] =	sst s10  }
0x38: {  	s10 =	sld [smem:$0x3FA7]  }
0x39: {  	_ = 	snop;
	(pc) =	sbr.ind lr, $3  }
0x3a: {  	_ = 	snop  }
0x3b: {  	_ = 	snop  }
0x3c: {  	p2 =	seq.s32 s10, $0x1;
	s10 =	sld [smem:$0x3FA6]  }
0x3d: {  	_ =	shalt  }
0x3e: {  	_ =	shalt  }
0x3f: {  	_ =	shalt  }
0x40: {  	_ =	shalt  }
0x41: {  	_ =	shalt  }
0x42: {  	_ =	shalt  }
0x43: {  	_ =	shalt  }
0x44: {  	_ =	shalt  }
0x45: {  	_ =	shalt  }
0x46: {  	_ =	shalt  }
0x47: {  	_ =	shalt  }
0x48: {  	_ =	shalt  }
0x49: {  	_ =	shalt  }
0x4a: {  	_ =	shalt  }
0x4b: {  	_ =	shalt  }
0x4c: {  	_ =	shalt  }
0x4d: {  	_ =	shalt  }
0x4e: {  	_ =	shalt  }
0x4f: {  	_ =	shalt  }
0x50: {  	_ =	shalt  }
0x51: {  	_ =	shalt  }
0x52: {  	_ =	shalt  }
0x53: {  	_ =	shalt  }
0x54: {  	_ =	shalt  }
0x55: {  	_ =	shalt  }
0x56: {  	_ =	shalt  }
0x57: {  	_ =	shalt  }
0x58: {  	_ =	shalt  }
0x59: {  	_ =	shalt  }
0x5a: {  	_ =	shalt  }
0x5b: {  	_ =	shalt  }
0x5c: {  	_ =	shalt  }
0x5d: {  	_ =	shalt  }
0x5e: {  	_ =	shalt  }
0x5f: {  	_ =	shalt  }
0x60: {  	_ =	shalt  }
0x61: {  	_ =	shalt  }
0x62: {  	_ =	shalt  }
0x63: {  	_ =	shalt  }
0x64: {  	_ =	shalt  }
0x65: {  	_ =	shalt  }
0x66: {  	_ =	shalt  }
0x67: {  	_ =	shalt  }
0x68: {  	_ =	shalt  }
0x69: {  	_ =	shalt  }
0x6a: {  	_ =	shalt  }
0x6b: {  	_ =	shalt  }
0x6c: {  	_ =	shalt  }
0x6d: {  	_ =	shalt  }
0x6e: {  	_ =	shalt  }
0x6f: {  	_ =	shalt  }
0x70: {  	_ =	shalt  }
0x71: {  	_ =	shalt  }
0x72: {  	_ =	shalt  }
0x73: {  	_ =	shalt  }
0x74: {  	_ =	shalt  }
0x75: {  	_ =	shalt  }
0x76: {  	_ =	shalt  }
0x77: {  	_ =	shalt  }
0x78: {  	_ =	shalt  }
0x79: {  	_ =	shalt  }
0x7a: {  	_ =	shalt  }
0x7b: {  	_ =	shalt  }
0x7c: {  	_ =	shalt  }
0x7d: {  	_ =	shalt  }
0x7e: {  	_ =	shalt  }
0x7f: {  	_ =	shalt  }
0x80: {  	_ =	shalt  }
0x81: {  	_ =	shalt  }
0x82: {  	_ =	shalt  }
0x83: {  	_ =	shalt  }
0x84: {  	_ =	shalt  }
0x85: {  	_ =	shalt  }
0x86: {  	_ =	shalt  }
0x87: {  	_ =	shalt  }
.Lfunc_end0:
.L_simem_size_0:
called_computation.2_lowered:
.L_overlay_start_0:
0x88: {  	s2 =	sld [smem:$0x3FD9]  }
0x89: {  	s3 =	sld [smem:$0x3FFE];
	_ =	sdelay $0x1  }
0x8a: {  	s1 =	srdreg.scid  }
0x8b: {  	s0 =	sand.u32 $0x1, s1  }
0x8c: {  	s14 =	sshll.u32 s0, $0xA;
	s2 =	sadd.s32 s3, s2  }
0x8d: {  	s2 =	sadd.s32 s2, s14  }
0x8e: {  	[smem:$0x3FB2] =	sst s2  }
0x8f: {  	_ = 	snop  }
0x90: {  	s2 =	sld [smem:$0x3FD0];
	_ =	sdelay $0x2  }
0x91: {  	s4 =	simm.s32 $0xA;
	s5 =	simm.s32 $0x10;
	s15 =	sld [smem:$0x3FBD]  }
0x92: {  	[smem:s5], [sflag:s4] =	dma.local [hbm:s2], $0x1  }
0x93: {  	_ =	swait.eq [sflag:s4], $0x1  }
0x94: {  	[sflag:s4] =	ssyncset.done $0x0  }
0x95: {  	[sflag:s4] =	ssyncadd.s32 $0xFFFFFFFF  }
0x96: {  	s16 =	sld [smem:$0x11];
	(tm) =	ssettm $0x1  }
0x97: {  	s17 =	sld [smem:$0x3FFB];
	_ =	sdelay $0x3  }
0x98: {  	_ =	strace s17  }
0x99: {  	s4 =	sld [smem:$0x3FFC];
	_ =	sdelay $0x3  }
0x9a: {  	_ =	strace s4  }
0x9b: {  	s4 =	sld [smem:$0x3FFD];
	_ =	sdelay $0x3  }
0x9c: {  	_ =	strace s4  }
0x9d: {  	_ =	strace $0x8FFFFFFF  }
0x9e: {  	s18 =	sld [smem:$0x3FDB];
	_ =	sdelay $0x1  }
0x9f: {  	s19 =	simm.s32 $_scs_section_size  }
0xa0: {  	s6 =	simm.s32 $_size__tile_overlayer_lowered;
	s7 =	simm.s32 $_tile_overlayer_lowered  }
0xa1: {  	s22 =	simm.s32 $0x1BFF;
	s21 =	sshll.u32 s7, $0x1;
	s4 =	sadd.s32 s19, s18  }
0xa2: {  	s8 =	simm.s32 $0x0;
	s20 =	sshll.u32 s6, $0x1;
	s6 =	sadd.s32 s21, s4  }
0xa3: {  	[timem:s8], [sflag:s22] =	dma.local [hbm:s6], s20  }
0xa4: {  	_ =	swait.ge [sflag:s22], s20  }
0xa5: {  	s5 =	ssub.s32 $0x0, s20;
	[sflag:s22] =	ssyncset.done $0x0  }
0xa6: {  	[sflag:s22] =	ssyncadd.s32 s5;
	_ =	sdelay $0x1  }
0xa7: {  	s23 =	simm.s32 $0x1B8B  }
0xa8: {  	_ =	swait.ge [sflag:s23], $0x1  }
0xa9: {  	[sflag:s23] =	ssyncset.done $0x0  }
0xaa: {  	s25 =	simm.s32 $0x1B8E;
	s24 =	sld [smem:$0x3FFE];
	[sflag:s23] =	ssyncadd.s32 $0xFFFFFFFF  }
0xab: {  	s26 =	simm.s32 $execute0_lowered;
	[smem:$0x3FD2] =	sst s25  }
0xac: {  	s6 =	sshll.u32 s26, $0x1;
	_ =	strace $0x8000004C;
	[dreg:$0x1] =	wrdreg $0xFFFFFFFF  }
0xad: {  	s28 =	simm.s32 $_size_execute0_lowered;
	s4 =	sadd.s32 s4, s6;
	[dreg:$0x0] =	wrdreg $0x0  }
0xae: {  	s6 =	sshll.u32 s28, $0x1;
	[dreg:$0x2] =	wrdreg s4  }
0xaf: {  	[dreg:$0x3] =	wrdreg s6  }
0xb0: {  	[dreg:$0x4] =	wrdreg $0xC0  }
0xb1: {  	_ =	task [dreg:s8], $0x5FFFF  }
0xb2: {  	[dreg:$0x1] =	wrdreg $0xFFFFFFFF  }
0xb3: {  	[dreg:$0x0] =	wrdreg $0x60  }
0xb4: {  	[dreg:$0x2] =	wrdreg s24  }
0xb5: {  	[dreg:$0x3] =	wrdreg s15  }
0xb6: {  	[dreg:$0x4] =	wrdreg s16  }
0xb7: {  	[dreg:$0x5] =	wrdreg $0x6A800  }
0xb8: {  	[dreg:$0x6] =	wrdreg $0x1AA800  }
0xb9: {  	[dreg:$0x7] =	wrdreg $0x9  }
0xba: {  	_ =	task.clear_ibuf [dreg:s8], $0x8FFFF;
	_ =	strace $0x9000004C  }
0xbb: {  	s29 =	simm.s32 $0x9;
	_ =	strace $0x8000004E  }
0xbc: {  	_ =	swait.ge [sflag:s29], $0x1  }
0xbd: {  	[sflag:s29] =	ssyncadd.s32 $0xFFFFFFFF  }
0xbe: {  	_ =	strace $0x9000004E  }
0xbf: {  	_ =	sfence  }
0xc0: {  	s30 =	sld [smem:$0x0];
	_ =	sdelay $0x2  }
0xc1: {  	s31 =	sshll.u32 s1, $0xD;
	s1 =	sshrl.u32 s1, $0x2  }
0xc2: {  	s3 =	sand.u32 $0x4000, s31;
	s1 =	sadd.s32 s1, s30  }
0xc3: {  	s0 =	sor.u32 s3, s0;
	s1 =	sshll.u32 s1, $0x11  }
0xc4: {  	s0 =	sor.u32 s1, s0  }
0xc5: {  	s0 =	sadd.s32 $0x8F2B, s0  }
0xc6: {  	[sflag:s0] =	ssyncadd.remote.s32 $0x1  }
0xc7: {  	_ =	sfence.sel $0xFFFF  }
0xc8: {  	[dreg:$0x0] =	wrdreg $0xFFFFFFFF;
	(pc) =	sbr.abs _section_cstart, $3  }
0xc9: {  	[dreg:$0x1] =	wrdreg $0xFFFFFFFF  }
0xca: {  	_ =	task.clear_ibuf [dreg:s8], $0x2FFFF;
	_ =	strace $0x9FFFFFFF  }
0xcb: {  	(tm) =	ssettm $0x7FFFFFFF  }
tec
execute0_lowered:
.L_overlay_start_1:
0x0: {  	(tag) =	ssettag $0x1  }
0x1: {  	s0 =	rddreg [dreg:$0x0]  }
0x2: {  	s1 =	rddreg [dreg:$0x3]  }
0x3: {  	s2 =	rddreg [dreg:$0x4]  }
0x4: {  	s3 =	srdreg.scid;
	s4 =	simm.s32 $0x0;
	s15 =	stileid.u32  }
0x5: {  	s28 =	simm.s32 $0x3100;
	s29 =	simm.s32 $0x3180;
	s8 =	smul.u32 $0x14000, s15  }
0x6: {  	s30 =	simm.s32 $0x3200;
	s31 =	simm.s32 $0x4A00;
	s25 =	smul.u32 $0x1400, s15  }
0x7: {  	s3 =	sand.u32 $0x1, s3;
	[smem:$0x7FF] =	sst s4;
	s26 =	smul.u32 $0x50000, s15  }
0x8: {  	s5 =	sadd.s32 $0x2600, s0;
	s6 =	sadd.s32 $0x2A600, s0;
	s13 =	smul.u32 $0x5000, s15  }
0x9: {  	s18 =	sadd.s32 $0x52600, s0;
	s17 =	sadd.s32 $0x5CA00, s0;
	s21 =	smul.u32 $0x5200, s15  }
0xa: {  	s16 =	sshll.u32 s15, $0x1;
	s22 =	sshll.u32 s15, $0x6;
	s7 =	smul.u32 $0x140000, s3  }
0xb: {  	_ =	strace $0x8000004D;
	s9 =	smul.u32 $0x14000, s3;
	s11 =	ssub.s32 $0x2, s3  }
0xc: {  	s19 =	sshrl.u32 s11, $0x1;
	s20 =	sshrl.u32 s26, $0x2;
	s23 =	sshrl.u32 s13, $0x2  }
0xd: {  	s7 =	sadd.s32 s8, s7;
	s8 =	sadd.s32 s25, s9;
	s14 =	ssub.s32 s11, s19  }
0xe: {  	s1 =	sadd.s32 s20, s1;
	s2 =	sadd.s32 s23, s2;
	s20 =	simm.s32 $0x3  }
0xf: {  	s23 =	simm.s32 $0x80;
	s10 =	sshrl.u32 s7, $0x3;
	s7 =	sadd.s32 $0x66E00, s0  }
0x10: {  	s8 =	sshrl.u32 s8, $0x3;
	[dreg:$0x6] =	wrdreg s2;
	s14 =	smax.u32 s14, $0x1  }
0x11: {  	s19 =	sshrl.u32 s1, $0x3;
	s1 =	simm.s32 $0x0;
	s12 =	sadd.s32 s10, s0  }
0x12: {  	s10 =	sor.u32 s3, s16;
	s0 =	sadd.s32 s8, s0;
	s3 =	smul.u32 $0x2900, s3  }
0x13: {  	s8 =	sor.u32 $0x1C03, s22;
	s10 =	smul.u32 $0x2900, s10;
	s12 =	sadd.s32 $0x6E600, s12  }
0x14: {  	s13 =	sadd.s32 $0x69600, s0;
	s0 =	simm.s32 $0x1;
	s25 =	sadd.s32 s3, s21  }
0x15: {  	s24 =	sshrl.u32 s10, $0x3;
	s3 =	sor.u32 $0x60, s25;
	s2 =	sor.u32 $0x30, s25  }
0x16: {  	s25 =	simm.s32 $0x100;
	s10 =	sadd.s32 s18, s24;
	s11 =	sadd.s32 s17, s24  }
0x17: {  	s26 =	sshrl.u32 s3, $0x3;
	s2 =	sshrl.u32 s2, $0x3;
	s24 =	simm.s32 $0x30  }
0x18: {  	s3 =	simm.s32 $0x2;
	s15 =	sadd.s32 s26, s17;
	s16 =	sadd.s32 s26, s18  }
0x19: {  	s17 =	sadd.s32 s2, s17;
	s18 =	sadd.s32 s2, s18;
	s26 =	simm.s32 $0x1900  }
.LBB2_1:
0x1a: {  	[spmem:s19], [sflag:s8] =	dma.local [hbm:s7], $0x2800  }
0x1b: {  	_ =	swait.ge [sflag:s20], $0x2800  }
0x1c: {  	[sflag:s20] =	ssyncset.done $0x0;
	s2 =	rddreg [dreg:$0x6]  }
0x1d: {  	[sflag:s20] =	ssyncadd.s32 $0xFFFFD800;
	s2 =	sshrl.u32 s2, $0x3  }
0x1e: {  	[spmem:s2], [sflag:s8] =	dma.local [hbm:s7], $0x280  }
0x1f: {  	_ =	swait.ge [sflag:s20], $0x280  }
0x20: {  	[sflag:s20] =	ssyncset.done $0x0  }
0x21: {  	[sflag:s20] =	ssyncadd.s32 $0xFFFFFD80  }
0x22: {  	s21 =	simm.s32 $0x6280;
	s9 =	rddreg [dreg:$0x1]  }
0x23: {  	[tilespmem:s21], [sflag:$0x3] =	stream.linear.gather [hbm4b:s9+s4], $0x400, $0x38;
	[tilespmem:$0x1BE80] =	vst v63  }
0x24: {  	_ =	swait.ge [sflag:s20], $0x400  }
0x25: {  	[sflag:s20] =	ssyncset.done $0x0  }
0x26: {  	[sflag:s20] =	ssyncadd.s32 $0xFFFFFC00  }
0x27: {  	s22 =	simm.s32 $0x6680;
	s21 =	rddreg [dreg:$0x2]  }
0x28: {  	[tilespmem:s22], [sflag:$0x3] =	stream.linear.gather [hbm4b:s21+s4], $0x400, $0x38;
	[tilespmem:$0x1BE80] =	vst v63  }
0x29: {  	_ =	swait.ge [sflag:s20], $0x400  }
0x2a: {  	[sflag:s20] =	ssyncset.done $0x0  }
0x2b: {  	[sflag:s20] =	ssyncadd.s32 $0xFFFFFC00  }
0x2c: {  	[bflag:$0x0] =	sbarrier.arrive $0xFFFF  }
0x2d: {  	[tilespmem:s4], [sflag:$0x3] =	stream.linear.gather [hbm4b:s10+s4], $0x30, $0x38;
	[tilespmem:$0x1BE80] =	vst v63  }
0x2e: {  	_ =	swait.ge [sflag:s20], $0x30  }
0x2f: {  	[sflag:s20] =	ssyncset.done $0x0  }
0x30: {  	[sflag:s20] =	ssyncadd.s32 $0xFFFFFFD0  }
0x31: {  	[tilespmem:s23], [sflag:$0x3] =	stream.linear.gather [hbm4b:s11+s4], $0x30, $0x38;
	[tilespmem:$0x1BE80] =	vst v63  }
0x32: {  	_ =	swait.ge [sflag:s20], $0x30  }
0x33: {  	[sflag:s20] =	ssyncset.done $0x0  }
0x34: {  	[sflag:s20] =	ssyncadd.s32 $0xFFFFFFD0  }
0x35: {  	[tilespmem:s25], [sflag:$0x1] =	stream.indirect.gather [hbm4b:s5+s24], $0x80, s4, s24, $0xb8;
	[tilespmem:$0x1BE80] =	vst v63  }
0x36: {  	_ = 	snop  }
0x37: {  	[tilespmem:s26], [sflag:$0x1] =	stream.indirect.gather [hbm4b:s6+s24], $0x80, s23, s24, $0xb8;
	[tilespmem:$0x1BE80] =	vst v63  }
0x38: {  	s9 =	sadd.s32 $0x0, s18  }
0x39: {  	[tilespmem:s28], [sflag:$0x3] =	stream.linear.gather [hbm4b:s9+s4], $0x30, $0x38;
	[tilespmem:$0x1BE80] =	vst v63  }
0x3a: {  	_ =	swait.ge [sflag:s20], $0x30  }
0x3b: {  	[sflag:s20] =	ssyncset.done $0x0  }
0x3c: {  	s22 =	sadd.s32 $0x0, s17;
	[sflag:s20] =	ssyncadd.s32 $0xFFFFFFD0  }
0x3d: {  	[tilespmem:s29], [sflag:$0x3] =	stream.linear.gather [hbm4b:s22+s4], $0x30, $0x38;
	[tilespmem:$0x1BE80] =	vst v63  }
0x3e: {  	_ =	swait.ge [sflag:s20], $0x30  }
0x3f: {  	[sflag:s20] =	ssyncset.done $0x0  }
0x40: {  	[sflag:s20] =	ssyncadd.s32 $0xFFFFFFD0  }
0x41: {  	[tilespmem:s30], [sflag:$0x2] =	stream.indirect.gather [hbm4b:s5+s24], $0x80, s28, s24, $0xb8;
	[tilespmem:$0x1BE80] =	vst v63  }
0x42: {  	_ = 	snop  }
0x43: {  	[tilespmem:s31], [sflag:$0x2] =	stream.indirect.gather [hbm4b:s6+s24], $0x80, s29, s24, $0xb8;
	[tilespmem:$0x1BE80] =	vst v63  }
0x44: {  	_ =	swait.ge [sflag:s0], $0x1800  }
0x45: {  	[sflag:s0] =	ssyncset.done $0x0  }
0x46: {  	[sflag:s0] =	ssyncadd.s32 $0xFFFFE800  }
0x47: {  	_ =	swait.ge [sflag:s0], $0x1800  }
0x48: {  	[sflag:s0] =	ssyncset.done $0x0  }
0x49: {  	[sflag:s0] =	ssyncadd.s32 $0xFFFFE800  }
0x4a: {  	v0 =	vld [tilespmem:$0xA0]  }
0x4b: {  	v1 =	vld [tilespmem:$0x80]  }
0x4c: {  	v2 =	vld [tilespmem:$0x90];
	_ =	sdelay $0x2  }
0x4d: {  	v0 =	vshra.s32 v0, $0x4  }
0x4e: {  	v1 =	vshra.s32 v1, $0x4;
	[tilespmem:$0x6220] =	vst v0  }
0x4f: {  	[tilespmem:$0x6200] =	vst v1;
	v0 =	vshra.s32 v2, $0x4  }
0x50: {  	s9 =	sadd.s32 $0x0, s16;
	[tilespmem:$0x6210] =	vst v0  }
0x51: {  	[tilespmem:s4], [sflag:$0x3] =	stream.linear.gather [hbm4b:s9+s4], $0x30, $0x38;
	[tilespmem:$0x1BE80] =	vst v63  }
0x52: {  	_ =	swait.ge [sflag:s20], $0x30  }
0x53: {  	[sflag:s20] =	ssyncset.done $0x0  }
0x54: {  	s22 =	sadd.s32 $0x0, s15;
	[sflag:s20] =	ssyncadd.s32 $0xFFFFFFD0  }
0x55: {  	[tilespmem:s23], [sflag:$0x3] =	stream.linear.gather [hbm4b:s22+s4], $0x30, $0x38;
	[tilespmem:$0x1BE80] =	vst v63  }
0x56: {  	_ =	swait.ge [sflag:s20], $0x30  }
0x57: {  	[sflag:s20] =	ssyncset.done $0x0  }
0x58: {  	[sflag:s20] =	ssyncadd.s32 $0xFFFFFFD0  }
0x59: {  	[tilespmem:s25], [sflag:$0x1] =	stream.indirect.gather [hbm4b:s5+s24], $0x80, s4, s24, $0xb8;
	[tilespmem:$0x1BE80] =	vst v63  }
0x5a: {  	_ = 	snop  }
0x5b: {  	[tilespmem:s26], [sflag:$0x1] =	stream.indirect.gather [hbm4b:s6+s24], $0x80, s23, s24, $0xb8;
	[tilespmem:$0x1BE80] =	vst v63  }
0x5c: {  	_ =	swait.ge [sflag:s3], $0x1800  }
0x5d: {  	[sflag:s3] =	ssyncset.done $0x0  }
0x5e: {  	[sflag:s3] =	ssyncadd.s32 $0xFFFFE800  }
0x5f: {  	_ =	swait.ge [sflag:s3], $0x1800  }
0x60: {  	[sflag:s3] =	ssyncset.done $0x0  }
0x61: {  	[sflag:s3] =	ssyncadd.s32 $0xFFFFE800  }
0x62: {  	v1 =	vld [tilespmem:$0x31A0]  }
0x63: {  	v2 =	vld [tilespmem:$0x3180]  }
0x64: {  	s21 =	simm.s32 $0xC;
	v0 =	vld [tilespmem:$0x3190]  }
.LBB2_2:
0x65: {  	_ = 	snop  }
0x66: {  	p0 =	sne.s32 s21, $0x504;
	s22 =	smov.u32 s21;
	s21 =	sadd.s32 $0xC, s21  }
0x67: {  	v1 =	vshra.s32 v1, $0x4  }
0x68: {  	v2 =	vshra.s32 v2, $0x4;
	[tilespmem:$0x6220] =	vst v1  }
0x69: {  	[tilespmem:$0x6200] =	vst v2;
	v0 =	vshra.s32 v0, $0x4  }
0x6a: {  	s9 =	sadd.s32 s22, s18;
	[tilespmem:$0x6210] =	vst v0  }
0x6b: {  	[tilespmem:s28], [sflag:$0x3] =	stream.linear.gather [hbm4b:s9+s4], $0x30, $0x38;
	[tilespmem:$0x1BE80] =	vst v63  }
0x6c: {  	_ =	swait.ge [sflag:s20], $0x30  }
0x6d: {  	[sflag:s20] =	ssyncset.done $0x0  }
0x6e: {  	s9 =	sadd.s32 s22, s17;
	[sflag:s20] =	ssyncadd.s32 $0xFFFFFFD0  }
0x6f: {  	[tilespmem:s29], [sflag:$0x3] =	stream.linear.gather [hbm4b:s9+s4], $0x30, $0x38;
	[tilespmem:$0x1BE80] =	vst v63  }
0x70: {  	_ =	swait.ge [sflag:s20], $0x30  }
0x71: {  	[sflag:s20] =	ssyncset.done $0x0  }
0x72: {  	[sflag:s20] =	ssyncadd.s32 $0xFFFFFFD0  }
0x73: {  	[tilespmem:s30], [sflag:$0x2] =	stream.indirect.gather [hbm4b:s5+s24], $0x80, s28, s24, $0xb8;
	[tilespmem:$0x1BE80] =	vst v63  }
0x74: {  	_ = 	snop  }
0x75: {  	[tilespmem:s31], [sflag:$0x2] =	stream.indirect.gather [hbm4b:s6+s24], $0x80, s29, s24, $0xb8;
	[tilespmem:$0x1BE80] =	vst v63  }
0x76: {  	_ =	swait.ge [sflag:s0], $0x1800  }
0x77: {  	[sflag:s0] =	ssyncset.done $0x0  }
0x78: {  	[sflag:s0] =	ssyncadd.s32 $0xFFFFE800  }
0x79: {  	_ =	swait.ge [sflag:s0], $0x1800  }
0x7a: {  	[sflag:s0] =	ssyncset.done $0x0  }
0x7b: {  	[sflag:s0] =	ssyncadd.s32 $0xFFFFE800  }
0x7c: {  	v0 =	vld [tilespmem:$0xA0]  }
0x7d: {  	v1 =	vld [tilespmem:$0x80]  }
0x7e: {  	v2 =	vld [tilespmem:$0x90];
	_ =	sdelay $0x2  }
0x7f: {  	v0 =	vshra.s32 v0, $0x4  }
0x80: {  	v1 =	vshra.s32 v1, $0x4;
	[tilespmem:$0x6220] =	vst v0  }
0x81: {  	[tilespmem:$0x6200] =	vst v1;
	v0 =	vshra.s32 v2, $0x4  }
0x82: {  	s9 =	sadd.s32 s22, s16;
	[tilespmem:$0x6210] =	vst v0  }
0x83: {  	[tilespmem:s4], [sflag:$0x3] =	stream.linear.gather [hbm4b:s9+s4], $0x30, $0x38;
	[tilespmem:$0x1BE80] =	vst v63  }
0x84: {  	_ =	swait.ge [sflag:s20], $0x30  }
0x85: {  	[sflag:s20] =	ssyncset.done $0x0  }
0x86: {  	s9 =	sadd.s32 s22, s15;
	[sflag:s20] =	ssyncadd.s32 $0xFFFFFFD0  }
0x87: {  	[tilespmem:s23], [sflag:$0x3] =	stream.linear.gather [hbm4b:s9+s4], $0x30, $0x38;
	[tilespmem:$0x1BE80] =	vst v63  }
0x88: {  	_ =	swait.ge [sflag:s20], $0x30  }
0x89: {  	[sflag:s20] =	ssyncset.done $0x0  }
0x8a: {  	[sflag:s20] =	ssyncadd.s32 $0xFFFFFFD0  }
0x8b: {  	[tilespmem:s25], [sflag:$0x1] =	stream.indirect.gather [hbm4b:s5+s24], $0x80, s4, s24, $0xb8;
	[tilespmem:$0x1BE80] =	vst v63  }
0x8c: {  	_ = 	snop  }
0x8d: {  	[tilespmem:s26], [sflag:$0x1] =	stream.indirect.gather [hbm4b:s6+s24], $0x80, s23, s24, $0xb8;
	[tilespmem:$0x1BE80] =	vst v63  }
0x8e: {  	_ =	swait.ge [sflag:s3], $0x1800  }
0x8f: {  	[sflag:s3] =	ssyncset.done $0x0  }
0x90: {  	[sflag:s3] =	ssyncadd.s32 $0xFFFFE800  }
0x91: {  	_ =	swait.ge [sflag:s3], $0x1800  }
.Ltmp0:
0x92: {  	[sflag:s3] =	ssyncset.done $0x0;
	(pc) =	sbr.rel @p0 .LBB2_2-.Ltmp0, $4  }
0x93: {  	[sflag:s3] =	ssyncadd.s32 $0xFFFFE800  }
0x94: {  	v1 =	vld [tilespmem:$0x31A0]  }
0x95: {  	v2 =	vld [tilespmem:$0x3180]  }
0x96: {  	v0 =	vld [tilespmem:$0x3190]  }
0x97: {  	_ =	sdelay $0x1  }
0x98: {  	v1 =	vshra.s32 v1, $0x4  }
0x99: {  	v2 =	vshra.s32 v2, $0x4;
	[tilespmem:$0x6220] =	vst v1  }
0x9a: {  	[tilespmem:$0x6200] =	vst v2;
	v0 =	vshra.s32 v0, $0x4  }
0x9b: {  	[tilespmem:$0x6210] =	vst v0  }
0x9c: {  	_ =	swait.ge [sflag:s0], $0x1800  }
0x9d: {  	[sflag:s0] =	ssyncset.done $0x0  }
0x9e: {  	[sflag:s0] =	ssyncadd.s32 $0xFFFFE800  }
0x9f: {  	_ =	swait.ge [sflag:s0], $0x1800  }
0xa0: {  	[sflag:s0] =	ssyncset.done $0x0  }
0xa1: {  	[sflag:s0] =	ssyncadd.s32 $0xFFFFE800  }
0xa2: {  	[bflag:$0x0] =	sbarrier.arrive $0xFFFF  }
0xa3: {  	[hbm:s12], [sflag:s8] =	dma.local [spmem:s19], $0x2800  }
0xa4: {  	s1 =	sadd.s32 $0x1, s1;
	_ =	swait.ge [sflag:s20], $0x2800  }
0xa5: {  	p0 =	sne.s32 s1, s14;
	[sflag:s20] =	ssyncset.done $0x0  }
.Ltmp1:
0xa6: {  	[sflag:s20] =	ssyncadd.s32 $0xFFFFD800;
	(pc) =	sbr.rel @p0 .LBB2_1-.Ltmp1, $4  }
0xa7: {  	[hbm:s13], [sflag:s8] =	dma.local [spmem:s2], $0x280  }
0xa8: {  	_ =	swait.ge [sflag:s20], $0x280  }
0xa9: {  	[sflag:s20] =	ssyncset.done $0x0  }
0xaa: {  	[sflag:s20] =	ssyncadd.s32 $0xFFFFFD80  }
0xab: {  	_ =	sfence.sel $0x180000  }
0xac: {  	[bflag:$0x0] =	sbarrier.arrive $0xFFFF  }
0xad: {  	_ =	strace $0x9000004D  }
0xae: {  	s0 =	stileid.u32;
	[bflag:$0x2] =	sbarrier.arrive $0xFFFF  }
0xaf: {  	p0 =	sne.s32 s0, $0x0;
	s0 =	rddreg [dreg:$0x5]  }
0xb0: {  	s0 =	sadd.s32 @!p0 $0x100000, s0  }
0xb1: {  	[sflag:s0] =	ssyncadd.tile.s32 @!p0 $0x1;
	_ =	shalt  }
.Lfunc_end2:
_tile_overlayer_lowered:
.L_overlay_start_2:
0xb2: {  	(tag) =	ssettag $0x2  }
0xb3: {  	s0 =	rddreg [dreg:$0x0];
	s2 =	stileid.u32  }
0xb4: {  	s1 =	rddreg [dreg:$0x1];
	p0 =	sne.s32 s2, $0x0  }
0xb5: {  	s3 =	rddreg [dreg:$0x2];
	[bflag:$0x3] =	sbarrier.arrive $0xFFFF;
	s2 =	simm.s32 @!p0 $0x1C03  }
0xb6: {  	[timem:s3], [sflag:s2] =	dma.local @!p0 [hbm:s0], s1  }
0xb7: {  	s0 =	simm.s32 @!p0 $0x3  }
0xb8: {  	_ =	swait.ge @!p0 [sflag:s0], s1  }
0xb9: {  	s1 =	ssub.s32 @!p0 $0x0, s1;
	[sflag:s0] =	ssyncset.done @!p0 $0x0  }
0xba: {  	[sflag:s0] =	ssyncadd.s32 @!p0 s1  }
0xbb: {  	[bflag:$0x3] =	sbarrier.arrive $0xFFFF  }
0xbc: {  	_ =	shalt  }

// kernel: kernel.9.cloned.1.call-start
scs
__scs_entry_jumppad:
0x0: {  	(pc) =	sbr.rel $0x88, $3  }
0x1: {  	(tag) =	ssettag $0x0;
	lr =	simm.s32 $0x1  }
0x2: {  	[smem:$0x3F8B] =	sst lr;
	_ =	strace $0xD0000000  }
0x3: {  	_ = 	snop  }
0x4: {  	_ = 	snop  }
0x5: {  	_ = 	snop  }
0x6: {  	_ = 	snop  }
0x7: {  	_ = 	snop  }
__scs_overlays_trampoline_lowered:
0x8: {  	[smem:$0x3F9A] =	sst s0  }
0x9: {  	[smem:$0x3F9B] =	sst s1  }
0xa: {  	[smem:$0x3F9C] =	sst s2  }
0xb: {  	[smem:$0x3F9D] =	sst s3  }
0xc: {  	[smem:$0x3F9E] =	sst s4  }
0xd: {  	[smem:$0x3F9F] =	sst s5  }
0xe: {  	[smem:$0x3FA0] =	sst s6  }
0xf: {  	[smem:$0x3FA1] =	sst s7  }
0x10: {  	[smem:$0x3FA2] =	sst s8  }
0x11: {  	[smem:$0x3FA3] =	sst s9;
	s0 =	simm.s32 @!p0 $0x0  }
0x12: {  	s1 =	sld [smem:$0x3F89];
	s0 =	simm.s32 @p0 $0x1  }
0x13: {  	[smem:$0x3FA4] =	sst s0;
	s0 =	simm.s32 @!p1 $0x0  }
0x14: {  	s2 =	sld [smem:$0x3F88];
	s0 =	simm.s32 @p1 $0x1  }
0x15: {  	[smem:$0x3FA5] =	sst s0;
	s0 =	simm.s32 @!p2 $0x0  }
0x16: {  	s3 =	sld [smem:$0x3FDB];
	s0 =	simm.s32 @p2 $0x1  }
0x17: {  	s4 =	simm.s32 $0x1BF5;
	[smem:$0x3FA7] =	sst s0  }
0x18: {  	s0 =	sld [smem:$0x3F8A];
	_ =	swait.ge [sflag:s4], $0x0  }
0x19: {  	s7 =	sld [smem:$0x3F8B]  }
0x1a: {  	s8 =	sadd.s32 $0xFFFFE003, lr  }
0x1b: {  	s9 =	sadd.s32 $0xFFFFFEF7, lr;
	s5 =	simm.s32 $0xFFFFFFFF;
	p2 =	slt.u32 s8, $0xFFFFF086  }
0x1c: {  	p1 =	slt.u32 s9, $0xF7A;
	s5 =	simm.s32 @!p2 $0x0  }
0x1d: {  	s5 =	simm.s32 @p1 $0x1;
	p0 =	seq.s32 s7, s2  }
0x1e: {  	s7 =	smul.u32 @!p0 $0xF7A, s2;
	p2 =	seq.s32 @!p0 s5, $0x0  }
0x1f: {  	s9 =	smul.u32 $0xF7A, s1;
	s8 =	simm.s32 @!p0 $0x1BF5;
	p2 =	por !p2, p0  }
0x20: {  	[sflag:s8] =	ssyncset.s32 @!p0 $0xFFFFF086;
	s6 =	sadd.s32 @!p0 s3, s7;
	s7 =	simm.s32 @!p0 $0x108  }
0x21: {  	s3 =	sadd.s32 s3, s9;
	s6 =	sadd.s32 @!p0 $0x88, s6;
	s7 =	simm.s32 @p2 $0x1082  }
0x22: {  	[simem:s7], [sflag:s8] =	dma.local @!p0 [hbm:s6], $0xF7A  }
0x23: {  	s9 =	sor.u32 $0xD0000000, s2;
	s6 =	simm.s32 $0x108;
	_ =	swait.ge @!p0 [sflag:s8], $0x0  }
0x24: {  	s3 =	sadd.s32 $0x88, s3;
	s6 =	simm.s32 @!p1 $0x1082;
	[sflag:s4] =	ssyncset.s32 $0xFFFFF086  }
0x25: {  	[simem:s6], [sflag:s4] =	dma.local [hbm:s3], $0xF7A  }
0x26: {  	[smem:$0x3F8B] =	sst s1;
	(tag) =	ssettag s2;
	_ =	strace s9  }
0x27: {  	s1 =	sld [smem:$0x3F9B]  }
0x28: {  	s2 =	sld [smem:$0x3F9C]  }
0x29: {  	s4 =	sld [smem:$0x3F9E]  }
0x2a: {  	p0 =	seq.s32 s5, $0x0;
	s5 =	sld [smem:$0x3F9F]  }
0x2b: {  	s6 =	sld [smem:$0x3FA0]  }
0x2c: {  	s7 =	sld [smem:$0x3FA1]  }
0x2d: {  	s3 =	simm.s32 $0x108;
	s8 =	sld [smem:$0x3FA2]  }
0x2e: {  	s3 =	simm.s32 @!p0 $0x1082;
	s9 =	sld [smem:$0x3FA3]  }
0x2f: {  	lr =	sadd.s32 s0, s3;
	s0 =	sld [smem:$0x3F9A]  }
0x30: {  	s3 =	sld [smem:$0x3F9D]  }
0x31: {  	[smem:$0x3FA6] =	sst s10  }
0x32: {  	s10 =	sld [smem:$0x3FA4];
	_ =	sdelay $0x3  }
0x33: {  	p0 =	seq.s32 s10, $0x1;
	s10 =	sld [smem:$0x3FA6];
	_ =	sdelay $0x3  }
0x34: {  	[smem:$0x3FA6] =	sst s10  }
0x35: {  	s10 =	sld [smem:$0x3FA5];
	_ =	sdelay $0x3  }
0x36: {  	p1 =	seq.s32 s10, $0x1;
	s10 =	sld [smem:$0x3FA6];
	_ =	sdelay $0x3  }
0x37: {  	[smem:$0x3FA6] =	sst s10  }
0x38: {  	s10 =	sld [smem:$0x3FA7]  }
0x39: {  	_ = 	snop;
	(pc) =	sbr.ind lr, $3  }
0x3a: {  	_ = 	snop  }
0x3b: {  	_ = 	snop  }
0x3c: {  	p2 =	seq.s32 s10, $0x1;
	s10 =	sld [smem:$0x3FA6]  }
0x3d: {  	_ =	shalt  }
0x3e: {  	_ =	shalt  }
0x3f: {  	_ =	shalt  }
0x40: {  	_ =	shalt  }
0x41: {  	_ =	shalt  }
0x42: {  	_ =	shalt  }
0x43: {  	_ =	shalt  }
0x44: {  	_ =	shalt  }
0x45: {  	_ =	shalt  }
0x46: {  	_ =	shalt  }
0x47: {  	_ =	shalt  }
0x48: {  	_ =	shalt  }
0x49: {  	_ =	shalt  }
0x4a: {  	_ =	shalt  }
0x4b: {  	_ =	shalt  }
0x4c: {  	_ =	shalt  }
0x4d: {  	_ =	shalt  }
0x4e: {  	_ =	shalt  }
0x4f: {  	_ =	shalt  }
0x50: {  	_ =	shalt  }
0x51: {  	_ =	shalt  }
0x52: {  	_ =	shalt  }
0x53: {  	_ =	shalt  }
0x54: {  	_ =	shalt  }
0x55: {  	_ =	shalt  }
0x56: {  	_ =	shalt  }
0x57: {  	_ =	shalt  }
0x58: {  	_ =	shalt  }
0x59: {  	_ =	shalt  }
0x5a: {  	_ =	shalt  }
0x5b: {  	_ =	shalt  }
0x5c: {  	_ =	shalt  }
0x5d: {  	_ =	shalt  }
0x5e: {  	_ =	shalt  }
0x5f: {  	_ =	shalt  }
0x60: {  	_ =	shalt  }
0x61: {  	_ =	shalt  }
0x62: {  	_ =	shalt  }
0x63: {  	_ =	shalt  }
0x64: {  	_ =	shalt  }
0x65: {  	_ =	shalt  }
0x66: {  	_ =	shalt  }
0x67: {  	_ =	shalt  }
0x68: {  	_ =	shalt  }
0x69: {  	_ =	shalt  }
0x6a: {  	_ =	shalt  }
0x6b: {  	_ =	shalt  }
0x6c: {  	_ =	shalt  }
0x6d: {  	_ =	shalt  }
0x6e: {  	_ =	shalt  }
0x6f: {  	_ =	shalt  }
0x70: {  	_ =	shalt  }
0x71: {  	_ =	shalt  }
0x72: {  	_ =	shalt  }
0x73: {  	_ =	shalt  }
0x74: {  	_ =	shalt  }
0x75: {  	_ =	shalt  }
0x76: {  	_ =	shalt  }
0x77: {  	_ =	shalt  }
0x78: {  	_ =	shalt  }
0x79: {  	_ =	shalt  }
0x7a: {  	_ =	shalt  }
0x7b: {  	_ =	shalt  }
0x7c: {  	_ =	shalt  }
0x7d: {  	_ =	shalt  }
0x7e: {  	_ =	shalt  }
0x7f: {  	_ =	shalt  }
0x80: {  	_ =	shalt  }
0x81: {  	_ =	shalt  }
0x82: {  	_ =	shalt  }
0x83: {  	_ =	shalt  }
0x84: {  	_ =	shalt  }
0x85: {  	_ =	shalt  }
0x86: {  	_ =	shalt  }
0x87: {  	_ =	shalt  }
.Lfunc_end0:
.L_simem_size_0:
called_computation_lowered:
.L_overlay_start_0:
0x88: {  	s2 =	sld [smem:$0x3FD9]  }
0x89: {  	s3 =	sld [smem:$0x3FFE];
	_ =	sdelay $0x1  }
0x8a: {  	s1 =	srdreg.scid  }
0x8b: {  	s0 =	sand.u32 $0x1, s1  }
0x8c: {  	s14 =	sshll.u32 s0, $0xA;
	s2 =	sadd.s32 s3, s2  }
0x8d: {  	s2 =	sadd.s32 s2, s14  }
0x8e: {  	[smem:$0x3FB2] =	sst s2  }
0x8f: {  	_ = 	snop  }
0x90: {  	s2 =	sld [smem:$0x3FD0];
	_ =	sdelay $0x2  }
0x91: {  	s4 =	simm.s32 $0xA;
	s5 =	simm.s32 $0x10;
	s15 =	sld [smem:$0x3FC5]  }
0x92: {  	[smem:s5], [sflag:s4] =	dma.local [hbm:s2], $0x1  }
0x93: {  	_ =	swait.eq [sflag:s4], $0x1  }
0x94: {  	[sflag:s4] =	ssyncset.done $0x0  }
0x95: {  	[sflag:s4] =	ssyncadd.s32 $0xFFFFFFFF  }
0x96: {  	s16 =	sld [smem:$0x11];
	(tm) =	ssettm $0x1  }
0x97: {  	s17 =	sld [smem:$0x3FFB];
	_ =	sdelay $0x3  }
0x98: {  	_ =	strace s17  }
0x99: {  	s4 =	sld [smem:$0x3FFC];
	_ =	sdelay $0x3  }
0x9a: {  	_ =	strace s4  }
0x9b: {  	s4 =	sld [smem:$0x3FFD];
	_ =	sdelay $0x3  }
0x9c: {  	_ =	strace s4  }
0x9d: {  	_ =	strace $0x8FFFFFFF  }
0x9e: {  	s18 =	sld [smem:$0x3FDB];
	_ =	sdelay $0x1  }
0x9f: {  	s19 =	simm.s32 $_scs_section_size  }
0xa0: {  	s6 =	simm.s32 $_size__tile_overlayer_lowered;
	s7 =	simm.s32 $_tile_overlayer_lowered  }
0xa1: {  	s22 =	simm.s32 $0x1BFF;
	s21 =	sshll.u32 s7, $0x1;
	s4 =	sadd.s32 s19, s18  }
0xa2: {  	s8 =	simm.s32 $0x0;
	s20 =	sshll.u32 s6, $0x1;
	s6 =	sadd.s32 s21, s4  }
0xa3: {  	[timem:s8], [sflag:s22] =	dma.local [hbm:s6], s20  }
0xa4: {  	_ =	swait.ge [sflag:s22], s20  }
0xa5: {  	s5 =	ssub.s32 $0x0, s20;
	[sflag:s22] =	ssyncset.done $0x0  }
0xa6: {  	[sflag:s22] =	ssyncadd.s32 s5;
	_ =	sdelay $0x1  }
0xa7: {  	s23 =	simm.s32 $0x1B8B  }
0xa8: {  	_ =	swait.ge [sflag:s23], $0x1  }
0xa9: {  	[sflag:s23] =	ssyncset.done $0x0  }
0xaa: {  	s25 =	simm.s32 $0x1B8E;
	s24 =	sld [smem:$0x3FFE];
	[sflag:s23] =	ssyncadd.s32 $0xFFFFFFFF  }
0xab: {  	s26 =	simm.s32 $execute0_lowered;
	[smem:$0x3FD2] =	sst s25  }
0xac: {  	s6 =	sshll.u32 s26, $0x1;
	_ =	strace $0x80000046;
	[dreg:$0x1] =	wrdreg $0xFFFFFFFF  }
0xad: {  	s28 =	simm.s32 $_size_execute0_lowered;
	s4 =	sadd.s32 s4, s6;
	[dreg:$0x0] =	wrdreg $0x0  }
0xae: {  	s6 =	sshll.u32 s28, $0x1;
	[dreg:$0x2] =	wrdreg s4  }
0xaf: {  	[dreg:$0x3] =	wrdreg s6  }
0xb0: {  	[dreg:$0x4] =	wrdreg $0xC0  }
0xb1: {  	_ =	task [dreg:s8], $0x5FFFF  }
0xb2: {  	[dreg:$0x1] =	wrdreg $0xFFFFFFFF  }
0xb3: {  	[dreg:$0x0] =	wrdreg $0x60  }
0xb4: {  	[dreg:$0x2] =	wrdreg s24  }
0xb5: {  	[dreg:$0x3] =	wrdreg s15  }
0xb6: {  	[dreg:$0x4] =	wrdreg s16  }
0xb7: {  	[dreg:$0x5] =	wrdreg $0x6A800  }
0xb8: {  	[dreg:$0x6] =	wrdreg $0x1AA800  }
0xb9: {  	[dreg:$0x7] =	wrdreg $0x9  }
0xba: {  	_ =	task.clear_ibuf [dreg:s8], $0x8FFFF;
	_ =	strace $0x90000046  }
0xbb: {  	s29 =	simm.s32 $0x9;
	_ =	strace $0x80000048  }
0xbc: {  	_ =	swait.ge [sflag:s29], $0x1  }
0xbd: {  	[sflag:s29] =	ssyncadd.s32 $0xFFFFFFFF  }
0xbe: {  	_ =	strace $0x90000048  }
0xbf: {  	_ =	sfence  }
0xc0: {  	s30 =	sld [smem:$0x0];
	_ =	sdelay $0x2  }
0xc1: {  	s31 =	sshll.u32 s1, $0xD;
	s1 =	sshrl.u32 s1, $0x2  }
0xc2: {  	s3 =	sand.u32 $0x4000, s31;
	s1 =	sadd.s32 s1, s30  }
0xc3: {  	s0 =	sor.u32 s3, s0;
	s1 =	sshll.u32 s1, $0x11  }
0xc4: {  	s0 =	sor.u32 s1, s0  }
0xc5: {  	s0 =	sadd.s32 $0x8F2B, s0  }
0xc6: {  	[sflag:s0] =	ssyncadd.remote.s32 $0x1  }
0xc7: {  	_ =	sfence.sel $0xFFFF  }
0xc8: {  	[dreg:$0x0] =	wrdreg $0xFFFFFFFF;
	(pc) =	sbr.abs _section_cstart, $3  }
0xc9: {  	[dreg:$0x1] =	wrdreg $0xFFFFFFFF  }
0xca: {  	_ =	task.clear_ibuf [dreg:s8], $0x2FFFF;
	_ =	strace $0x9FFFFFFF  }
0xcb: {  	(tm) =	ssettm $0x7FFFFFFF  }
tec
execute0_lowered:
.L_overlay_start_1:
0x0: {  	(tag) =	ssettag $0x1  }
0x1: {  	s0 =	rddreg [dreg:$0x0]  }
0x2: {  	s1 =	rddreg [dreg:$0x3]  }
0x3: {  	s2 =	rddreg [dreg:$0x4]  }
0x4: {  	s3 =	srdreg.scid;
	s4 =	simm.s32 $0x0;
	s15 =	stileid.u32  }
0x5: {  	s28 =	simm.s32 $0x3100;
	s29 =	simm.s32 $0x3180;
	s8 =	smul.u32 $0x14000, s15  }
0x6: {  	s30 =	simm.s32 $0x3200;
	s31 =	simm.s32 $0x4A00;
	s25 =	smul.u32 $0x1400, s15  }
0x7: {  	s3 =	sand.u32 $0x1, s3;
	[smem:$0x7FF] =	sst s4;
	s26 =	smul.u32 $0x50000, s15  }
0x8: {  	s5 =	sadd.s32 $0x2600, s0;
	s6 =	sadd.s32 $0x2A600, s0;
	s13 =	smul.u32 $0x5000, s15  }
0x9: {  	s18 =	sadd.s32 $0x52600, s0;
	s17 =	sadd.s32 $0x5CA00, s0;
	s21 =	smul.u32 $0x5200, s15  }
0xa: {  	s16 =	sshll.u32 s15, $0x1;
	s22 =	sshll.u32 s15, $0x6;
	s7 =	smul.u32 $0x140000, s3  }
0xb: {  	_ =	strace $0x80000047;
	s9 =	smul.u32 $0x14000, s3;
	s11 =	ssub.s32 $0x2, s3  }
0xc: {  	s19 =	sshrl.u32 s11, $0x1;
	s20 =	sshrl.u32 s26, $0x2;
	s23 =	sshrl.u32 s13, $0x2  }
0xd: {  	s7 =	sadd.s32 s8, s7;
	s8 =	sadd.s32 s25, s9;
	s14 =	ssub.s32 s11, s19  }
0xe: {  	s1 =	sadd.s32 s20, s1;
	s2 =	sadd.s32 s23, s2;
	s20 =	simm.s32 $0x3  }
0xf: {  	s23 =	simm.s32 $0x80;
	s10 =	sshrl.u32 s7, $0x3;
	s7 =	sadd.s32 $0x66E00, s0  }
0x10: {  	s8 =	sshrl.u32 s8, $0x3;
	[dreg:$0x6] =	wrdreg s2;
	s14 =	smax.u32 s14, $0x1  }
0x11: {  	s19 =	sshrl.u32 s1, $0x3;
	s1 =	simm.s32 $0x0;
	s12 =	sadd.s32 s10, s0  }
0x12: {  	s10 =	sor.u32 s3, s16;
	s0 =	sadd.s32 s8, s0;
	s3 =	smul.u32 $0x2900, s3  }
0x13: {  	s8 =	sor.u32 $0x1C03, s22;
	s10 =	smul.u32 $0x2900, s10;
	s12 =	sadd.s32 $0x6E600, s12  }
0x14: {  	s13 =	sadd.s32 $0x69600, s0;
	s0 =	simm.s32 $0x1;
	s25 =	sadd.s32 s3, s21  }
0x15: {  	s24 =	sshrl.u32 s10, $0x3;
	s3 =	sor.u32 $0x60, s25;
	s2 =	sor.u32 $0x30, s25  }
0x16: {  	s25 =	simm.s32 $0x100;
	s10 =	sadd.s32 s18, s24;
	s11 =	sadd.s32 s17, s24  }
0x17: {  	s26 =	sshrl.u32 s3, $0x3;
	s2 =	sshrl.u32 s2, $0x3;
	s24 =	simm.s32 $0x30  }
0x18: {  	s3 =	simm.s32 $0x2;
	s15 =	sadd.s32 s26, s17;
	s16 =	sadd.s32 s26, s18  }
0x19: {  	s17 =	sadd.s32 s2, s17;
	s18 =	sadd.s32 s2, s18;
	s26 =	simm.s32 $0x1900  }
.LBB2_1:
0x1a: {  	[spmem:s19], [sflag:s8] =	dma.local [hbm:s7], $0x2800  }
0x1b: {  	_ =	swait.ge [sflag:s20], $0x2800  }
0x1c: {  	[sflag:s20] =	ssyncset.done $0x0;
	s2 =	rddreg [dreg:$0x6]  }
0x1d: {  	[sflag:s20] =	ssyncadd.s32 $0xFFFFD800;
	s2 =	sshrl.u32 s2, $0x3  }
0x1e: {  	[spmem:s2], [sflag:s8] =	dma.local [hbm:s7], $0x280  }
0x1f: {  	_ =	swait.ge [sflag:s20], $0x280  }
0x20: {  	[sflag:s20] =	ssyncset.done $0x0  }
0x21: {  	[sflag:s20] =	ssyncadd.s32 $0xFFFFFD80  }
0x22: {  	s21 =	simm.s32 $0x6280;
	s9 =	rddreg [dreg:$0x1]  }
0x23: {  	[tilespmem:s21], [sflag:$0x3] =	stream.linear.gather [hbm4b:s9+s4], $0x400, $0x38;
	[tilespmem:$0x1BE80] =	vst v63  }
0x24: {  	_ =	swait.ge [sflag:s20], $0x400  }
0x25: {  	[sflag:s20] =	ssyncset.done $0x0  }
0x26: {  	[sflag:s20] =	ssyncadd.s32 $0xFFFFFC00  }
0x27: {  	s22 =	simm.s32 $0x6680;
	s21 =	rddreg [dreg:$0x2]  }
0x28: {  	[tilespmem:s22], [sflag:$0x3] =	stream.linear.gather [hbm4b:s21+s4], $0x400, $0x38;
	[tilespmem:$0x1BE80] =	vst v63  }
0x29: {  	_ =	swait.ge [sflag:s20], $0x400  }
0x2a: {  	[sflag:s20] =	ssyncset.done $0x0  }
0x2b: {  	[sflag:s20] =	ssyncadd.s32 $0xFFFFFC00  }
0x2c: {  	[bflag:$0x0] =	sbarrier.arrive $0xFFFF  }
0x2d: {  	[tilespmem:s4], [sflag:$0x3] =	stream.linear.gather [hbm4b:s10+s4], $0x30, $0x38;
	[tilespmem:$0x1BE80] =	vst v63  }
0x2e: {  	_ =	swait.ge [sflag:s20], $0x30  }
0x2f: {  	[sflag:s20] =	ssyncset.done $0x0  }
0x30: {  	[sflag:s20] =	ssyncadd.s32 $0xFFFFFFD0  }
0x31: {  	[tilespmem:s23], [sflag:$0x3] =	stream.linear.gather [hbm4b:s11+s4], $0x30, $0x38;
	[tilespmem:$0x1BE80] =	vst v63  }
0x32: {  	_ =	swait.ge [sflag:s20], $0x30  }
0x33: {  	[sflag:s20] =	ssyncset.done $0x0  }
0x34: {  	[sflag:s20] =	ssyncadd.s32 $0xFFFFFFD0  }
0x35: {  	[tilespmem:s25], [sflag:$0x1] =	stream.indirect.gather [hbm4b:s5+s24], $0x80, s4, s24, $0xb8;
	[tilespmem:$0x1BE80] =	vst v63  }
0x36: {  	_ = 	snop  }
0x37: {  	[tilespmem:s26], [sflag:$0x1] =	stream.indirect.gather [hbm4b:s6+s24], $0x80, s23, s24, $0xb8;
	[tilespmem:$0x1BE80] =	vst v63  }
0x38: {  	s9 =	sadd.s32 $0x0, s18  }
0x39: {  	[tilespmem:s28], [sflag:$0x3] =	stream.linear.gather [hbm4b:s9+s4], $0x30, $0x38;
	[tilespmem:$0x1BE80] =	vst v63  }
0x3a: {  	_ =	swait.ge [sflag:s20], $0x30  }
0x3b: {  	[sflag:s20] =	ssyncset.done $0x0  }
0x3c: {  	s22 =	sadd.s32 $0x0, s17;
	[sflag:s20] =	ssyncadd.s32 $0xFFFFFFD0  }
0x3d: {  	[tilespmem:s29], [sflag:$0x3] =	stream.linear.gather [hbm4b:s22+s4], $0x30, $0x38;
	[tilespmem:$0x1BE80] =	vst v63  }
0x3e: {  	_ =	swait.ge [sflag:s20], $0x30  }
0x3f: {  	[sflag:s20] =	ssyncset.done $0x0  }
0x40: {  	[sflag:s20] =	ssyncadd.s32 $0xFFFFFFD0  }
0x41: {  	[tilespmem:s30], [sflag:$0x2] =	stream.indirect.gather [hbm4b:s5+s24], $0x80, s28, s24, $0xb8;
	[tilespmem:$0x1BE80] =	vst v63  }
0x42: {  	_ = 	snop  }
0x43: {  	[tilespmem:s31], [sflag:$0x2] =	stream.indirect.gather [hbm4b:s6+s24], $0x80, s29, s24, $0xb8;
	[tilespmem:$0x1BE80] =	vst v63  }
0x44: {  	_ =	swait.ge [sflag:s0], $0x1800  }
0x45: {  	[sflag:s0] =	ssyncset.done $0x0  }
0x46: {  	[sflag:s0] =	ssyncadd.s32 $0xFFFFE800  }
0x47: {  	_ =	swait.ge [sflag:s0], $0x1800  }
0x48: {  	[sflag:s0] =	ssyncset.done $0x0  }
0x49: {  	[sflag:s0] =	ssyncadd.s32 $0xFFFFE800  }
0x4a: {  	v0 =	vld [tilespmem:$0xA0]  }
0x4b: {  	v1 =	vld [tilespmem:$0x80]  }
0x4c: {  	v2 =	vld [tilespmem:$0x90];
	_ =	sdelay $0x2  }
0x4d: {  	v0 =	vshra.s32 v0, $0x4  }
0x4e: {  	v1 =	vshra.s32 v1, $0x4;
	[tilespmem:$0x6220] =	vst v0  }
0x4f: {  	[tilespmem:$0x6200] =	vst v1;
	v0 =	vshra.s32 v2, $0x4  }
0x50: {  	s9 =	sadd.s32 $0x0, s16;
	[tilespmem:$0x6210] =	vst v0  }
0x51: {  	[tilespmem:s4], [sflag:$0x3] =	stream.linear.gather [hbm4b:s9+s4], $0x30, $0x38;
	[tilespmem:$0x1BE80] =	vst v63  }
0x52: {  	_ =	swait.ge [sflag:s20], $0x30  }
0x53: {  	[sflag:s20] =	ssyncset.done $0x0  }
0x54: {  	s22 =	sadd.s32 $0x0, s15;
	[sflag:s20] =	ssyncadd.s32 $0xFFFFFFD0  }
0x55: {  	[tilespmem:s23], [sflag:$0x3] =	stream.linear.gather [hbm4b:s22+s4], $0x30, $0x38;
	[tilespmem:$0x1BE80] =	vst v63  }
0x56: {  	_ =	swait.ge [sflag:s20], $0x30  }
0x57: {  	[sflag:s20] =	ssyncset.done $0x0  }
0x58: {  	[sflag:s20] =	ssyncadd.s32 $0xFFFFFFD0  }
0x59: {  	[tilespmem:s25], [sflag:$0x1] =	stream.indirect.gather [hbm4b:s5+s24], $0x80, s4, s24, $0xb8;
	[tilespmem:$0x1BE80] =	vst v63  }
0x5a: {  	_ = 	snop  }
0x5b: {  	[tilespmem:s26], [sflag:$0x1] =	stream.indirect.gather [hbm4b:s6+s24], $0x80, s23, s24, $0xb8;
	[tilespmem:$0x1BE80] =	vst v63  }
0x5c: {  	_ =	swait.ge [sflag:s3], $0x1800  }
0x5d: {  	[sflag:s3] =	ssyncset.done $0x0  }
0x5e: {  	[sflag:s3] =	ssyncadd.s32 $0xFFFFE800  }
0x5f: {  	_ =	swait.ge [sflag:s3], $0x1800  }
0x60: {  	[sflag:s3] =	ssyncset.done $0x0  }
0x61: {  	[sflag:s3] =	ssyncadd.s32 $0xFFFFE800  }
0x62: {  	v1 =	vld [tilespmem:$0x31A0]  }
0x63: {  	v2 =	vld [tilespmem:$0x3180]  }
0x64: {  	s21 =	simm.s32 $0xC;
	v0 =	vld [tilespmem:$0x3190]  }
.LBB2_2:
0x65: {  	_ = 	snop  }
0x66: {  	p0 =	sne.s32 s21, $0x504;
	s22 =	smov.u32 s21;
	s21 =	sadd.s32 $0xC, s21  }
0x67: {  	v1 =	vshra.s32 v1, $0x4  }
0x68: {  	v2 =	vshra.s32 v2, $0x4;
	[tilespmem:$0x6220] =	vst v1  }
0x69: {  	[tilespmem:$0x6200] =	vst v2;
	v0 =	vshra.s32 v0, $0x4  }
0x6a: {  	s9 =	sadd.s32 s22, s18;
	[tilespmem:$0x6210] =	vst v0  }
0x6b: {  	[tilespmem:s28], [sflag:$0x3] =	stream.linear.gather [hbm4b:s9+s4], $0x30, $0x38;
	[tilespmem:$0x1BE80] =	vst v63  }
0x6c: {  	_ =	swait.ge [sflag:s20], $0x30  }
0x6d: {  	[sflag:s20] =	ssyncset.done $0x0  }
0x6e: {  	s9 =	sadd.s32 s22, s17;
	[sflag:s20] =	ssyncadd.s32 $0xFFFFFFD0  }
0x6f: {  	[tilespmem:s29], [sflag:$0x3] =	stream.linear.gather [hbm4b:s9+s4], $0x30, $0x38;
	[tilespmem:$0x1BE80] =	vst v63  }
0x70: {  	_ =	swait.ge [sflag:s20], $0x30  }
0x71: {  	[sflag:s20] =	ssyncset.done $0x0  }
0x72: {  	[sflag:s20] =	ssyncadd.s32 $0xFFFFFFD0  }
0x73: {  	[tilespmem:s30], [sflag:$0x2] =	stream.indirect.gather [hbm4b:s5+s24], $0x80, s28, s24, $0xb8;
	[tilespmem:$0x1BE80] =	vst v63  }
0x74: {  	_ = 	snop  }
0x75: {  	[tilespmem:s31], [sflag:$0x2] =	stream.indirect.gather [hbm4b:s6+s24], $0x80, s29, s24, $0xb8;
	[tilespmem:$0x1BE80] =	vst v63  }
0x76: {  	_ =	swait.ge [sflag:s0], $0x1800  }
0x77: {  	[sflag:s0] =	ssyncset.done $0x0  }
0x78: {  	[sflag:s0] =	ssyncadd.s32 $0xFFFFE800  }
0x79: {  	_ =	swait.ge [sflag:s0], $0x1800  }
0x7a: {  	[sflag:s0] =	ssyncset.done $0x0  }
0x7b: {  	[sflag:s0] =	ssyncadd.s32 $0xFFFFE800  }
0x7c: {  	v0 =	vld [tilespmem:$0xA0]  }
0x7d: {  	v1 =	vld [tilespmem:$0x80]  }
0x7e: {  	v2 =	vld [tilespmem:$0x90];
	_ =	sdelay $0x2  }
0x7f: {  	v0 =	vshra.s32 v0, $0x4  }
0x80: {  	v1 =	vshra.s32 v1, $0x4;
	[tilespmem:$0x6220] =	vst v0  }
0x81: {  	[tilespmem:$0x6200] =	vst v1;
	v0 =	vshra.s32 v2, $0x4  }
0x82: {  	s9 =	sadd.s32 s22, s16;
	[tilespmem:$0x6210] =	vst v0  }
0x83: {  	[tilespmem:s4], [sflag:$0x3] =	stream.linear.gather [hbm4b:s9+s4], $0x30, $0x38;
	[tilespmem:$0x1BE80] =	vst v63  }
0x84: {  	_ =	swait.ge [sflag:s20], $0x30  }
0x85: {  	[sflag:s20] =	ssyncset.done $0x0  }
0x86: {  	s9 =	sadd.s32 s22, s15;
	[sflag:s20] =	ssyncadd.s32 $0xFFFFFFD0  }
0x87: {  	[tilespmem:s23], [sflag:$0x3] =	stream.linear.gather [hbm4b:s9+s4], $0x30, $0x38;
	[tilespmem:$0x1BE80] =	vst v63  }
0x88: {  	_ =	swait.ge [sflag:s20], $0x30  }
0x89: {  	[sflag:s20] =	ssyncset.done $0x0  }
0x8a: {  	[sflag:s20] =	ssyncadd.s32 $0xFFFFFFD0  }
0x8b: {  	[tilespmem:s25], [sflag:$0x1] =	stream.indirect.gather [hbm4b:s5+s24], $0x80, s4, s24, $0xb8;
	[tilespmem:$0x1BE80] =	vst v63  }
0x8c: {  	_ = 	snop  }
0x8d: {  	[tilespmem:s26], [sflag:$0x1] =	stream.indirect.gather [hbm4b:s6+s24], $0x80, s23, s24, $0xb8;
	[tilespmem:$0x1BE80] =	vst v63  }
0x8e: {  	_ =	swait.ge [sflag:s3], $0x1800  }
0x8f: {  	[sflag:s3] =	ssyncset.done $0x0  }
0x90: {  	[sflag:s3] =	ssyncadd.s32 $0xFFFFE800  }
0x91: {  	_ =	swait.ge [sflag:s3], $0x1800  }
.Ltmp0:
0x92: {  	[sflag:s3] =	ssyncset.done $0x0;
	(pc) =	sbr.rel @p0 .LBB2_2-.Ltmp0, $4  }
0x93: {  	[sflag:s3] =	ssyncadd.s32 $0xFFFFE800  }
0x94: {  	v1 =	vld [tilespmem:$0x31A0]  }
0x95: {  	v2 =	vld [tilespmem:$0x3180]  }
0x96: {  	v0 =	vld [tilespmem:$0x3190]  }
0x97: {  	_ =	sdelay $0x1  }
0x98: {  	v1 =	vshra.s32 v1, $0x4  }
0x99: {  	v2 =	vshra.s32 v2, $0x4;
	[tilespmem:$0x6220] =	vst v1  }
0x9a: {  	[tilespmem:$0x6200] =	vst v2;
	v0 =	vshra.s32 v0, $0x4  }
0x9b: {  	[tilespmem:$0x6210] =	vst v0  }
0x9c: {  	_ =	swait.ge [sflag:s0], $0x1800  }
0x9d: {  	[sflag:s0] =	ssyncset.done $0x0  }
0x9e: {  	[sflag:s0] =	ssyncadd.s32 $0xFFFFE800  }
0x9f: {  	_ =	swait.ge [sflag:s0], $0x1800  }
0xa0: {  	[sflag:s0] =	ssyncset.done $0x0  }
0xa1: {  	[sflag:s0] =	ssyncadd.s32 $0xFFFFE800  }
0xa2: {  	[bflag:$0x0] =	sbarrier.arrive $0xFFFF  }
0xa3: {  	[hbm:s12], [sflag:s8] =	dma.local [spmem:s19], $0x2800  }
0xa4: {  	s1 =	sadd.s32 $0x1, s1;
	_ =	swait.ge [sflag:s20], $0x2800  }
0xa5: {  	p0 =	sne.s32 s1, s14;
	[sflag:s20] =	ssyncset.done $0x0  }
.Ltmp1:
0xa6: {  	[sflag:s20] =	ssyncadd.s32 $0xFFFFD800;
	(pc) =	sbr.rel @p0 .LBB2_1-.Ltmp1, $4  }
0xa7: {  	[hbm:s13], [sflag:s8] =	dma.local [spmem:s2], $0x280  }
0xa8: {  	_ =	swait.ge [sflag:s20], $0x280  }
0xa9: {  	[sflag:s20] =	ssyncset.done $0x0  }
0xaa: {  	[sflag:s20] =	ssyncadd.s32 $0xFFFFFD80  }
0xab: {  	_ =	sfence.sel $0x180000  }
0xac: {  	[bflag:$0x0] =	sbarrier.arrive $0xFFFF  }
0xad: {  	_ =	strace $0x90000047  }
0xae: {  	s0 =	stileid.u32;
	[bflag:$0x2] =	sbarrier.arrive $0xFFFF  }
0xaf: {  	p0 =	sne.s32 s0, $0x0;
	s0 =	rddreg [dreg:$0x5]  }
0xb0: {  	s0 =	sadd.s32 @!p0 $0x100000, s0  }
0xb1: {  	[sflag:s0] =	ssyncadd.tile.s32 @!p0 $0x1;
	_ =	shalt  }
.Lfunc_end2:
_tile_overlayer_lowered:
.L_overlay_start_2:
0xb2: {  	(tag) =	ssettag $0x2  }
0xb3: {  	s0 =	rddreg [dreg:$0x0];
	s2 =	stileid.u32  }
0xb4: {  	s1 =	rddreg [dreg:$0x1];
	p0 =	sne.s32 s2, $0x0  }
0xb5: {  	s3 =	rddreg [dreg:$0x2];
	[bflag:$0x3] =	sbarrier.arrive $0xFFFF;
	s2 =	simm.s32 @!p0 $0x1C03  }
0xb6: {  	[timem:s3], [sflag:s2] =	dma.local @!p0 [hbm:s0], s1  }
0xb7: {  	s0 =	simm.s32 @!p0 $0x3  }
0xb8: {  	_ =	swait.ge @!p0 [sflag:s0], s1  }
0xb9: {  	s1 =	ssub.s32 @!p0 $0x0, s1;
	[sflag:s0] =	ssyncset.done @!p0 $0x0  }
0xba: {  	[sflag:s0] =	ssyncadd.s32 @!p0 s1  }
0xbb: {  	[bflag:$0x3] =	sbarrier.arrive $0xFFFF  }
0xbc: {  	_ =	shalt  }

</sc_bundles>
